<compile_context>
chip_gen: v7x
topology: tpu7x:2x2x1
jax: 0.10.2.dev20260603
libtpu: 0.0.44.dev20260713+nightly
codegen_flags: <defaults>
</compile_context>

<pallas_src>
import functools

import jax
import jax.numpy as jnp
from jax import lax
from jax.experimental import pallas as pl
from jax.experimental.pallas import tpu as pltpu
from jax.experimental.pallas import tpu_sc as plsc

BATCH = 256
N_OUT = BATCH // 2
LAM = 0.3
OML = 1.0 - LAM

IROWS = 3 * 224 * 224
NC = 2
NS = 16
NW = NC * NS
RPW = IROWS // NW
R = 112
NSTEPS = RPW // R
OG = N_OUT // 16

TROWS = 1024
TPW = TROWS // NW


def _mix_rows(pas, pbs, src, dst, nrows):
    @plsc.parallel_loop(0, nrows, 1, unroll=2)
    def _row(r):
        srow = ((r >> 3) << 11) + ((r & 7) << 7)
        for v in range(OG):
            a = plsc.load_gather(src, [pas[v] + srow])
            b = plsc.load_gather(src, [pbs[v] + srow])
            dst[pl.ds(r * N_OUT + v * 16, 16)] = a * LAM + b * OML


def _body(x, tgt, gidx, out_img, out_tgt, gv_v, abuf0, abuf1, obuf0, obuf1,
          tbuf, tobuf, si0, si1, so0, so1):
    wid = lax.axis_index("s") * NC + lax.axis_index("c")
    pltpu.sync_copy(gidx, gv_v)
    pas = []
    pbs = []
    for v in range(OG):
        ga = gv_v[0, pl.ds(v * 16, 16)]
        gb = gv_v[0, pl.ds(N_OUT + v * 16, 16)]
        pas.append(((ga >> 7) << 10) + (ga & 127))
        pbs.append(((gb >> 7) << 10) + (gb & 127))

    tb = wid * TPW
    pltpu.sync_copy(tgt.at[pl.ds(tb * BATCH, TPW * BATCH)], tbuf)
    _mix_rows(pas, pbs, tbuf, tobuf, TPW)
    pltpu.sync_copy(tobuf, out_tgt.at[pl.ds(tb * N_OUT, TPW * N_OUT)])

    wbase = wid * RPW
    abufs, obufs, sis, sos = (abuf0, abuf1), (obuf0, obuf1), (si0, si1), (so0, so1)

    for k in range(2):
        pltpu.async_copy(x.at[pl.ds((wbase + k * R) * BATCH, R * BATCH)],
                         abufs[k], sis[k])

    def _pair(tt, carry):
        for k in range(2):
            s = tt * 2 + k
            base = wbase + s * R
            pltpu.make_async_copy(x.at[pl.ds(base * BATCH, R * BATCH)],
                                  abufs[k], sis[k]).wait()

            @pl.when(tt > 0)
            def _drain():
                pltpu.make_async_copy(obufs[k],
                                      out_img.at[pl.ds(base * N_OUT, R * N_OUT)],
                                      sos[k]).wait()

            _mix_rows(pas, pbs, abufs[k], obufs[k], R)
            pltpu.async_copy(obufs[k], out_img.at[pl.ds(base * N_OUT, R * N_OUT)],
                             sos[k])

            @pl.when(tt < NSTEPS // 2 - 1)
            def _prefetch():
                pltpu.async_copy(x.at[pl.ds((base + 2 * R) * BATCH, R * BATCH)],
                                 abufs[k], sis[k])
        return carry

    lax.fori_loop(0, NSTEPS // 2, _pair, 0)
    for k in range(2):
        last = wbase + (NSTEPS - 2 + k) * R
        pltpu.make_async_copy(obufs[k],
                              out_img.at[pl.ds(last * N_OUT, R * N_OUT)],
                              sos[k]).wait()


def _phys_flat(mat2d):
    rows = mat2d.shape[0]
    return (mat2d.reshape(rows // 8, 8, 2, 128)
            .transpose(0, 2, 1, 3).reshape(-1))


@jax.jit
def _mixup(batch_image, batch_target, batch_group):
    order = jnp.argsort(batch_group, stable=True)
    idx0 = order[:N_OUT]
    idx1 = order[N_OUT:]
    perm0 = jax.random.permutation(jax.random.key(1), N_OUT)
    perm1 = jax.random.permutation(jax.random.key(2), N_OUT)
    g0 = idx0[perm0].astype(jnp.int32)
    g1 = idx1[perm1].astype(jnp.int32)
    gidx = jnp.concatenate([g0, g1]).reshape(1, 2 * N_OUT)

    x_t = batch_image.transpose(1, 2, 3, 0).reshape(IROWS, BATCH)
    x1 = _phys_flat(x_t)
    tgt_t = batch_target.T
    tgt_pad = jnp.pad(tgt_t, ((0, TROWS - tgt_t.shape[0]), (0, 0)))
    tgt1 = _phys_flat(tgt_pad)

    mesh = plsc.VectorSubcoreMesh(core_axis_name="c", subcore_axis_name="s")
    out_img, out_tgt = functools.partial(
        pl.kernel,
        mesh=mesh,
        compiler_params=pltpu.CompilerParams(use_tc_tiling_on_sc=True,
                                             needs_layout_passes=False),
        out_type=(
            jax.ShapeDtypeStruct((IROWS * N_OUT,), jnp.float32),
            jax.ShapeDtypeStruct((TROWS * N_OUT,), jnp.float32),
        ),
        scratch_types=[
            pltpu.VMEM((1, 2 * N_OUT), jnp.int32),
            pltpu.VMEM((R * BATCH,), jnp.float32),
            pltpu.VMEM((R * BATCH,), jnp.float32),
            pltpu.VMEM((R * N_OUT,), jnp.float32),
            pltpu.VMEM((R * N_OUT,), jnp.float32),
            pltpu.VMEM((TPW * BATCH,), jnp.float32),
            pltpu.VMEM((TPW * N_OUT,), jnp.float32),
            pltpu.SemaphoreType.DMA,
            pltpu.SemaphoreType.DMA,
            pltpu.SemaphoreType.DMA,
            pltpu.SemaphoreType.DMA,
        ],
    )(_body)(x1, tgt1, gidx)

    inputs_mix = out_img.reshape(3, 224, 224, N_OUT).transpose(3, 0, 1, 2)
    targets_mix = out_tgt.reshape(TROWS, N_OUT)[: batch_target.shape[1]].T
    return inputs_mix, targets_mix


def kernel(batch_image, batch_target, batch_group):
    return _mixup(batch_image, batch_target, batch_group)

# --- scband reference (transcript-rebuilt; emitter-appended) ---
"""Pipeline reference for scband-mixup-in-turn-12378095747659 (READ-ONLY COPY).

The authoritative reference and input builder live on the scoring server;
editing this copy changes nothing except your own understanding.
"""

import jax, jax.numpy as jnp
import numpy as np

NUM_GROUP = 4
NUM_SA = 2  # int(log2(NUM_GROUP))
B = 256


def setup_inputs(seed: int = 0) -> dict:
    key = jax.random.key(seed)
    k1, k2 = jax.random.split(key)
    batch_image = jax.random.normal(k1, (B, 3, 224, 224), dtype=jnp.float32)
    batch_target = jax.random.uniform(k2, (B, 1000), dtype=jnp.float32)
    # Deterministic balanced group assignment (values in [0, NUM_GROUP)) so that
    # group-0-half and group-1-half each contain exactly B/2 samples -> static shapes.
    batch_group = (jnp.arange(B) % NUM_GROUP).astype(jnp.int32)
    return {"batch_image": batch_image, "batch_target": batch_target, "batch_group": batch_group}


def reference(batch_image, batch_target, batch_group):
    # MixupInTurn.forward with _steps == 0 -> iter = 0 (split groups on most-significant bit)
    it = 0
    binaries = [format(i, '0' + str(NUM_SA) + 'b') for i in range(NUM_GROUP)]
    group_size = batch_group.shape[0] // NUM_GROUP
    idx0 = jnp.concatenate([jnp.nonzero(batch_group == int(b, 2), size=group_size)[0] for b in binaries if b[it] == '0'])
    idx1 = jnp.concatenate([jnp.nonzero(batch_group == int(b, 2), size=group_size)[0] for b in binaries if b[it] == '1'])
    perm0 = jax.random.permutation(jax.random.key(1), idx0.shape[0])
    perm1 = jax.random.permutation(jax.random.key(2), idx1.shape[0])
    group_image_0 = batch_image[idx0][perm0]
    group_target_0 = batch_target[idx0][perm0]
    group_image_1 = batch_image[idx1][perm1]
    group_target_1 = batch_target[idx1][perm1]
    # Mixup._mixup_once: convex combination of the two groups (truncate to min length),
    # with a fixed mixing coefficient lam for determinism.
    lam = 0.3
    n = min(group_image_0.shape[0], group_image_1.shape[0])
    inputs_mix = lam * group_image_0[:n] + (1.0 - lam) * group_image_1[:n]
    targets_mix = lam * group_target_0[:n] + (1.0 - lam) * group_target_1[:n]
    return inputs_mix, targets_mix

if __name__ == "__main__":
    import jax
    _d = setup_inputs()
    print(jax.jit(kernel)(*tuple(_d.values())))

</pallas_src>

<mosaic_0001>
#map = affine_map<(d0, d1) -> (0)>
#map1 = affine_map<(d0, d1) -> (0, 0)>
module attributes {stable_mosaic.version = 14 : i64} {
  func.func @_body(%arg0: i32, %arg1: i32, %arg2: memref<38535168xf32, #tpu.memory_space<hbm>>, %arg3: memref<262144xf32, #tpu.memory_space<hbm>>, %arg4: memref<1x256xi32, #tpu.memory_space<hbm>>, %arg5: memref<19267584xf32, #tpu.memory_space<hbm>>, %arg6: memref<131072xf32, #tpu.memory_space<hbm>>, %arg7: memref<1x256xi32, #tpu.memory_space<vmem>>, %arg8: memref<28672xf32, #tpu.memory_space<vmem>>, %arg9: memref<28672xf32, #tpu.memory_space<vmem>>, %arg10: memref<14336xf32, #tpu.memory_space<vmem>>, %arg11: memref<14336xf32, #tpu.memory_space<vmem>>, %arg12: memref<8192xf32, #tpu.memory_space<vmem>>, %arg13: memref<4096xf32, #tpu.memory_space<vmem>>, %arg14: memref<!tpu.dma_semaphore, #tpu.memory_space<semaphore_mem>>, %arg15: memref<!tpu.dma_semaphore, #tpu.memory_space<semaphore_mem>>, %arg16: memref<!tpu.dma_semaphore, #tpu.memory_space<semaphore_mem>>, %arg17: memref<!tpu.dma_semaphore, #tpu.memory_space<semaphore_mem>>) attributes {dimension_semantics = [#tpu.dimension_semantics<core_parallel>, #tpu.dimension_semantics<subcore_parallel>], iteration_bounds = array<i64: 2, 16>, scalar_prefetch = 0 : i64, scratch_operands = 11 : i64, tpu.core_type = #tpu.core_type<sc_vector_subcore>, window_params = [{transform_indices = #map}, {transform_indices = #map}, {transform_indices = #map1}, {transform_indices = #map}, {transform_indices = #map}]} {
    %mul3A = arith.constant 2 : i32
    %mul3A_0 = arith.muli %arg1, %mul3A : i32
    %add3A = arith.addi %mul3A_0, %arg0 : i32
    "tpu.region"() ({
      %run_scoped3A = tpu.sem_alloc : memref<!tpu.dma_semaphore, #tpu.memory_space<semaphore_mem>>
      tpu.enqueue_dma source(%arg4 : memref<1x256xi32, #tpu.memory_space<hbm>>) target(%arg7 : memref<1x256xi32, #tpu.memory_space<vmem>>) target_semaphore(%run_scoped3A : memref<!tpu.dma_semaphore, #tpu.memory_space<semaphore_mem>>)
      tpu.wait_dma2 semaphore(%run_scoped3A : memref<!tpu.dma_semaphore, #tpu.memory_space<semaphore_mem>>) src(%arg4 : memref<1x256xi32, #tpu.memory_space<hbm>>) dst(%arg7 : memref<1x256xi32, #tpu.memory_space<vmem>>)
      tpu.yield
    }) : () -> ()
    %get3A = arith.constant 0 : i32
    %get3A_1 = arith.index_cast %get3A : i32 to index
    %get3A_2 = arith.constant 0 : index
    %get3A_3 = tpu.vector_load %arg7[%get3A_1, %get3A_2] {strides = array<i32>} : memref<1x256xi32, #tpu.memory_space<vmem>>, vector<16xi32>,
    %get3A_4 = arith.constant 0 : i32
    %get3A_5 = arith.index_cast %get3A_4 : i32 to index
    %get3A_6 = arith.constant 128 : index
    %get3A_7 = tpu.vector_load %arg7[%get3A_5, %get3A_6] {strides = array<i32>} : memref<1x256xi32, #tpu.memory_space<vmem>>, vector<16xi32>,
    %shift_right_arithmetic3A = arith.constant 7 : i32
    %shift_right_arithmetic3A_8 = vector.broadcast %shift_right_arithmetic3A : i32 to vector<16xi32>
    %shift_right_arithmetic3A_9 = arith.shrsi %get3A_3, %shift_right_arithmetic3A_8 : vector<16xi32>
    %shift_left3A = arith.constant 10 : i32
    %shift_left3A_10 = vector.broadcast %shift_left3A : i32 to vector<16xi32>
    %shift_left3A_11 = arith.shli %shift_right_arithmetic3A_9, %shift_left3A_10 : vector<16xi32>
    %and3A = arith.constant 127 : i32
    %and3A_12 = vector.broadcast %and3A : i32 to vector<16xi32>
    %and3A_13 = arith.andi %get3A_3, %and3A_12 : vector<16xi32>
    %add3A_14 = arith.addi %shift_left3A_11, %and3A_13 : vector<16xi32>
    %shift_right_arithmetic3A_15 = arith.constant 7 : i32
    %shift_right_arithmetic3A_16 = vector.broadcast %shift_right_arithmetic3A_15 : i32 to vector<16xi32>
    %shift_right_arithmetic3A_17 = arith.shrsi %get3A_7, %shift_right_arithmetic3A_16 : vector<16xi32>
    %shift_left3A_18 = arith.constant 10 : i32
    %shift_left3A_19 = vector.broadcast %shift_left3A_18 : i32 to vector<16xi32>
    %shift_left3A_20 = arith.shli %shift_right_arithmetic3A_17, %shift_left3A_19 : vector<16xi32>
    %and3A_21 = arith.constant 127 : i32
    %and3A_22 = vector.broadcast %and3A_21 : i32 to vector<16xi32>
    %and3A_23 = arith.andi %get3A_7, %and3A_22 : vector<16xi32>
    %add3A_24 = arith.addi %shift_left3A_20, %and3A_23 : vector<16xi32>
    %get3A_25 = arith.constant 0 : i32
    %get3A_26 = arith.index_cast %get3A_25 : i32 to index
    %get3A_27 = arith.constant 16 : index
    %get3A_28 = tpu.vector_load %arg7[%get3A_26, %get3A_27] {strides = array<i32>} : memref<1x256xi32, #tpu.memory_space<vmem>>, vector<16xi32>,
    %get3A_29 = arith.constant 0 : i32
    %get3A_30 = arith.index_cast %get3A_29 : i32 to index
    %get3A_31 = arith.constant 144 : index
    %get3A_32 = tpu.vector_load %arg7[%get3A_30, %get3A_31] {strides = array<i32>} : memref<1x256xi32, #tpu.memory_space<vmem>>, vector<16xi32>,
    %shift_right_arithmetic3A_33 = arith.constant 7 : i32
    %shift_right_arithmetic3A_34 = vector.broadcast %shift_right_arithmetic3A_33 : i32 to vector<16xi32>
    %shift_right_arithmetic3A_35 = arith.shrsi %get3A_28, %shift_right_arithmetic3A_34 : vector<16xi32>
    %shift_left3A_36 = arith.constant 10 : i32
    %shift_left3A_37 = vector.broadcast %shift_left3A_36 : i32 to vector<16xi32>
    %shift_left3A_38 = arith.shli %shift_right_arithmetic3A_35, %shift_left3A_37 : vector<16xi32>
    %and3A_39 = arith.constant 127 : i32
    %and3A_40 = vector.broadcast %and3A_39 : i32 to vector<16xi32>
    %and3A_41 = arith.andi %get3A_28, %and3A_40 : vector<16xi32>
    %add3A_42 = arith.addi %shift_left3A_38, %and3A_41 : vector<16xi32>
    %shift_right_arithmetic3A_43 = arith.constant 7 : i32
    %shift_right_arithmetic3A_44 = vector.broadcast %shift_right_arithmetic3A_43 : i32 to vector<16xi32>
    %shift_right_arithmetic3A_45 = arith.shrsi %get3A_32, %shift_right_arithmetic3A_44 : vector<16xi32>
    %shift_left3A_46 = arith.constant 10 : i32
    %shift_left3A_47 = vector.broadcast %shift_left3A_46 : i32 to vector<16xi32>
    %shift_left3A_48 = arith.shli %shift_right_arithmetic3A_45, %shift_left3A_47 : vector<16xi32>
    %and3A_49 = arith.constant 127 : i32
    %and3A_50 = vector.broadcast %and3A_49 : i32 to vector<16xi32>
    %and3A_51 = arith.andi %get3A_32, %and3A_50 : vector<16xi32>
    %add3A_52 = arith.addi %shift_left3A_48, %and3A_51 : vector<16xi32>
    %get3A_53 = arith.constant 0 : i32
    %get3A_54 = arith.index_cast %get3A_53 : i32 to index
    %get3A_55 = arith.constant 32 : index
    %get3A_56 = tpu.vector_load %arg7[%get3A_54, %get3A_55] {strides = array<i32>} : memref<1x256xi32, #tpu.memory_space<vmem>>, vector<16xi32>,
    %get3A_57 = arith.constant 0 : i32
    %get3A_58 = arith.index_cast %get3A_57 : i32 to index
    %get3A_59 = arith.constant 160 : index
    %get3A_60 = tpu.vector_load %arg7[%get3A_58, %get3A_59] {strides = array<i32>} : memref<1x256xi32, #tpu.memory_space<vmem>>, vector<16xi32>,
    %shift_right_arithmetic3A_61 = arith.constant 7 : i32
    %shift_right_arithmetic3A_62 = vector.broadcast %shift_right_arithmetic3A_61 : i32 to vector<16xi32>
    %shift_right_arithmetic3A_63 = arith.shrsi %get3A_56, %shift_right_arithmetic3A_62 : vector<16xi32>
    %shift_left3A_64 = arith.constant 10 : i32
    %shift_left3A_65 = vector.broadcast %shift_left3A_64 : i32 to vector<16xi32>
    %shift_left3A_66 = arith.shli %shift_right_arithmetic3A_63, %shift_left3A_65 : vector<16xi32>
    %and3A_67 = arith.constant 127 : i32
    %and3A_68 = vector.broadcast %and3A_67 : i32 to vector<16xi32>
    %and3A_69 = arith.andi %get3A_56, %and3A_68 : vector<16xi32>
    %add3A_70 = arith.addi %shift_left3A_66, %and3A_69 : vector<16xi32>
    %shift_right_arithmetic3A_71 = arith.constant 7 : i32
    %shift_right_arithmetic3A_72 = vector.broadcast %shift_right_arithmetic3A_71 : i32 to vector<16xi32>
    %shift_right_arithmetic3A_73 = arith.shrsi %get3A_60, %shift_right_arithmetic3A_72 : vector<16xi32>
    %shift_left3A_74 = arith.constant 10 : i32
    %shift_left3A_75 = vector.broadcast %shift_left3A_74 : i32 to vector<16xi32>
    %shift_left3A_76 = arith.shli %shift_right_arithmetic3A_73, %shift_left3A_75 : vector<16xi32>
    %and3A_77 = arith.constant 127 : i32
    %and3A_78 = vector.broadcast %and3A_77 : i32 to vector<16xi32>
    %and3A_79 = arith.andi %get3A_60, %and3A_78 : vector<16xi32>
    %add3A_80 = arith.addi %shift_left3A_76, %and3A_79 : vector<16xi32>
    %get3A_81 = arith.constant 0 : i32
    %get3A_82 = arith.index_cast %get3A_81 : i32 to index
    %get3A_83 = arith.constant 48 : index
    %get3A_84 = tpu.vector_load %arg7[%get3A_82, %get3A_83] {strides = array<i32>} : memref<1x256xi32, #tpu.memory_space<vmem>>, vector<16xi32>,
    %get3A_85 = arith.constant 0 : i32
    %get3A_86 = arith.index_cast %get3A_85 : i32 to index
    %get3A_87 = arith.constant 176 : index
    %get3A_88 = tpu.vector_load %arg7[%get3A_86, %get3A_87] {strides = array<i32>} : memref<1x256xi32, #tpu.memory_space<vmem>>, vector<16xi32>,
    %shift_right_arithmetic3A_89 = arith.constant 7 : i32
    %shift_right_arithmetic3A_90 = vector.broadcast %shift_right_arithmetic3A_89 : i32 to vector<16xi32>
    %shift_right_arithmetic3A_91 = arith.shrsi %get3A_84, %shift_right_arithmetic3A_90 : vector<16xi32>
    %shift_left3A_92 = arith.constant 10 : i32
    %shift_left3A_93 = vector.broadcast %shift_left3A_92 : i32 to vector<16xi32>
    %shift_left3A_94 = arith.shli %shift_right_arithmetic3A_91, %shift_left3A_93 : vector<16xi32>
    %and3A_95 = arith.constant 127 : i32
    %and3A_96 = vector.broadcast %and3A_95 : i32 to vector<16xi32>
    %and3A_97 = arith.andi %get3A_84, %and3A_96 : vector<16xi32>
    %add3A_98 = arith.addi %shift_left3A_94, %and3A_97 : vector<16xi32>
    %shift_right_arithmetic3A_99 = arith.constant 7 : i32
    %shift_right_arithmetic3A_100 = vector.broadcast %shift_right_arithmetic3A_99 : i32 to vector<16xi32>
    %shift_right_arithmetic3A_101 = arith.shrsi %get3A_88, %shift_right_arithmetic3A_100 : vector<16xi32>
    %shift_left3A_102 = arith.constant 10 : i32
    %shift_left3A_103 = vector.broadcast %shift_left3A_102 : i32 to vector<16xi32>
    %shift_left3A_104 = arith.shli %shift_right_arithmetic3A_101, %shift_left3A_103 : vector<16xi32>
    %and3A_105 = arith.constant 127 : i32
    %and3A_106 = vector.broadcast %and3A_105 : i32 to vector<16xi32>
    %and3A_107 = arith.andi %get3A_88, %and3A_106 : vector<16xi32>
    %add3A_108 = arith.addi %shift_left3A_104, %and3A_107 : vector<16xi32>
    %get3A_109 = arith.constant 0 : i32
    %get3A_110 = arith.index_cast %get3A_109 : i32 to index
    %get3A_111 = arith.constant 64 : index
    %get3A_112 = tpu.vector_load %arg7[%get3A_110, %get3A_111] {strides = array<i32>} : memref<1x256xi32, #tpu.memory_space<vmem>>, vector<16xi32>,
    %get3A_113 = arith.constant 0 : i32
    %get3A_114 = arith.index_cast %get3A_113 : i32 to index
    %get3A_115 = arith.constant 192 : index
    %get3A_116 = tpu.vector_load %arg7[%get3A_114, %get3A_115] {strides = array<i32>} : memref<1x256xi32, #tpu.memory_space<vmem>>, vector<16xi32>,
    %shift_right_arithmetic3A_117 = arith.constant 7 : i32
    %shift_right_arithmetic3A_118 = vector.broadcast %shift_right_arithmetic3A_117 : i32 to vector<16xi32>
    %shift_right_arithmetic3A_119 = arith.shrsi %get3A_112, %shift_right_arithmetic3A_118 : vector<16xi32>
    %shift_left3A_120 = arith.constant 10 : i32
    %shift_left3A_121 = vector.broadcast %shift_left3A_120 : i32 to vector<16xi32>
    %shift_left3A_122 = arith.shli %shift_right_arithmetic3A_119, %shift_left3A_121 : vector<16xi32>
    %and3A_123 = arith.constant 127 : i32
    %and3A_124 = vector.broadcast %and3A_123 : i32 to vector<16xi32>
    %and3A_125 = arith.andi %get3A_112, %and3A_124 : vector<16xi32>
    %add3A_126 = arith.addi %shift_left3A_122, %and3A_125 : vector<16xi32>
    %shift_right_arithmetic3A_127 = arith.constant 7 : i32
    %shift_right_arithmetic3A_128 = vector.broadcast %shift_right_arithmetic3A_127 : i32 to vector<16xi32>
    %shift_right_arithmetic3A_129 = arith.shrsi %get3A_116, %shift_right_arithmetic3A_128 : vector<16xi32>
    %shift_left3A_130 = arith.constant 10 : i32
    %shift_left3A_131 = vector.broadcast %shift_left3A_130 : i32 to vector<16xi32>
    %shift_left3A_132 = arith.shli %shift_right_arithmetic3A_129, %shift_left3A_131 : vector<16xi32>
    %and3A_133 = arith.constant 127 : i32
    %and3A_134 = vector.broadcast %and3A_133 : i32 to vector<16xi32>
    %and3A_135 = arith.andi %get3A_116, %and3A_134 : vector<16xi32>
    %add3A_136 = arith.addi %shift_left3A_132, %and3A_135 : vector<16xi32>
    %get3A_137 = arith.constant 0 : i32
    %get3A_138 = arith.index_cast %get3A_137 : i32 to index
    %get3A_139 = arith.constant 80 : index
    %get3A_140 = tpu.vector_load %arg7[%get3A_138, %get3A_139] {strides = array<i32>} : memref<1x256xi32, #tpu.memory_space<vmem>>, vector<16xi32>,
    %get3A_141 = arith.constant 0 : i32
    %get3A_142 = arith.index_cast %get3A_141 : i32 to index
    %get3A_143 = arith.constant 208 : index
    %get3A_144 = tpu.vector_load %arg7[%get3A_142, %get3A_143] {strides = array<i32>} : memref<1x256xi32, #tpu.memory_space<vmem>>, vector<16xi32>,
    %shift_right_arithmetic3A_145 = arith.constant 7 : i32
    %shift_right_arithmetic3A_146 = vector.broadcast %shift_right_arithmetic3A_145 : i32 to vector<16xi32>
    %shift_right_arithmetic3A_147 = arith.shrsi %get3A_140, %shift_right_arithmetic3A_146 : vector<16xi32>
    %shift_left3A_148 = arith.constant 10 : i32
    %shift_left3A_149 = vector.broadcast %shift_left3A_148 : i32 to vector<16xi32>
    %shift_left3A_150 = arith.shli %shift_right_arithmetic3A_147, %shift_left3A_149 : vector<16xi32>
    %and3A_151 = arith.constant 127 : i32
    %and3A_152 = vector.broadcast %and3A_151 : i32 to vector<16xi32>
    %and3A_153 = arith.andi %get3A_140, %and3A_152 : vector<16xi32>
    %add3A_154 = arith.addi %shift_left3A_150, %and3A_153 : vector<16xi32>
    %shift_right_arithmetic3A_155 = arith.constant 7 : i32
    %shift_right_arithmetic3A_156 = vector.broadcast %shift_right_arithmetic3A_155 : i32 to vector<16xi32>
    %shift_right_arithmetic3A_157 = arith.shrsi %get3A_144, %shift_right_arithmetic3A_156 : vector<16xi32>
    %shift_left3A_158 = arith.constant 10 : i32
    %shift_left3A_159 = vector.broadcast %shift_left3A_158 : i32 to vector<16xi32>
    %shift_left3A_160 = arith.shli %shift_right_arithmetic3A_157, %shift_left3A_159 : vector<16xi32>
    %and3A_161 = arith.constant 127 : i32
    %and3A_162 = vector.broadcast %and3A_161 : i32 to vector<16xi32>
    %and3A_163 = arith.andi %get3A_144, %and3A_162 : vector<16xi32>
    %add3A_164 = arith.addi %shift_left3A_160, %and3A_163 : vector<16xi32>
    %get3A_165 = arith.constant 0 : i32
    %get3A_166 = arith.index_cast %get3A_165 : i32 to index
    %get3A_167 = arith.constant 96 : index
    %get3A_168 = tpu.vector_load %arg7[%get3A_166, %get3A_167] {strides = array<i32>} : memref<1x256xi32, #tpu.memory_space<vmem>>, vector<16xi32>,
    %get3A_169 = arith.constant 0 : i32
    %get3A_170 = arith.index_cast %get3A_169 : i32 to index
    %get3A_171 = arith.constant 224 : index
    %get3A_172 = tpu.vector_load %arg7[%get3A_170, %get3A_171] {strides = array<i32>} : memref<1x256xi32, #tpu.memory_space<vmem>>, vector<16xi32>,
    %shift_right_arithmetic3A_173 = arith.constant 7 : i32
    %shift_right_arithmetic3A_174 = vector.broadcast %shift_right_arithmetic3A_173 : i32 to vector<16xi32>
    %shift_right_arithmetic3A_175 = arith.shrsi %get3A_168, %shift_right_arithmetic3A_174 : vector<16xi32>
    %shift_left3A_176 = arith.constant 10 : i32
    %shift_left3A_177 = vector.broadcast %shift_left3A_176 : i32 to vector<16xi32>
    %shift_left3A_178 = arith.shli %shift_right_arithmetic3A_175, %shift_left3A_177 : vector<16xi32>
    %and3A_179 = arith.constant 127 : i32
    %and3A_180 = vector.broadcast %and3A_179 : i32 to vector<16xi32>
    %and3A_181 = arith.andi %get3A_168, %and3A_180 : vector<16xi32>
    %add3A_182 = arith.addi %shift_left3A_178, %and3A_181 : vector<16xi32>
    %shift_right_arithmetic3A_183 = arith.constant 7 : i32
    %shift_right_arithmetic3A_184 = vector.broadcast %shift_right_arithmetic3A_183 : i32 to vector<16xi32>
    %shift_right_arithmetic3A_185 = arith.shrsi %get3A_172, %shift_right_arithmetic3A_184 : vector<16xi32>
    %shift_left3A_186 = arith.constant 10 : i32
    %shift_left3A_187 = vector.broadcast %shift_left3A_186 : i32 to vector<16xi32>
    %shift_left3A_188 = arith.shli %shift_right_arithmetic3A_185, %shift_left3A_187 : vector<16xi32>
    %and3A_189 = arith.constant 127 : i32
    %and3A_190 = vector.broadcast %and3A_189 : i32 to vector<16xi32>
    %and3A_191 = arith.andi %get3A_172, %and3A_190 : vector<16xi32>
    %add3A_192 = arith.addi %shift_left3A_188, %and3A_191 : vector<16xi32>
    %get3A_193 = arith.constant 0 : i32
    %get3A_194 = arith.index_cast %get3A_193 : i32 to index
    %get3A_195 = arith.constant 112 : index
    %get3A_196 = tpu.vector_load %arg7[%get3A_194, %get3A_195] {strides = array<i32>} : memref<1x256xi32, #tpu.memory_space<vmem>>, vector<16xi32>,
    %get3A_197 = arith.constant 0 : i32
    %get3A_198 = arith.index_cast %get3A_197 : i32 to index
    %get3A_199 = arith.constant 240 : index
    %get3A_200 = tpu.vector_load %arg7[%get3A_198, %get3A_199] {strides = array<i32>} : memref<1x256xi32, #tpu.memory_space<vmem>>, vector<16xi32>,
    %shift_right_arithmetic3A_201 = arith.constant 7 : i32
    %shift_right_arithmetic3A_202 = vector.broadcast %shift_right_arithmetic3A_201 : i32 to vector<16xi32>
    %shift_right_arithmetic3A_203 = arith.shrsi %get3A_196, %shift_right_arithmetic3A_202 : vector<16xi32>
    %shift_left3A_204 = arith.constant 10 : i32
    %shift_left3A_205 = vector.broadcast %shift_left3A_204 : i32 to vector<16xi32>
    %shift_left3A_206 = arith.shli %shift_right_arithmetic3A_203, %shift_left3A_205 : vector<16xi32>
    %and3A_207 = arith.constant 127 : i32
    %and3A_208 = vector.broadcast %and3A_207 : i32 to vector<16xi32>
    %and3A_209 = arith.andi %get3A_196, %and3A_208 : vector<16xi32>
    %add3A_210 = arith.addi %shift_left3A_206, %and3A_209 : vector<16xi32>
    %shift_right_arithmetic3A_211 = arith.constant 7 : i32
    %shift_right_arithmetic3A_212 = vector.broadcast %shift_right_arithmetic3A_211 : i32 to vector<16xi32>
    %shift_right_arithmetic3A_213 = arith.shrsi %get3A_200, %shift_right_arithmetic3A_212 : vector<16xi32>
    %shift_left3A_214 = arith.constant 10 : i32
    %shift_left3A_215 = vector.broadcast %shift_left3A_214 : i32 to vector<16xi32>
    %shift_left3A_216 = arith.shli %shift_right_arithmetic3A_213, %shift_left3A_215 : vector<16xi32>
    %and3A_217 = arith.constant 127 : i32
    %and3A_218 = vector.broadcast %and3A_217 : i32 to vector<16xi32>
    %and3A_219 = arith.andi %get3A_200, %and3A_218 : vector<16xi32>
    %add3A_220 = arith.addi %shift_left3A_216, %and3A_219 : vector<16xi32>
    %mul3A_221 = arith.constant 32 : i32
    %mul3A_222 = arith.muli %add3A, %mul3A_221 : i32
    %mul3A_223 = arith.constant 256 : i32
    %mul3A_224 = arith.muli %mul3A_222, %mul3A_223 : i32
    "tpu.region"() ({
      %run_scoped3A = tpu.sem_alloc : memref<!tpu.dma_semaphore, #tpu.memory_space<semaphore_mem>>
      %dma_start3A_258 = tpu.memref_slice %arg3[%mul3A_224] : memref<262144xf32, #tpu.memory_space<hbm>> -> memref<8192xf32, #tpu.memory_space<hbm>>
      %dma_start3A_259 = tpu.memref_slice %arg3[%mul3A_224] : memref<262144xf32, #tpu.memory_space<hbm>> -> memref<8192xf32, #tpu.memory_space<hbm>>
      tpu.enqueue_dma source(%dma_start3A_259 : memref<8192xf32, #tpu.memory_space<hbm>>) target(%arg12 : memref<8192xf32, #tpu.memory_space<vmem>>) target_semaphore(%run_scoped3A : memref<!tpu.dma_semaphore, #tpu.memory_space<semaphore_mem>>)
      %dma_wait3A_260 = tpu.memref_slice %arg3[%mul3A_224] : memref<262144xf32, #tpu.memory_space<hbm>> -> memref<8192xf32, #tpu.memory_space<hbm>>
      %dma_wait3A_261 = tpu.memref_slice %arg3[%mul3A_224] : memref<262144xf32, #tpu.memory_space<hbm>> -> memref<8192xf32, #tpu.memory_space<hbm>>
      tpu.wait_dma2 semaphore(%run_scoped3A : memref<!tpu.dma_semaphore, #tpu.memory_space<semaphore_mem>>) src(%dma_wait3A_261 : memref<8192xf32, #tpu.memory_space<hbm>>) dst(%arg12 : memref<8192xf32, #tpu.memory_space<vmem>>)
      tpu.yield
    }) : () -> ()
    %parallel_loop3A = arith.constant 0 : i32
    %parallel_loop3A_225 = arith.constant 32 : i32
    %parallel_loop3A_226 = arith.constant 1 : i32
    scf.for %parallel_loop3A_258 = %parallel_loop3A to %parallel_loop3A_225 step %parallel_loop3A_226  : i32 {
      %parallel_loop3A_259 = arith.constant 3 : i32
      %parallel_loop3A_260 = arith.shrsi %parallel_loop3A_258, %parallel_loop3A_259 : i32
      %parallel_loop3A_261 = arith.constant 11 : i32
      %parallel_loop3A_262 = arith.shli %parallel_loop3A_260, %parallel_loop3A_261 : i32
      %parallel_loop3A_263 = arith.constant 7 : i32
      %parallel_loop3A_264 = arith.andi %parallel_loop3A_258, %parallel_loop3A_263 : i32
      %parallel_loop3A_265 = arith.constant 7 : i32
      %parallel_loop3A_266 = arith.shli %parallel_loop3A_264, %parallel_loop3A_265 : i32
      %parallel_loop3A_267 = arith.addi %parallel_loop3A_262, %parallel_loop3A_266 : i32
      %parallel_loop3A_268 = vector.broadcast %parallel_loop3A_267 : i32 to vector<16xi32>
      %parallel_loop3A_269 = arith.addi %add3A_14, %parallel_loop3A_268 : vector<16xi32>
      %parallel_loop3A_270 = tpu.vector_load_idx %arg12[%parallel_loop3A_269] : memref<8192xf32, #tpu.memory_space<vmem>>[vector<16xi32>], vector<16xf32>,
      %parallel_loop3A_271 = vector.broadcast %parallel_loop3A_267 : i32 to vector<16xi32>
      %parallel_loop3A_272 = arith.addi %add3A_24, %parallel_loop3A_271 : vector<16xi32>
      %parallel_loop3A_273 = tpu.vector_load_idx %arg12[%parallel_loop3A_272] : memref<8192xf32, #tpu.memory_space<vmem>>[vector<16xi32>], vector<16xf32>,
      %parallel_loop3A_274 = arith.constant 3.000000e-01 : f32
      %parallel_loop3A_275 = vector.broadcast %parallel_loop3A_274 : f32 to vector<16xf32>
      %parallel_loop3A_276 = arith.mulf %parallel_loop3A_270, %parallel_loop3A_275 : vector<16xf32>
      %parallel_loop3A_277 = arith.constant 0.699999988 : f32
      %parallel_loop3A_278 = vector.broadcast %parallel_loop3A_277 : f32 to vector<16xf32>
      %parallel_loop3A_279 = arith.mulf %parallel_loop3A_273, %parallel_loop3A_278 : vector<16xf32>
      %parallel_loop3A_280 = arith.addf %parallel_loop3A_276, %parallel_loop3A_279 : vector<16xf32>
      %parallel_loop3A_281 = arith.constant 128 : i32
      %parallel_loop3A_282 = arith.muli %parallel_loop3A_258, %parallel_loop3A_281 : i32
      %parallel_loop3A_283 = arith.constant 0 : i32
      %parallel_loop3A_284 = arith.addi %parallel_loop3A_282, %parallel_loop3A_283 : i32
      %parallel_loop3A_285 = arith.index_cast %parallel_loop3A_284 : i32 to index
      %parallel_loop3A_286 = tpu.vector_load %arg13[%parallel_loop3A_285] {strides = array<i32>} : memref<4096xf32, #tpu.memory_space<vmem>>, vector<16xf32>,
      tpu.vector_store %arg13[%parallel_loop3A_285], %parallel_loop3A_280 {strides = array<i32>} : memref<4096xf32, #tpu.memory_space<vmem>>, vector<16xf32>,
      %parallel_loop3A_287 = vector.broadcast %parallel_loop3A_267 : i32 to vector<16xi32>
      %parallel_loop3A_288 = arith.addi %add3A_42, %parallel_loop3A_287 : vector<16xi32>
      %parallel_loop3A_289 = tpu.vector_load_idx %arg12[%parallel_loop3A_288] : memref<8192xf32, #tpu.memory_space<vmem>>[vector<16xi32>], vector<16xf32>,
      %parallel_loop3A_290 = vector.broadcast %parallel_loop3A_267 : i32 to vector<16xi32>
      %parallel_loop3A_291 = arith.addi %add3A_52, %parallel_loop3A_290 : vector<16xi32>
      %parallel_loop3A_292 = tpu.vector_load_idx %arg12[%parallel_loop3A_291] : memref<8192xf32, #tpu.memory_space<vmem>>[vector<16xi32>], vector<16xf32>,
      %parallel_loop3A_293 = arith.constant 3.000000e-01 : f32
      %parallel_loop3A_294 = vector.broadcast %parallel_loop3A_293 : f32 to vector<16xf32>
      %parallel_loop3A_295 = arith.mulf %parallel_loop3A_289, %parallel_loop3A_294 : vector<16xf32>
      %parallel_loop3A_296 = arith.constant 0.699999988 : f32
      %parallel_loop3A_297 = vector.broadcast %parallel_loop3A_296 : f32 to vector<16xf32>
      %parallel_loop3A_298 = arith.mulf %parallel_loop3A_292, %parallel_loop3A_297 : vector<16xf32>
      %parallel_loop3A_299 = arith.addf %parallel_loop3A_295, %parallel_loop3A_298 : vector<16xf32>
      %parallel_loop3A_300 = arith.constant 128 : i32
      %parallel_loop3A_301 = arith.muli %parallel_loop3A_258, %parallel_loop3A_300 : i32
      %parallel_loop3A_302 = arith.constant 16 : i32
      %parallel_loop3A_303 = arith.addi %parallel_loop3A_301, %parallel_loop3A_302 : i32
      %parallel_loop3A_304 = arith.index_cast %parallel_loop3A_303 : i32 to index
      %parallel_loop3A_305 = tpu.vector_load %arg13[%parallel_loop3A_304] {strides = array<i32>} : memref<4096xf32, #tpu.memory_space<vmem>>, vector<16xf32>,
      tpu.vector_store %arg13[%parallel_loop3A_304], %parallel_loop3A_299 {strides = array<i32>} : memref<4096xf32, #tpu.memory_space<vmem>>, vector<16xf32>,
      %parallel_loop3A_306 = vector.broadcast %parallel_loop3A_267 : i32 to vector<16xi32>
      %parallel_loop3A_307 = arith.addi %add3A_70, %parallel_loop3A_306 : vector<16xi32>
      %parallel_loop3A_308 = tpu.vector_load_idx %arg12[%parallel_loop3A_307] : memref<8192xf32, #tpu.memory_space<vmem>>[vector<16xi32>], vector<16xf32>,
      %parallel_loop3A_309 = vector.broadcast %parallel_loop3A_267 : i32 to vector<16xi32>
      %parallel_loop3A_310 = arith.addi %add3A_80, %parallel_loop3A_309 : vector<16xi32>
      %parallel_loop3A_311 = tpu.vector_load_idx %arg12[%parallel_loop3A_310] : memref<8192xf32, #tpu.memory_space<vmem>>[vector<16xi32>], vector<16xf32>,
      %parallel_loop3A_312 = arith.constant 3.000000e-01 : f32
      %parallel_loop3A_313 = vector.broadcast %parallel_loop3A_312 : f32 to vector<16xf32>
      %parallel_loop3A_314 = arith.mulf %parallel_loop3A_308, %parallel_loop3A_313 : vector<16xf32>
      %parallel_loop3A_315 = arith.constant 0.699999988 : f32
      %parallel_loop3A_316 = vector.broadcast %parallel_loop3A_315 : f32 to vector<16xf32>
      %parallel_loop3A_317 = arith.mulf %parallel_loop3A_311, %parallel_loop3A_316 : vector<16xf32>
      %parallel_loop3A_318 = arith.addf %parallel_loop3A_314, %parallel_loop3A_317 : vector<16xf32>
      %parallel_loop3A_319 = arith.constant 128 : i32
      %parallel_loop3A_320 = arith.muli %parallel_loop3A_258, %parallel_loop3A_319 : i32
      %parallel_loop3A_321 = arith.constant 32 : i32
      %parallel_loop3A_322 = arith.addi %parallel_loop3A_320, %parallel_loop3A_321 : i32
      %parallel_loop3A_323 = arith.index_cast %parallel_loop3A_322 : i32 to index
      %parallel_loop3A_324 = tpu.vector_load %arg13[%parallel_loop3A_323] {strides = array<i32>} : memref<4096xf32, #tpu.memory_space<vmem>>, vector<16xf32>,
      tpu.vector_store %arg13[%parallel_loop3A_323], %parallel_loop3A_318 {strides = array<i32>} : memref<4096xf32, #tpu.memory_space<vmem>>, vector<16xf32>,
      %parallel_loop3A_325 = vector.broadcast %parallel_loop3A_267 : i32 to vector<16xi32>
      %parallel_loop3A_326 = arith.addi %add3A_98, %parallel_loop3A_325 : vector<16xi32>
      %parallel_loop3A_327 = tpu.vector_load_idx %arg12[%parallel_loop3A_326] : memref<8192xf32, #tpu.memory_space<vmem>>[vector<16xi32>], vector<16xf32>,
      %parallel_loop3A_328 = vector.broadcast %parallel_loop3A_267 : i32 to vector<16xi32>
      %parallel_loop3A_329 = arith.addi %add3A_108, %parallel_loop3A_328 : vector<16xi32>
      %parallel_loop3A_330 = tpu.vector_load_idx %arg12[%parallel_loop3A_329] : memref<8192xf32, #tpu.memory_space<vmem>>[vector<16xi32>], vector<16xf32>,
      %parallel_loop3A_331 = arith.constant 3.000000e-01 : f32
      %parallel_loop3A_332 = vector.broadcast %parallel_loop3A_331 : f32 to vector<16xf32>
      %parallel_loop3A_333 = arith.mulf %parallel_loop3A_327, %parallel_loop3A_332 : vector<16xf32>
      %parallel_loop3A_334 = arith.constant 0.699999988 : f32
      %parallel_loop3A_335 = vector.broadcast %parallel_loop3A_334 : f32 to vector<16xf32>
      %parallel_loop3A_336 = arith.mulf %parallel_loop3A_330, %parallel_loop3A_335 : vector<16xf32>
      %parallel_loop3A_337 = arith.addf %parallel_loop3A_333, %parallel_loop3A_336 : vector<16xf32>
      %parallel_loop3A_338 = arith.constant 128 : i32
      %parallel_loop3A_339 = arith.muli %parallel_loop3A_258, %parallel_loop3A_338 : i32
      %parallel_loop3A_340 = arith.constant 48 : i32
      %parallel_loop3A_341 = arith.addi %parallel_loop3A_339, %parallel_loop3A_340 : i32
      %parallel_loop3A_342 = arith.index_cast %parallel_loop3A_341 : i32 to index
      %parallel_loop3A_343 = tpu.vector_load %arg13[%parallel_loop3A_342] {strides = array<i32>} : memref<4096xf32, #tpu.memory_space<vmem>>, vector<16xf32>,
      tpu.vector_store %arg13[%parallel_loop3A_342], %parallel_loop3A_337 {strides = array<i32>} : memref<4096xf32, #tpu.memory_space<vmem>>, vector<16xf32>,
      %parallel_loop3A_344 = vector.broadcast %parallel_loop3A_267 : i32 to vector<16xi32>
      %parallel_loop3A_345 = arith.addi %add3A_126, %parallel_loop3A_344 : vector<16xi32>
      %parallel_loop3A_346 = tpu.vector_load_idx %arg12[%parallel_loop3A_345] : memref<8192xf32, #tpu.memory_space<vmem>>[vector<16xi32>], vector<16xf32>,
      %parallel_loop3A_347 = vector.broadcast %parallel_loop3A_267 : i32 to vector<16xi32>
      %parallel_loop3A_348 = arith.addi %add3A_136, %parallel_loop3A_347 : vector<16xi32>
      %parallel_loop3A_349 = tpu.vector_load_idx %arg12[%parallel_loop3A_348] : memref<8192xf32, #tpu.memory_space<vmem>>[vector<16xi32>], vector<16xf32>,
      %parallel_loop3A_350 = arith.constant 3.000000e-01 : f32
      %parallel_loop3A_351 = vector.broadcast %parallel_loop3A_350 : f32 to vector<16xf32>
      %parallel_loop3A_352 = arith.mulf %parallel_loop3A_346, %parallel_loop3A_351 : vector<16xf32>
      %parallel_loop3A_353 = arith.constant 0.699999988 : f32
      %parallel_loop3A_354 = vector.broadcast %parallel_loop3A_353 : f32 to vector<16xf32>
      %parallel_loop3A_355 = arith.mulf %parallel_loop3A_349, %parallel_loop3A_354 : vector<16xf32>
      %parallel_loop3A_356 = arith.addf %parallel_loop3A_352, %parallel_loop3A_355 : vector<16xf32>
      %parallel_loop3A_357 = arith.constant 128 : i32
      %parallel_loop3A_358 = arith.muli %parallel_loop3A_258, %parallel_loop3A_357 : i32
      %parallel_loop3A_359 = arith.constant 64 : i32
      %parallel_loop3A_360 = arith.addi %parallel_loop3A_358, %parallel_loop3A_359 : i32
      %parallel_loop3A_361 = arith.index_cast %parallel_loop3A_360 : i32 to index
      %parallel_loop3A_362 = tpu.vector_load %arg13[%parallel_loop3A_361] {strides = array<i32>} : memref<4096xf32, #tpu.memory_space<vmem>>, vector<16xf32>,
      tpu.vector_store %arg13[%parallel_loop3A_361], %parallel_loop3A_356 {strides = array<i32>} : memref<4096xf32, #tpu.memory_space<vmem>>, vector<16xf32>,
      %parallel_loop3A_363 = vector.broadcast %parallel_loop3A_267 : i32 to vector<16xi32>
      %parallel_loop3A_364 = arith.addi %add3A_154, %parallel_loop3A_363 : vector<16xi32>
      %parallel_loop3A_365 = tpu.vector_load_idx %arg12[%parallel_loop3A_364] : memref<8192xf32, #tpu.memory_space<vmem>>[vector<16xi32>], vector<16xf32>,
      %parallel_loop3A_366 = vector.broadcast %parallel_loop3A_267 : i32 to vector<16xi32>
      %parallel_loop3A_367 = arith.addi %add3A_164, %parallel_loop3A_366 : vector<16xi32>
      %parallel_loop3A_368 = tpu.vector_load_idx %arg12[%parallel_loop3A_367] : memref<8192xf32, #tpu.memory_space<vmem>>[vector<16xi32>], vector<16xf32>,
      %parallel_loop3A_369 = arith.constant 3.000000e-01 : f32
      %parallel_loop3A_370 = vector.broadcast %parallel_loop3A_369 : f32 to vector<16xf32>
      %parallel_loop3A_371 = arith.mulf %parallel_loop3A_365, %parallel_loop3A_370 : vector<16xf32>
      %parallel_loop3A_372 = arith.constant 0.699999988 : f32
      %parallel_loop3A_373 = vector.broadcast %parallel_loop3A_372 : f32 to vector<16xf32>
      %parallel_loop3A_374 = arith.mulf %parallel_loop3A_368, %parallel_loop3A_373 : vector<16xf32>
      %parallel_loop3A_375 = arith.addf %parallel_loop3A_371, %parallel_loop3A_374 : vector<16xf32>
      %parallel_loop3A_376 = arith.constant 128 : i32
      %parallel_loop3A_377 = arith.muli %parallel_loop3A_258, %parallel_loop3A_376 : i32
      %parallel_loop3A_378 = arith.constant 80 : i32
      %parallel_loop3A_379 = arith.addi %parallel_loop3A_377, %parallel_loop3A_378 : i32
      %parallel_loop3A_380 = arith.index_cast %parallel_loop3A_379 : i32 to index
      %parallel_loop3A_381 = tpu.vector_load %arg13[%parallel_loop3A_380] {strides = array<i32>} : memref<4096xf32, #tpu.memory_space<vmem>>, vector<16xf32>,
      tpu.vector_store %arg13[%parallel_loop3A_380], %parallel_loop3A_375 {strides = array<i32>} : memref<4096xf32, #tpu.memory_space<vmem>>, vector<16xf32>,
      %parallel_loop3A_382 = vector.broadcast %parallel_loop3A_267 : i32 to vector<16xi32>
      %parallel_loop3A_383 = arith.addi %add3A_182, %parallel_loop3A_382 : vector<16xi32>
      %parallel_loop3A_384 = tpu.vector_load_idx %arg12[%parallel_loop3A_383] : memref<8192xf32, #tpu.memory_space<vmem>>[vector<16xi32>], vector<16xf32>,
      %parallel_loop3A_385 = vector.broadcast %parallel_loop3A_267 : i32 to vector<16xi32>
      %parallel_loop3A_386 = arith.addi %add3A_192, %parallel_loop3A_385 : vector<16xi32>
      %parallel_loop3A_387 = tpu.vector_load_idx %arg12[%parallel_loop3A_386] : memref<8192xf32, #tpu.memory_space<vmem>>[vector<16xi32>], vector<16xf32>,
      %parallel_loop3A_388 = arith.constant 3.000000e-01 : f32
      %parallel_loop3A_389 = vector.broadcast %parallel_loop3A_388 : f32 to vector<16xf32>
      %parallel_loop3A_390 = arith.mulf %parallel_loop3A_384, %parallel_loop3A_389 : vector<16xf32>
      %parallel_loop3A_391 = arith.constant 0.699999988 : f32
      %parallel_loop3A_392 = vector.broadcast %parallel_loop3A_391 : f32 to vector<16xf32>
      %parallel_loop3A_393 = arith.mulf %parallel_loop3A_387, %parallel_loop3A_392 : vector<16xf32>
      %parallel_loop3A_394 = arith.addf %parallel_loop3A_390, %parallel_loop3A_393 : vector<16xf32>
      %parallel_loop3A_395 = arith.constant 128 : i32
      %parallel_loop3A_396 = arith.muli %parallel_loop3A_258, %parallel_loop3A_395 : i32
      %parallel_loop3A_397 = arith.constant 96 : i32
      %parallel_loop3A_398 = arith.addi %parallel_loop3A_396, %parallel_loop3A_397 : i32
      %parallel_loop3A_399 = arith.index_cast %parallel_loop3A_398 : i32 to index
      %parallel_loop3A_400 = tpu.vector_load %arg13[%parallel_loop3A_399] {strides = array<i32>} : memref<4096xf32, #tpu.memory_space<vmem>>, vector<16xf32>,
      tpu.vector_store %arg13[%parallel_loop3A_399], %parallel_loop3A_394 {strides = array<i32>} : memref<4096xf32, #tpu.memory_space<vmem>>, vector<16xf32>,
      %parallel_loop3A_401 = vector.broadcast %parallel_loop3A_267 : i32 to vector<16xi32>
      %parallel_loop3A_402 = arith.addi %add3A_210, %parallel_loop3A_401 : vector<16xi32>
      %parallel_loop3A_403 = tpu.vector_load_idx %arg12[%parallel_loop3A_402] : memref<8192xf32, #tpu.memory_space<vmem>>[vector<16xi32>], vector<16xf32>,
      %parallel_loop3A_404 = vector.broadcast %parallel_loop3A_267 : i32 to vector<16xi32>
      %parallel_loop3A_405 = arith.addi %add3A_220, %parallel_loop3A_404 : vector<16xi32>
      %parallel_loop3A_406 = tpu.vector_load_idx %arg12[%parallel_loop3A_405] : memref<8192xf32, #tpu.memory_space<vmem>>[vector<16xi32>], vector<16xf32>,
      %parallel_loop3A_407 = arith.constant 3.000000e-01 : f32
      %parallel_loop3A_408 = vector.broadcast %parallel_loop3A_407 : f32 to vector<16xf32>
      %parallel_loop3A_409 = arith.mulf %parallel_loop3A_403, %parallel_loop3A_408 : vector<16xf32>
      %parallel_loop3A_410 = arith.constant 0.699999988 : f32
      %parallel_loop3A_411 = vector.broadcast %parallel_loop3A_410 : f32 to vector<16xf32>
      %parallel_loop3A_412 = arith.mulf %parallel_loop3A_406, %parallel_loop3A_411 : vector<16xf32>
      %parallel_loop3A_413 = arith.addf %parallel_loop3A_409, %parallel_loop3A_412 : vector<16xf32>
      %parallel_loop3A_414 = arith.constant 128 : i32
      %parallel_loop3A_415 = arith.muli %parallel_loop3A_258, %parallel_loop3A_414 : i32
      %parallel_loop3A_416 = arith.constant 112 : i32
      %parallel_loop3A_417 = arith.addi %parallel_loop3A_415, %parallel_loop3A_416 : i32
      %parallel_loop3A_418 = arith.index_cast %parallel_loop3A_417 : i32 to index
      %parallel_loop3A_419 = tpu.vector_load %arg13[%parallel_loop3A_418] {strides = array<i32>} : memref<4096xf32, #tpu.memory_space<vmem>>, vector<16xf32>,
      tpu.vector_store %arg13[%parallel_loop3A_418], %parallel_loop3A_413 {strides = array<i32>} : memref<4096xf32, #tpu.memory_space<vmem>>, vector<16xf32>,
    } {sc.loop_unroll_factor = 2 : i64, sc.parallel_access}
    %mul3A_227 = arith.constant 128 : i32
    %mul3A_228 = arith.muli %mul3A_222, %mul3A_227 : i32
    "tpu.region"() ({
      %run_scoped3A = tpu.sem_alloc : memref<!tpu.dma_semaphore, #tpu.memory_space<semaphore_mem>>
      %dma_start3A_258 = tpu.memref_slice %arg6[%mul3A_228] : memref<131072xf32, #tpu.memory_space<hbm>> -> memref<4096xf32, #tpu.memory_space<hbm>>
      %dma_start3A_259 = tpu.memref_slice %arg6[%mul3A_228] : memref<131072xf32, #tpu.memory_space<hbm>> -> memref<4096xf32, #tpu.memory_space<hbm>>
      tpu.enqueue_dma source(%arg13 : memref<4096xf32, #tpu.memory_space<vmem>>) target(%dma_start3A_259 : memref<4096xf32, #tpu.memory_space<hbm>>) target_semaphore(%run_scoped3A : memref<!tpu.dma_semaphore, #tpu.memory_space<semaphore_mem>>)
      %dma_wait3A_260 = tpu.memref_slice %arg6[%mul3A_228] : memref<131072xf32, #tpu.memory_space<hbm>> -> memref<4096xf32, #tpu.memory_space<hbm>>
      %dma_wait3A_261 = tpu.memref_slice %arg6[%mul3A_228] : memref<131072xf32, #tpu.memory_space<hbm>> -> memref<4096xf32, #tpu.memory_space<hbm>>
      tpu.wait_dma2 semaphore(%run_scoped3A : memref<!tpu.dma_semaphore, #tpu.memory_space<semaphore_mem>>) src(%arg13 : memref<4096xf32, #tpu.memory_space<vmem>>) dst(%dma_wait3A_261 : memref<4096xf32, #tpu.memory_space<hbm>>)
      tpu.yield
    }) : () -> ()
    %mul3A_229 = arith.constant 4704 : i32
    %mul3A_230 = arith.muli %add3A, %mul3A_229 : i32
    %add3A_231 = arith.constant 0 : i32
    %add3A_232 = arith.addi %mul3A_230, %add3A_231 : i32
    %mul3A_233 = arith.constant 256 : i32
    %mul3A_234 = arith.muli %add3A_232, %mul3A_233 : i32
    %dma_start3A = tpu.memref_slice %arg2[%mul3A_234] : memref<38535168xf32, #tpu.memory_space<hbm>> -> memref<28672xf32, #tpu.memory_space<hbm>>
    %dma_start3A_235 = tpu.memref_slice %arg2[%mul3A_234] : memref<38535168xf32, #tpu.memory_space<hbm>> -> memref<28672xf32, #tpu.memory_space<hbm>>
    tpu.enqueue_dma source(%dma_start3A_235 : memref<28672xf32, #tpu.memory_space<hbm>>) target(%arg8 : memref<28672xf32, #tpu.memory_space<vmem>>) target_semaphore(%arg14 : memref<!tpu.dma_semaphore, #tpu.memory_space<semaphore_mem>>)
    %add3A_236 = arith.constant 112 : i32
    %add3A_237 = arith.addi %mul3A_230, %add3A_236 : i32
    %mul3A_238 = arith.constant 256 : i32
    %mul3A_239 = arith.muli %add3A_237, %mul3A_238 : i32
    %dma_start3A_240 = tpu.memref_slice %arg2[%mul3A_239] : memref<38535168xf32, #tpu.memory_space<hbm>> -> memref<28672xf32, #tpu.memory_space<hbm>>
    %dma_start3A_241 = tpu.memref_slice %arg2[%mul3A_239] : memref<38535168xf32, #tpu.memory_space<hbm>> -> memref<28672xf32, #tpu.memory_space<hbm>>
    tpu.enqueue_dma source(%dma_start3A_241 : memref<28672xf32, #tpu.memory_space<hbm>>) target(%arg9 : memref<28672xf32, #tpu.memory_space<vmem>>) target_semaphore(%arg15 : memref<!tpu.dma_semaphore, #tpu.memory_space<semaphore_mem>>)
    %scan3A = arith.constant 0 : i32
    %scan3A_242 = arith.constant 0 : i32
    %scan3A_243 = arith.constant 21 : i32
    %scan3A_244 = arith.addi %scan3A_242, %scan3A_243 : i32
    %scan3A_245 = arith.constant 1 : i32
    scf.for %scan3A_258 = %scan3A_242 to %scan3A_244 step %scan3A_245  : i32 {
      %mul3A_259 = arith.constant 2 : i32
      %mul3A_260 = arith.muli %scan3A_258, %mul3A_259 : i32
      %add3A_261 = arith.constant 0 : i32
      %add3A_262 = arith.addi %mul3A_260, %add3A_261 : i32
      %mul3A_263 = arith.constant 112 : i32
      %mul3A_264 = arith.muli %add3A_262, %mul3A_263 : i32
      %add3A_265 = arith.addi %mul3A_230, %mul3A_264 : i32
      %mul3A_266 = arith.constant 256 : i32
      %mul3A_267 = arith.muli %add3A_265, %mul3A_266 : i32
      %dma_wait3A_268 = tpu.memref_slice %arg2[%mul3A_267] : memref<38535168xf32, #tpu.memory_space<hbm>> -> memref<28672xf32, #tpu.memory_space<hbm>>
      %dma_wait3A_269 = tpu.memref_slice %arg2[%mul3A_267] : memref<38535168xf32, #tpu.memory_space<hbm>> -> memref<28672xf32, #tpu.memory_space<hbm>>
      tpu.wait_dma2 semaphore(%arg14 : memref<!tpu.dma_semaphore, #tpu.memory_space<semaphore_mem>>) src(%dma_wait3A_269 : memref<28672xf32, #tpu.memory_space<hbm>>) dst(%arg8 : memref<28672xf32, #tpu.memory_space<vmem>>)
      %gt3A = arith.constant 0 : i32
      %gt3A_270 = arith.cmpi sgt, %scan3A_258, %gt3A : i32
      %convert_element_type3A = arith.extui %gt3A_270 : i1 to i32
      %cond3A = arith.constant 0 : i32
      %cond3A_271 = arith.cmpi ne, %convert_element_type3A, %cond3A : i32
      scf.if %cond3A_271 {
        %mul3A_311 = arith.constant 128 : i32
        %mul3A_312 = arith.muli %add3A_265, %mul3A_311 : i32
        %dma_wait3A_313 = tpu.memref_slice %arg5[%mul3A_312] : memref<19267584xf32, #tpu.memory_space<hbm>> -> memref<14336xf32, #tpu.memory_space<hbm>>
        %dma_wait3A_314 = tpu.memref_slice %arg5[%mul3A_312] : memref<19267584xf32, #tpu.memory_space<hbm>> -> memref<14336xf32, #tpu.memory_space<hbm>>
        tpu.wait_dma2 semaphore(%arg16 : memref<!tpu.dma_semaphore, #tpu.memory_space<semaphore_mem>>) src(%arg10 : memref<14336xf32, #tpu.memory_space<vmem>>) dst(%dma_wait3A_314 : memref<14336xf32, #tpu.memory_space<hbm>>)
      } else {
      }
      %parallel_loop3A_272 = arith.constant 0 : i32
      %parallel_loop3A_273 = arith.constant 112 : i32
      %parallel_loop3A_274 = arith.constant 1 : i32
      scf.for %parallel_loop3A_311 = %parallel_loop3A_272 to %parallel_loop3A_273 step %parallel_loop3A_274  : i32 {
        %parallel_loop3A_312 = arith.constant 3 : i32
        %parallel_loop3A_313 = arith.shrsi %parallel_loop3A_311, %parallel_loop3A_312 : i32
        %parallel_loop3A_314 = arith.constant 11 : i32
        %parallel_loop3A_315 = arith.shli %parallel_loop3A_313, %parallel_loop3A_314 : i32
        %parallel_loop3A_316 = arith.constant 7 : i32
        %parallel_loop3A_317 = arith.andi %parallel_loop3A_311, %parallel_loop3A_316 : i32
        %parallel_loop3A_318 = arith.constant 7 : i32
        %parallel_loop3A_319 = arith.shli %parallel_loop3A_317, %parallel_loop3A_318 : i32
        %parallel_loop3A_320 = arith.addi %parallel_loop3A_315, %parallel_loop3A_319 : i32
        %parallel_loop3A_321 = vector.broadcast %parallel_loop3A_320 : i32 to vector<16xi32>
        %parallel_loop3A_322 = arith.addi %add3A_14, %parallel_loop3A_321 : vector<16xi32>
        %parallel_loop3A_323 = tpu.vector_load_idx %arg8[%parallel_loop3A_322] : memref<28672xf32, #tpu.memory_space<vmem>>[vector<16xi32>], vector<16xf32>,
        %parallel_loop3A_324 = vector.broadcast %parallel_loop3A_320 : i32 to vector<16xi32>
        %parallel_loop3A_325 = arith.addi %add3A_24, %parallel_loop3A_324 : vector<16xi32>
        %parallel_loop3A_326 = tpu.vector_load_idx %arg8[%parallel_loop3A_325] : memref<28672xf32, #tpu.memory_space<vmem>>[vector<16xi32>], vector<16xf32>,
        %parallel_loop3A_327 = arith.constant 3.000000e-01 : f32
        %parallel_loop3A_328 = vector.broadcast %parallel_loop3A_327 : f32 to vector<16xf32>
        %parallel_loop3A_329 = arith.mulf %parallel_loop3A_323, %parallel_loop3A_328 : vector<16xf32>
        %parallel_loop3A_330 = arith.constant 0.699999988 : f32
        %parallel_loop3A_331 = vector.broadcast %parallel_loop3A_330 : f32 to vector<16xf32>
        %parallel_loop3A_332 = arith.mulf %parallel_loop3A_326, %parallel_loop3A_331 : vector<16xf32>
        %parallel_loop3A_333 = arith.addf %parallel_loop3A_329, %parallel_loop3A_332 : vector<16xf32>
        %parallel_loop3A_334 = arith.constant 128 : i32
        %parallel_loop3A_335 = arith.muli %parallel_loop3A_311, %parallel_loop3A_334 : i32
        %parallel_loop3A_336 = arith.constant 0 : i32
        %parallel_loop3A_337 = arith.addi %parallel_loop3A_335, %parallel_loop3A_336 : i32
        %parallel_loop3A_338 = arith.index_cast %parallel_loop3A_337 : i32 to index
        %parallel_loop3A_339 = tpu.vector_load %arg10[%parallel_loop3A_338] {strides = array<i32>} : memref<14336xf32, #tpu.memory_space<vmem>>, vector<16xf32>,
        tpu.vector_store %arg10[%parallel_loop3A_338], %parallel_loop3A_333 {strides = array<i32>} : memref<14336xf32, #tpu.memory_space<vmem>>, vector<16xf32>,
        %parallel_loop3A_340 = vector.broadcast %parallel_loop3A_320 : i32 to vector<16xi32>
        %parallel_loop3A_341 = arith.addi %add3A_42, %parallel_loop3A_340 : vector<16xi32>
        %parallel_loop3A_342 = tpu.vector_load_idx %arg8[%parallel_loop3A_341] : memref<28672xf32, #tpu.memory_space<vmem>>[vector<16xi32>], vector<16xf32>,
        %parallel_loop3A_343 = vector.broadcast %parallel_loop3A_320 : i32 to vector<16xi32>
        %parallel_loop3A_344 = arith.addi %add3A_52, %parallel_loop3A_343 : vector<16xi32>
        %parallel_loop3A_345 = tpu.vector_load_idx %arg8[%parallel_loop3A_344] : memref<28672xf32, #tpu.memory_space<vmem>>[vector<16xi32>], vector<16xf32>,
        %parallel_loop3A_346 = arith.constant 3.000000e-01 : f32
        %parallel_loop3A_347 = vector.broadcast %parallel_loop3A_346 : f32 to vector<16xf32>
        %parallel_loop3A_348 = arith.mulf %parallel_loop3A_342, %parallel_loop3A_347 : vector<16xf32>
        %parallel_loop3A_349 = arith.constant 0.699999988 : f32
        %parallel_loop3A_350 = vector.broadcast %parallel_loop3A_349 : f32 to vector<16xf32>
        %parallel_loop3A_351 = arith.mulf %parallel_loop3A_345, %parallel_loop3A_350 : vector<16xf32>
        %parallel_loop3A_352 = arith.addf %parallel_loop3A_348, %parallel_loop3A_351 : vector<16xf32>
        %parallel_loop3A_353 = arith.constant 128 : i32
        %parallel_loop3A_354 = arith.muli %parallel_loop3A_311, %parallel_loop3A_353 : i32
        %parallel_loop3A_355 = arith.constant 16 : i32
        %parallel_loop3A_356 = arith.addi %parallel_loop3A_354, %parallel_loop3A_355 : i32
        %parallel_loop3A_357 = arith.index_cast %parallel_loop3A_356 : i32 to index
        %parallel_loop3A_358 = tpu.vector_load %arg10[%parallel_loop3A_357] {strides = array<i32>} : memref<14336xf32, #tpu.memory_space<vmem>>, vector<16xf32>,
        tpu.vector_store %arg10[%parallel_loop3A_357], %parallel_loop3A_352 {strides = array<i32>} : memref<14336xf32, #tpu.memory_space<vmem>>, vector<16xf32>,
        %parallel_loop3A_359 = vector.broadcast %parallel_loop3A_320 : i32 to vector<16xi32>
        %parallel_loop3A_360 = arith.addi %add3A_70, %parallel_loop3A_359 : vector<16xi32>
        %parallel_loop3A_361 = tpu.vector_load_idx %arg8[%parallel_loop3A_360] : memref<28672xf32, #tpu.memory_space<vmem>>[vector<16xi32>], vector<16xf32>,
        %parallel_loop3A_362 = vector.broadcast %parallel_loop3A_320 : i32 to vector<16xi32>
        %parallel_loop3A_363 = arith.addi %add3A_80, %parallel_loop3A_362 : vector<16xi32>
        %parallel_loop3A_364 = tpu.vector_load_idx %arg8[%parallel_loop3A_363] : memref<28672xf32, #tpu.memory_space<vmem>>[vector<16xi32>], vector<16xf32>,
        %parallel_loop3A_365 = arith.constant 3.000000e-01 : f32
        %parallel_loop3A_366 = vector.broadcast %parallel_loop3A_365 : f32 to vector<16xf32>
        %parallel_loop3A_367 = arith.mulf %parallel_loop3A_361, %parallel_loop3A_366 : vector<16xf32>
        %parallel_loop3A_368 = arith.constant 0.699999988 : f32
        %parallel_loop3A_369 = vector.broadcast %parallel_loop3A_368 : f32 to vector<16xf32>
        %parallel_loop3A_370 = arith.mulf %parallel_loop3A_364, %parallel_loop3A_369 : vector<16xf32>
        %parallel_loop3A_371 = arith.addf %parallel_loop3A_367, %parallel_loop3A_370 : vector<16xf32>
        %parallel_loop3A_372 = arith.constant 128 : i32
        %parallel_loop3A_373 = arith.muli %parallel_loop3A_311, %parallel_loop3A_372 : i32
        %parallel_loop3A_374 = arith.constant 32 : i32
        %parallel_loop3A_375 = arith.addi %parallel_loop3A_373, %parallel_loop3A_374 : i32
        %parallel_loop3A_376 = arith.index_cast %parallel_loop3A_375 : i32 to index
        %parallel_loop3A_377 = tpu.vector_load %arg10[%parallel_loop3A_376] {strides = array<i32>} : memref<14336xf32, #tpu.memory_space<vmem>>, vector<16xf32>,
        tpu.vector_store %arg10[%parallel_loop3A_376], %parallel_loop3A_371 {strides = array<i32>} : memref<14336xf32, #tpu.memory_space<vmem>>, vector<16xf32>,
        %parallel_loop3A_378 = vector.broadcast %parallel_loop3A_320 : i32 to vector<16xi32>
        %parallel_loop3A_379 = arith.addi %add3A_98, %parallel_loop3A_378 : vector<16xi32>
        %parallel_loop3A_380 = tpu.vector_load_idx %arg8[%parallel_loop3A_379] : memref<28672xf32, #tpu.memory_space<vmem>>[vector<16xi32>], vector<16xf32>,
        %parallel_loop3A_381 = vector.broadcast %parallel_loop3A_320 : i32 to vector<16xi32>
        %parallel_loop3A_382 = arith.addi %add3A_108, %parallel_loop3A_381 : vector<16xi32>
        %parallel_loop3A_383 = tpu.vector_load_idx %arg8[%parallel_loop3A_382] : memref<28672xf32, #tpu.memory_space<vmem>>[vector<16xi32>], vector<16xf32>,
        %parallel_loop3A_384 = arith.constant 3.000000e-01 : f32
        %parallel_loop3A_385 = vector.broadcast %parallel_loop3A_384 : f32 to vector<16xf32>
        %parallel_loop3A_386 = arith.mulf %parallel_loop3A_380, %parallel_loop3A_385 : vector<16xf32>
        %parallel_loop3A_387 = arith.constant 0.699999988 : f32
        %parallel_loop3A_388 = vector.broadcast %parallel_loop3A_387 : f32 to vector<16xf32>
        %parallel_loop3A_389 = arith.mulf %parallel_loop3A_383, %parallel_loop3A_388 : vector<16xf32>
        %parallel_loop3A_390 = arith.addf %parallel_loop3A_386, %parallel_loop3A_389 : vector<16xf32>
        %parallel_loop3A_391 = arith.constant 128 : i32
        %parallel_loop3A_392 = arith.muli %parallel_loop3A_311, %parallel_loop3A_391 : i32
        %parallel_loop3A_393 = arith.constant 48 : i32
        %parallel_loop3A_394 = arith.addi %parallel_loop3A_392, %parallel_loop3A_393 : i32
        %parallel_loop3A_395 = arith.index_cast %parallel_loop3A_394 : i32 to index
        %parallel_loop3A_396 = tpu.vector_load %arg10[%parallel_loop3A_395] {strides = array<i32>} : memref<14336xf32, #tpu.memory_space<vmem>>, vector<16xf32>,
        tpu.vector_store %arg10[%parallel_loop3A_395], %parallel_loop3A_390 {strides = array<i32>} : memref<14336xf32, #tpu.memory_space<vmem>>, vector<16xf32>,
        %parallel_loop3A_397 = vector.broadcast %parallel_loop3A_320 : i32 to vector<16xi32>
        %parallel_loop3A_398 = arith.addi %add3A_126, %parallel_loop3A_397 : vector<16xi32>
        %parallel_loop3A_399 = tpu.vector_load_idx %arg8[%parallel_loop3A_398] : memref<28672xf32, #tpu.memory_space<vmem>>[vector<16xi32>], vector<16xf32>,
        %parallel_loop3A_400 = vector.broadcast %parallel_loop3A_320 : i32 to vector<16xi32>
        %parallel_loop3A_401 = arith.addi %add3A_136, %parallel_loop3A_400 : vector<16xi32>
        %parallel_loop3A_402 = tpu.vector_load_idx %arg8[%parallel_loop3A_401] : memref<28672xf32, #tpu.memory_space<vmem>>[vector<16xi32>], vector<16xf32>,
        %parallel_loop3A_403 = arith.constant 3.000000e-01 : f32
        %parallel_loop3A_404 = vector.broadcast %parallel_loop3A_403 : f32 to vector<16xf32>
        %parallel_loop3A_405 = arith.mulf %parallel_loop3A_399, %parallel_loop3A_404 : vector<16xf32>
        %parallel_loop3A_406 = arith.constant 0.699999988 : f32
        %parallel_loop3A_407 = vector.broadcast %parallel_loop3A_406 : f32 to vector<16xf32>
        %parallel_loop3A_408 = arith.mulf %parallel_loop3A_402, %parallel_loop3A_407 : vector<16xf32>
        %parallel_loop3A_409 = arith.addf %parallel_loop3A_405, %parallel_loop3A_408 : vector<16xf32>
        %parallel_loop3A_410 = arith.constant 128 : i32
        %parallel_loop3A_411 = arith.muli %parallel_loop3A_311, %parallel_loop3A_410 : i32
        %parallel_loop3A_412 = arith.constant 64 : i32
        %parallel_loop3A_413 = arith.addi %parallel_loop3A_411, %parallel_loop3A_412 : i32
        %parallel_loop3A_414 = arith.index_cast %parallel_loop3A_413 : i32 to index
        %parallel_loop3A_415 = tpu.vector_load %arg10[%parallel_loop3A_414] {strides = array<i32>} : memref<14336xf32, #tpu.memory_space<vmem>>, vector<16xf32>,
        tpu.vector_store %arg10[%parallel_loop3A_414], %parallel_loop3A_409 {strides = array<i32>} : memref<14336xf32, #tpu.memory_space<vmem>>, vector<16xf32>,
        %parallel_loop3A_416 = vector.broadcast %parallel_loop3A_320 : i32 to vector<16xi32>
        %parallel_loop3A_417 = arith.addi %add3A_154, %parallel_loop3A_416 : vector<16xi32>
        %parallel_loop3A_418 = tpu.vector_load_idx %arg8[%parallel_loop3A_417] : memref<28672xf32, #tpu.memory_space<vmem>>[vector<16xi32>], vector<16xf32>,
        %parallel_loop3A_419 = vector.broadcast %parallel_loop3A_320 : i32 to vector<16xi32>
        %parallel_loop3A_420 = arith.addi %add3A_164, %parallel_loop3A_419 : vector<16xi32>
        %parallel_loop3A_421 = tpu.vector_load_idx %arg8[%parallel_loop3A_420] : memref<28672xf32, #tpu.memory_space<vmem>>[vector<16xi32>], vector<16xf32>,
        %parallel_loop3A_422 = arith.constant 3.000000e-01 : f32
        %parallel_loop3A_423 = vector.broadcast %parallel_loop3A_422 : f32 to vector<16xf32>
        %parallel_loop3A_424 = arith.mulf %parallel_loop3A_418, %parallel_loop3A_423 : vector<16xf32>
        %parallel_loop3A_425 = arith.constant 0.699999988 : f32
        %parallel_loop3A_426 = vector.broadcast %parallel_loop3A_425 : f32 to vector<16xf32>
        %parallel_loop3A_427 = arith.mulf %parallel_loop3A_421, %parallel_loop3A_426 : vector<16xf32>
        %parallel_loop3A_428 = arith.addf %parallel_loop3A_424, %parallel_loop3A_427 : vector<16xf32>
        %parallel_loop3A_429 = arith.constant 128 : i32
        %parallel_loop3A_430 = arith.muli %parallel_loop3A_311, %parallel_loop3A_429 : i32
        %parallel_loop3A_431 = arith.constant 80 : i32
        %parallel_loop3A_432 = arith.addi %parallel_loop3A_430, %parallel_loop3A_431 : i32
        %parallel_loop3A_433 = arith.index_cast %parallel_loop3A_432 : i32 to index
        %parallel_loop3A_434 = tpu.vector_load %arg10[%parallel_loop3A_433] {strides = array<i32>} : memref<14336xf32, #tpu.memory_space<vmem>>, vector<16xf32>,
        tpu.vector_store %arg10[%parallel_loop3A_433], %parallel_loop3A_428 {strides = array<i32>} : memref<14336xf32, #tpu.memory_space<vmem>>, vector<16xf32>,
        %parallel_loop3A_435 = vector.broadcast %parallel_loop3A_320 : i32 to vector<16xi32>
        %parallel_loop3A_436 = arith.addi %add3A_182, %parallel_loop3A_435 : vector<16xi32>
        %parallel_loop3A_437 = tpu.vector_load_idx %arg8[%parallel_loop3A_436] : memref<28672xf32, #tpu.memory_space<vmem>>[vector<16xi32>], vector<16xf32>,
        %parallel_loop3A_438 = vector.broadcast %parallel_loop3A_320 : i32 to vector<16xi32>
        %parallel_loop3A_439 = arith.addi %add3A_192, %parallel_loop3A_438 : vector<16xi32>
        %parallel_loop3A_440 = tpu.vector_load_idx %arg8[%parallel_loop3A_439] : memref<28672xf32, #tpu.memory_space<vmem>>[vector<16xi32>], vector<16xf32>,
        %parallel_loop3A_441 = arith.constant 3.000000e-01 : f32
        %parallel_loop3A_442 = vector.broadcast %parallel_loop3A_441 : f32 to vector<16xf32>
        %parallel_loop3A_443 = arith.mulf %parallel_loop3A_437, %parallel_loop3A_442 : vector<16xf32>
        %parallel_loop3A_444 = arith.constant 0.699999988 : f32
        %parallel_loop3A_445 = vector.broadcast %parallel_loop3A_444 : f32 to vector<16xf32>
        %parallel_loop3A_446 = arith.mulf %parallel_loop3A_440, %parallel_loop3A_445 : vector<16xf32>
        %parallel_loop3A_447 = arith.addf %parallel_loop3A_443, %parallel_loop3A_446 : vector<16xf32>
        %parallel_loop3A_448 = arith.constant 128 : i32
        %parallel_loop3A_449 = arith.muli %parallel_loop3A_311, %parallel_loop3A_448 : i32
        %parallel_loop3A_450 = arith.constant 96 : i32
        %parallel_loop3A_451 = arith.addi %parallel_loop3A_449, %parallel_loop3A_450 : i32
        %parallel_loop3A_452 = arith.index_cast %parallel_loop3A_451 : i32 to index
        %parallel_loop3A_453 = tpu.vector_load %arg10[%parallel_loop3A_452] {strides = array<i32>} : memref<14336xf32, #tpu.memory_space<vmem>>, vector<16xf32>,
        tpu.vector_store %arg10[%parallel_loop3A_452], %parallel_loop3A_447 {strides = array<i32>} : memref<14336xf32, #tpu.memory_space<vmem>>, vector<16xf32>,
        %parallel_loop3A_454 = vector.broadcast %parallel_loop3A_320 : i32 to vector<16xi32>
        %parallel_loop3A_455 = arith.addi %add3A_210, %parallel_loop3A_454 : vector<16xi32>
        %parallel_loop3A_456 = tpu.vector_load_idx %arg8[%parallel_loop3A_455] : memref<28672xf32, #tpu.memory_space<vmem>>[vector<16xi32>], vector<16xf32>,
        %parallel_loop3A_457 = vector.broadcast %parallel_loop3A_320 : i32 to vector<16xi32>
        %parallel_loop3A_458 = arith.addi %add3A_220, %parallel_loop3A_457 : vector<16xi32>
        %parallel_loop3A_459 = tpu.vector_load_idx %arg8[%parallel_loop3A_458] : memref<28672xf32, #tpu.memory_space<vmem>>[vector<16xi32>], vector<16xf32>,
        %parallel_loop3A_460 = arith.constant 3.000000e-01 : f32
        %parallel_loop3A_461 = vector.broadcast %parallel_loop3A_460 : f32 to vector<16xf32>
        %parallel_loop3A_462 = arith.mulf %parallel_loop3A_456, %parallel_loop3A_461 : vector<16xf32>
        %parallel_loop3A_463 = arith.constant 0.699999988 : f32
        %parallel_loop3A_464 = vector.broadcast %parallel_loop3A_463 : f32 to vector<16xf32>
        %parallel_loop3A_465 = arith.mulf %parallel_loop3A_459, %parallel_loop3A_464 : vector<16xf32>
        %parallel_loop3A_466 = arith.addf %parallel_loop3A_462, %parallel_loop3A_465 : vector<16xf32>
        %parallel_loop3A_467 = arith.constant 128 : i32
        %parallel_loop3A_468 = arith.muli %parallel_loop3A_311, %parallel_loop3A_467 : i32
        %parallel_loop3A_469 = arith.constant 112 : i32
        %parallel_loop3A_470 = arith.addi %parallel_loop3A_468, %parallel_loop3A_469 : i32
        %parallel_loop3A_471 = arith.index_cast %parallel_loop3A_470 : i32 to index
        %parallel_loop3A_472 = tpu.vector_load %arg10[%parallel_loop3A_471] {strides = array<i32>} : memref<14336xf32, #tpu.memory_space<vmem>>, vector<16xf32>,
        tpu.vector_store %arg10[%parallel_loop3A_471], %parallel_loop3A_466 {strides = array<i32>} : memref<14336xf32, #tpu.memory_space<vmem>>, vector<16xf32>,
      } {sc.loop_unroll_factor = 2 : i64, sc.parallel_access}
      %mul3A_275 = arith.constant 128 : i32
      %mul3A_276 = arith.muli %add3A_265, %mul3A_275 : i32
      %dma_start3A_277 = tpu.memref_slice %arg5[%mul3A_276] : memref<19267584xf32, #tpu.memory_space<hbm>> -> memref<14336xf32, #tpu.memory_space<hbm>>
      %dma_start3A_278 = tpu.memref_slice %arg5[%mul3A_276] : memref<19267584xf32, #tpu.memory_space<hbm>> -> memref<14336xf32, #tpu.memory_space<hbm>>
      tpu.enqueue_dma source(%arg10 : memref<14336xf32, #tpu.memory_space<vmem>>) target(%dma_start3A_278 : memref<14336xf32, #tpu.memory_space<hbm>>) target_semaphore(%arg16 : memref<!tpu.dma_semaphore, #tpu.memory_space<semaphore_mem>>)
      %lt3A = arith.constant 20 : i32
      %lt3A_279 = arith.cmpi slt, %scan3A_258, %lt3A : i32
      %convert_element_type3A_280 = arith.extui %lt3A_279 : i1 to i32
      %cond3A_281 = arith.constant 0 : i32
      %cond3A_282 = arith.cmpi ne, %convert_element_type3A_280, %cond3A_281 : i32
      scf.if %cond3A_282 {
        %add3A_311 = arith.constant 224 : i32
        %add3A_312 = arith.addi %add3A_265, %add3A_311 : i32
        %mul3A_313 = arith.constant 256 : i32
        %mul3A_314 = arith.muli %add3A_312, %mul3A_313 : i32
        %dma_start3A_315 = tpu.memref_slice %arg2[%mul3A_314] : memref<38535168xf32, #tpu.memory_space<hbm>> -> memref<28672xf32, #tpu.memory_space<hbm>>
        %dma_start3A_316 = tpu.memref_slice %arg2[%mul3A_314] : memref<38535168xf32, #tpu.memory_space<hbm>> -> memref<28672xf32, #tpu.memory_space<hbm>>
        tpu.enqueue_dma source(%dma_start3A_316 : memref<28672xf32, #tpu.memory_space<hbm>>) target(%arg8 : memref<28672xf32, #tpu.memory_space<vmem>>) target_semaphore(%arg14 : memref<!tpu.dma_semaphore, #tpu.memory_space<semaphore_mem>>)
      } else {
      }
      %mul3A_283 = arith.constant 2 : i32
      %mul3A_284 = arith.muli %scan3A_258, %mul3A_283 : i32
      %add3A_285 = arith.constant 1 : i32
      %add3A_286 = arith.addi %mul3A_284, %add3A_285 : i32
      %mul3A_287 = arith.constant 112 : i32
      %mul3A_288 = arith.muli %add3A_286, %mul3A_287 : i32
      %add3A_289 = arith.addi %mul3A_230, %mul3A_288 : i32
      %mul3A_290 = arith.constant 256 : i32
      %mul3A_291 = arith.muli %add3A_289, %mul3A_290 : i32
      %dma_wait3A_292 = tpu.memref_slice %arg2[%mul3A_291] : memref<38535168xf32, #tpu.memory_space<hbm>> -> memref<28672xf32, #tpu.memory_space<hbm>>
      %dma_wait3A_293 = tpu.memref_slice %arg2[%mul3A_291] : memref<38535168xf32, #tpu.memory_space<hbm>> -> memref<28672xf32, #tpu.memory_space<hbm>>
      tpu.wait_dma2 semaphore(%arg15 : memref<!tpu.dma_semaphore, #tpu.memory_space<semaphore_mem>>) src(%dma_wait3A_293 : memref<28672xf32, #tpu.memory_space<hbm>>) dst(%arg9 : memref<28672xf32, #tpu.memory_space<vmem>>)
      %gt3A_294 = arith.constant 0 : i32
      %gt3A_295 = arith.cmpi sgt, %scan3A_258, %gt3A_294 : i32
      %convert_element_type3A_296 = arith.extui %gt3A_295 : i1 to i32
      %cond3A_297 = arith.constant 0 : i32
      %cond3A_298 = arith.cmpi ne, %convert_element_type3A_296, %cond3A_297 : i32
      scf.if %cond3A_298 {
        %mul3A_311 = arith.constant 128 : i32
        %mul3A_312 = arith.muli %add3A_289, %mul3A_311 : i32
        %dma_wait3A_313 = tpu.memref_slice %arg5[%mul3A_312] : memref<19267584xf32, #tpu.memory_space<hbm>> -> memref<14336xf32, #tpu.memory_space<hbm>>
        %dma_wait3A_314 = tpu.memref_slice %arg5[%mul3A_312] : memref<19267584xf32, #tpu.memory_space<hbm>> -> memref<14336xf32, #tpu.memory_space<hbm>>
        tpu.wait_dma2 semaphore(%arg17 : memref<!tpu.dma_semaphore, #tpu.memory_space<semaphore_mem>>) src(%arg11 : memref<14336xf32, #tpu.memory_space<vmem>>) dst(%dma_wait3A_314 : memref<14336xf32, #tpu.memory_space<hbm>>)
      } else {
      }
      %parallel_loop3A_299 = arith.constant 0 : i32
      %parallel_loop3A_300 = arith.constant 112 : i32
      %parallel_loop3A_301 = arith.constant 1 : i32
      scf.for %parallel_loop3A_311 = %parallel_loop3A_299 to %parallel_loop3A_300 step %parallel_loop3A_301  : i32 {
        %parallel_loop3A_312 = arith.constant 3 : i32
        %parallel_loop3A_313 = arith.shrsi %parallel_loop3A_311, %parallel_loop3A_312 : i32
        %parallel_loop3A_314 = arith.constant 11 : i32
        %parallel_loop3A_315 = arith.shli %parallel_loop3A_313, %parallel_loop3A_314 : i32
        %parallel_loop3A_316 = arith.constant 7 : i32
        %parallel_loop3A_317 = arith.andi %parallel_loop3A_311, %parallel_loop3A_316 : i32
        %parallel_loop3A_318 = arith.constant 7 : i32
        %parallel_loop3A_319 = arith.shli %parallel_loop3A_317, %parallel_loop3A_318 : i32
        %parallel_loop3A_320 = arith.addi %parallel_loop3A_315, %parallel_loop3A_319 : i32
        %parallel_loop3A_321 = vector.broadcast %parallel_loop3A_320 : i32 to vector<16xi32>
        %parallel_loop3A_322 = arith.addi %add3A_14, %parallel_loop3A_321 : vector<16xi32>
        %parallel_loop3A_323 = tpu.vector_load_idx %arg9[%parallel_loop3A_322] : memref<28672xf32, #tpu.memory_space<vmem>>[vector<16xi32>], vector<16xf32>,
        %parallel_loop3A_324 = vector.broadcast %parallel_loop3A_320 : i32 to vector<16xi32>
        %parallel_loop3A_325 = arith.addi %add3A_24, %parallel_loop3A_324 : vector<16xi32>
        %parallel_loop3A_326 = tpu.vector_load_idx %arg9[%parallel_loop3A_325] : memref<28672xf32, #tpu.memory_space<vmem>>[vector<16xi32>], vector<16xf32>,
        %parallel_loop3A_327 = arith.constant 3.000000e-01 : f32
        %parallel_loop3A_328 = vector.broadcast %parallel_loop3A_327 : f32 to vector<16xf32>
        %parallel_loop3A_329 = arith.mulf %parallel_loop3A_323, %parallel_loop3A_328 : vector<16xf32>
        %parallel_loop3A_330 = arith.constant 0.699999988 : f32
        %parallel_loop3A_331 = vector.broadcast %parallel_loop3A_330 : f32 to vector<16xf32>
        %parallel_loop3A_332 = arith.mulf %parallel_loop3A_326, %parallel_loop3A_331 : vector<16xf32>
        %parallel_loop3A_333 = arith.addf %parallel_loop3A_329, %parallel_loop3A_332 : vector<16xf32>
        %parallel_loop3A_334 = arith.constant 128 : i32
        %parallel_loop3A_335 = arith.muli %parallel_loop3A_311, %parallel_loop3A_334 : i32
        %parallel_loop3A_336 = arith.constant 0 : i32
        %parallel_loop3A_337 = arith.addi %parallel_loop3A_335, %parallel_loop3A_336 : i32
        %parallel_loop3A_338 = arith.index_cast %parallel_loop3A_337 : i32 to index
        %parallel_loop3A_339 = tpu.vector_load %arg11[%parallel_loop3A_338] {strides = array<i32>} : memref<14336xf32, #tpu.memory_space<vmem>>, vector<16xf32>,
        tpu.vector_store %arg11[%parallel_loop3A_338], %parallel_loop3A_333 {strides = array<i32>} : memref<14336xf32, #tpu.memory_space<vmem>>, vector<16xf32>,
        %parallel_loop3A_340 = vector.broadcast %parallel_loop3A_320 : i32 to vector<16xi32>
        %parallel_loop3A_341 = arith.addi %add3A_42, %parallel_loop3A_340 : vector<16xi32>
        %parallel_loop3A_342 = tpu.vector_load_idx %arg9[%parallel_loop3A_341] : memref<28672xf32, #tpu.memory_space<vmem>>[vector<16xi32>], vector<16xf32>,
        %parallel_loop3A_343 = vector.broadcast %parallel_loop3A_320 : i32 to vector<16xi32>
        %parallel_loop3A_344 = arith.addi %add3A_52, %parallel_loop3A_343 : vector<16xi32>
        %parallel_loop3A_345 = tpu.vector_load_idx %arg9[%parallel_loop3A_344] : memref<28672xf32, #tpu.memory_space<vmem>>[vector<16xi32>], vector<16xf32>,
        %parallel_loop3A_346 = arith.constant 3.000000e-01 : f32
        %parallel_loop3A_347 = vector.broadcast %parallel_loop3A_346 : f32 to vector<16xf32>
        %parallel_loop3A_348 = arith.mulf %parallel_loop3A_342, %parallel_loop3A_347 : vector<16xf32>
        %parallel_loop3A_349 = arith.constant 0.699999988 : f32
        %parallel_loop3A_350 = vector.broadcast %parallel_loop3A_349 : f32 to vector<16xf32>
        %parallel_loop3A_351 = arith.mulf %parallel_loop3A_345, %parallel_loop3A_350 : vector<16xf32>
        %parallel_loop3A_352 = arith.addf %parallel_loop3A_348, %parallel_loop3A_351 : vector<16xf32>
        %parallel_loop3A_353 = arith.constant 128 : i32
        %parallel_loop3A_354 = arith.muli %parallel_loop3A_311, %parallel_loop3A_353 : i32
        %parallel_loop3A_355 = arith.constant 16 : i32
        %parallel_loop3A_356 = arith.addi %parallel_loop3A_354, %parallel_loop3A_355 : i32
        %parallel_loop3A_357 = arith.index_cast %parallel_loop3A_356 : i32 to index
        %parallel_loop3A_358 = tpu.vector_load %arg11[%parallel_loop3A_357] {strides = array<i32>} : memref<14336xf32, #tpu.memory_space<vmem>>, vector<16xf32>,
        tpu.vector_store %arg11[%parallel_loop3A_357], %parallel_loop3A_352 {strides = array<i32>} : memref<14336xf32, #tpu.memory_space<vmem>>, vector<16xf32>,
        %parallel_loop3A_359 = vector.broadcast %parallel_loop3A_320 : i32 to vector<16xi32>
        %parallel_loop3A_360 = arith.addi %add3A_70, %parallel_loop3A_359 : vector<16xi32>
        %parallel_loop3A_361 = tpu.vector_load_idx %arg9[%parallel_loop3A_360] : memref<28672xf32, #tpu.memory_space<vmem>>[vector<16xi32>], vector<16xf32>,
        %parallel_loop3A_362 = vector.broadcast %parallel_loop3A_320 : i32 to vector<16xi32>
        %parallel_loop3A_363 = arith.addi %add3A_80, %parallel_loop3A_362 : vector<16xi32>
        %parallel_loop3A_364 = tpu.vector_load_idx %arg9[%parallel_loop3A_363] : memref<28672xf32, #tpu.memory_space<vmem>>[vector<16xi32>], vector<16xf32>,
        %parallel_loop3A_365 = arith.constant 3.000000e-01 : f32
        %parallel_loop3A_366 = vector.broadcast %parallel_loop3A_365 : f32 to vector<16xf32>
        %parallel_loop3A_367 = arith.mulf %parallel_loop3A_361, %parallel_loop3A_366 : vector<16xf32>
        %parallel_loop3A_368 = arith.constant 0.699999988 : f32
        %parallel_loop3A_369 = vector.broadcast %parallel_loop3A_368 : f32 to vector<16xf32>
        %parallel_loop3A_370 = arith.mulf %parallel_loop3A_364, %parallel_loop3A_369 : vector<16xf32>
        %parallel_loop3A_371 = arith.addf %parallel_loop3A_367, %parallel_loop3A_370 : vector<16xf32>
        %parallel_loop3A_372 = arith.constant 128 : i32
        %parallel_loop3A_373 = arith.muli %parallel_loop3A_311, %parallel_loop3A_372 : i32
        %parallel_loop3A_374 = arith.constant 32 : i32
        %parallel_loop3A_375 = arith.addi %parallel_loop3A_373, %parallel_loop3A_374 : i32
        %parallel_loop3A_376 = arith.index_cast %parallel_loop3A_375 : i32 to index
        %parallel_loop3A_377 = tpu.vector_load %arg11[%parallel_loop3A_376] {strides = array<i32>} : memref<14336xf32, #tpu.memory_space<vmem>>, vector<16xf32>,
        tpu.vector_store %arg11[%parallel_loop3A_376], %parallel_loop3A_371 {strides = array<i32>} : memref<14336xf32, #tpu.memory_space<vmem>>, vector<16xf32>,
        %parallel_loop3A_378 = vector.broadcast %parallel_loop3A_320 : i32 to vector<16xi32>
        %parallel_loop3A_379 = arith.addi %add3A_98, %parallel_loop3A_378 : vector<16xi32>
        %parallel_loop3A_380 = tpu.vector_load_idx %arg9[%parallel_loop3A_379] : memref<28672xf32, #tpu.memory_space<vmem>>[vector<16xi32>], vector<16xf32>,
        %parallel_loop3A_381 = vector.broadcast %parallel_loop3A_320 : i32 to vector<16xi32>
        %parallel_loop3A_382 = arith.addi %add3A_108, %parallel_loop3A_381 : vector<16xi32>
        %parallel_loop3A_383 = tpu.vector_load_idx %arg9[%parallel_loop3A_382] : memref<28672xf32, #tpu.memory_space<vmem>>[vector<16xi32>], vector<16xf32>,
        %parallel_loop3A_384 = arith.constant 3.000000e-01 : f32
        %parallel_loop3A_385 = vector.broadcast %parallel_loop3A_384 : f32 to vector<16xf32>
        %parallel_loop3A_386 = arith.mulf %parallel_loop3A_380, %parallel_loop3A_385 : vector<16xf32>
        %parallel_loop3A_387 = arith.constant 0.699999988 : f32
        %parallel_loop3A_388 = vector.broadcast %parallel_loop3A_387 : f32 to vector<16xf32>
        %parallel_loop3A_389 = arith.mulf %parallel_loop3A_383, %parallel_loop3A_388 : vector<16xf32>
        %parallel_loop3A_390 = arith.addf %parallel_loop3A_386, %parallel_loop3A_389 : vector<16xf32>
        %parallel_loop3A_391 = arith.constant 128 : i32
        %parallel_loop3A_392 = arith.muli %parallel_loop3A_311, %parallel_loop3A_391 : i32
        %parallel_loop3A_393 = arith.constant 48 : i32
        %parallel_loop3A_394 = arith.addi %parallel_loop3A_392, %parallel_loop3A_393 : i32
        %parallel_loop3A_395 = arith.index_cast %parallel_loop3A_394 : i32 to index
        %parallel_loop3A_396 = tpu.vector_load %arg11[%parallel_loop3A_395] {strides = array<i32>} : memref<14336xf32, #tpu.memory_space<vmem>>, vector<16xf32>,
        tpu.vector_store %arg11[%parallel_loop3A_395], %parallel_loop3A_390 {strides = array<i32>} : memref<14336xf32, #tpu.memory_space<vmem>>, vector<16xf32>,
        %parallel_loop3A_397 = vector.broadcast %parallel_loop3A_320 : i32 to vector<16xi32>
        %parallel_loop3A_398 = arith.addi %add3A_126, %parallel_loop3A_397 : vector<16xi32>
        %parallel_loop3A_399 = tpu.vector_load_idx %arg9[%parallel_loop3A_398] : memref<28672xf32, #tpu.memory_space<vmem>>[vector<16xi32>], vector<16xf32>,
        %parallel_loop3A_400 = vector.broadcast %parallel_loop3A_320 : i32 to vector<16xi32>
        %parallel_loop3A_401 = arith.addi %add3A_136, %parallel_loop3A_400 : vector<16xi32>
        %parallel_loop3A_402 = tpu.vector_load_idx %arg9[%parallel_loop3A_401] : memref<28672xf32, #tpu.memory_space<vmem>>[vector<16xi32>], vector<16xf32>,
        %parallel_loop3A_403 = arith.constant 3.000000e-01 : f32
        %parallel_loop3A_404 = vector.broadcast %parallel_loop3A_403 : f32 to vector<16xf32>
        %parallel_loop3A_405 = arith.mulf %parallel_loop3A_399, %parallel_loop3A_404 : vector<16xf32>
        %parallel_loop3A_406 = arith.constant 0.699999988 : f32
        %parallel_loop3A_407 = vector.broadcast %parallel_loop3A_406 : f32 to vector<16xf32>
        %parallel_loop3A_408 = arith.mulf %parallel_loop3A_402, %parallel_loop3A_407 : vector<16xf32>
        %parallel_loop3A_409 = arith.addf %parallel_loop3A_405, %parallel_loop3A_408 : vector<16xf32>
        %parallel_loop3A_410 = arith.constant 128 : i32
        %parallel_loop3A_411 = arith.muli %parallel_loop3A_311, %parallel_loop3A_410 : i32
        %parallel_loop3A_412 = arith.constant 64 : i32
        %parallel_loop3A_413 = arith.addi %parallel_loop3A_411, %parallel_loop3A_412 : i32
        %parallel_loop3A_414 = arith.index_cast %parallel_loop3A_413 : i32 to index
        %parallel_loop3A_415 = tpu.vector_load %arg11[%parallel_loop3A_414] {strides = array<i32>} : memref<14336xf32, #tpu.memory_space<vmem>>, vector<16xf32>,
        tpu.vector_store %arg11[%parallel_loop3A_414], %parallel_loop3A_409 {strides = array<i32>} : memref<14336xf32, #tpu.memory_space<vmem>>, vector<16xf32>,
        %parallel_loop3A_416 = vector.broadcast %parallel_loop3A_320 : i32 to vector<16xi32>
        %parallel_loop3A_417 = arith.addi %add3A_154, %parallel_loop3A_416 : vector<16xi32>
        %parallel_loop3A_418 = tpu.vector_load_idx %arg9[%parallel_loop3A_417] : memref<28672xf32, #tpu.memory_space<vmem>>[vector<16xi32>], vector<16xf32>,
        %parallel_loop3A_419 = vector.broadcast %parallel_loop3A_320 : i32 to vector<16xi32>
        %parallel_loop3A_420 = arith.addi %add3A_164, %parallel_loop3A_419 : vector<16xi32>
        %parallel_loop3A_421 = tpu.vector_load_idx %arg9[%parallel_loop3A_420] : memref<28672xf32, #tpu.memory_space<vmem>>[vector<16xi32>], vector<16xf32>,
        %parallel_loop3A_422 = arith.constant 3.000000e-01 : f32
        %parallel_loop3A_423 = vector.broadcast %parallel_loop3A_422 : f32 to vector<16xf32>
        %parallel_loop3A_424 = arith.mulf %parallel_loop3A_418, %parallel_loop3A_423 : vector<16xf32>
        %parallel_loop3A_425 = arith.constant 0.699999988 : f32
        %parallel_loop3A_426 = vector.broadcast %parallel_loop3A_425 : f32 to vector<16xf32>
        %parallel_loop3A_427 = arith.mulf %parallel_loop3A_421, %parallel_loop3A_426 : vector<16xf32>
        %parallel_loop3A_428 = arith.addf %parallel_loop3A_424, %parallel_loop3A_427 : vector<16xf32>
        %parallel_loop3A_429 = arith.constant 128 : i32
        %parallel_loop3A_430 = arith.muli %parallel_loop3A_311, %parallel_loop3A_429 : i32
        %parallel_loop3A_431 = arith.constant 80 : i32
        %parallel_loop3A_432 = arith.addi %parallel_loop3A_430, %parallel_loop3A_431 : i32
        %parallel_loop3A_433 = arith.index_cast %parallel_loop3A_432 : i32 to index
        %parallel_loop3A_434 = tpu.vector_load %arg11[%parallel_loop3A_433] {strides = array<i32>} : memref<14336xf32, #tpu.memory_space<vmem>>, vector<16xf32>,
        tpu.vector_store %arg11[%parallel_loop3A_433], %parallel_loop3A_428 {strides = array<i32>} : memref<14336xf32, #tpu.memory_space<vmem>>, vector<16xf32>,
        %parallel_loop3A_435 = vector.broadcast %parallel_loop3A_320 : i32 to vector<16xi32>
        %parallel_loop3A_436 = arith.addi %add3A_182, %parallel_loop3A_435 : vector<16xi32>
        %parallel_loop3A_437 = tpu.vector_load_idx %arg9[%parallel_loop3A_436] : memref<28672xf32, #tpu.memory_space<vmem>>[vector<16xi32>], vector<16xf32>,
        %parallel_loop3A_438 = vector.broadcast %parallel_loop3A_320 : i32 to vector<16xi32>
        %parallel_loop3A_439 = arith.addi %add3A_192, %parallel_loop3A_438 : vector<16xi32>
        %parallel_loop3A_440 = tpu.vector_load_idx %arg9[%parallel_loop3A_439] : memref<28672xf32, #tpu.memory_space<vmem>>[vector<16xi32>], vector<16xf32>,
        %parallel_loop3A_441 = arith.constant 3.000000e-01 : f32
        %parallel_loop3A_442 = vector.broadcast %parallel_loop3A_441 : f32 to vector<16xf32>
        %parallel_loop3A_443 = arith.mulf %parallel_loop3A_437, %parallel_loop3A_442 : vector<16xf32>
        %parallel_loop3A_444 = arith.constant 0.699999988 : f32
        %parallel_loop3A_445 = vector.broadcast %parallel_loop3A_444 : f32 to vector<16xf32>
        %parallel_loop3A_446 = arith.mulf %parallel_loop3A_440, %parallel_loop3A_445 : vector<16xf32>
        %parallel_loop3A_447 = arith.addf %parallel_loop3A_443, %parallel_loop3A_446 : vector<16xf32>
        %parallel_loop3A_448 = arith.constant 128 : i32
        %parallel_loop3A_449 = arith.muli %parallel_loop3A_311, %parallel_loop3A_448 : i32
        %parallel_loop3A_450 = arith.constant 96 : i32
        %parallel_loop3A_451 = arith.addi %parallel_loop3A_449, %parallel_loop3A_450 : i32
        %parallel_loop3A_452 = arith.index_cast %parallel_loop3A_451 : i32 to index
        %parallel_loop3A_453 = tpu.vector_load %arg11[%parallel_loop3A_452] {strides = array<i32>} : memref<14336xf32, #tpu.memory_space<vmem>>, vector<16xf32>,
        tpu.vector_store %arg11[%parallel_loop3A_452], %parallel_loop3A_447 {strides = array<i32>} : memref<14336xf32, #tpu.memory_space<vmem>>, vector<16xf32>,
        %parallel_loop3A_454 = vector.broadcast %parallel_loop3A_320 : i32 to vector<16xi32>
        %parallel_loop3A_455 = arith.addi %add3A_210, %parallel_loop3A_454 : vector<16xi32>
        %parallel_loop3A_456 = tpu.vector_load_idx %arg9[%parallel_loop3A_455] : memref<28672xf32, #tpu.memory_space<vmem>>[vector<16xi32>], vector<16xf32>,
        %parallel_loop3A_457 = vector.broadcast %parallel_loop3A_320 : i32 to vector<16xi32>
        %parallel_loop3A_458 = arith.addi %add3A_220, %parallel_loop3A_457 : vector<16xi32>
        %parallel_loop3A_459 = tpu.vector_load_idx %arg9[%parallel_loop3A_458] : memref<28672xf32, #tpu.memory_space<vmem>>[vector<16xi32>], vector<16xf32>,
        %parallel_loop3A_460 = arith.constant 3.000000e-01 : f32
        %parallel_loop3A_461 = vector.broadcast %parallel_loop3A_460 : f32 to vector<16xf32>
        %parallel_loop3A_462 = arith.mulf %parallel_loop3A_456, %parallel_loop3A_461 : vector<16xf32>
        %parallel_loop3A_463 = arith.constant 0.699999988 : f32
        %parallel_loop3A_464 = vector.broadcast %parallel_loop3A_463 : f32 to vector<16xf32>
        %parallel_loop3A_465 = arith.mulf %parallel_loop3A_459, %parallel_loop3A_464 : vector<16xf32>
        %parallel_loop3A_466 = arith.addf %parallel_loop3A_462, %parallel_loop3A_465 : vector<16xf32>
        %parallel_loop3A_467 = arith.constant 128 : i32
        %parallel_loop3A_468 = arith.muli %parallel_loop3A_311, %parallel_loop3A_467 : i32
        %parallel_loop3A_469 = arith.constant 112 : i32
        %parallel_loop3A_470 = arith.addi %parallel_loop3A_468, %parallel_loop3A_469 : i32
        %parallel_loop3A_471 = arith.index_cast %parallel_loop3A_470 : i32 to index
        %parallel_loop3A_472 = tpu.vector_load %arg11[%parallel_loop3A_471] {strides = array<i32>} : memref<14336xf32, #tpu.memory_space<vmem>>, vector<16xf32>,
        tpu.vector_store %arg11[%parallel_loop3A_471], %parallel_loop3A_466 {strides = array<i32>} : memref<14336xf32, #tpu.memory_space<vmem>>, vector<16xf32>,
      } {sc.loop_unroll_factor = 2 : i64, sc.parallel_access}
      %mul3A_302 = arith.constant 128 : i32
      %mul3A_303 = arith.muli %add3A_289, %mul3A_302 : i32
      %dma_start3A_304 = tpu.memref_slice %arg5[%mul3A_303] : memref<19267584xf32, #tpu.memory_space<hbm>> -> memref<14336xf32, #tpu.memory_space<hbm>>
      %dma_start3A_305 = tpu.memref_slice %arg5[%mul3A_303] : memref<19267584xf32, #tpu.memory_space<hbm>> -> memref<14336xf32, #tpu.memory_space<hbm>>
      tpu.enqueue_dma source(%arg11 : memref<14336xf32, #tpu.memory_space<vmem>>) target(%dma_start3A_305 : memref<14336xf32, #tpu.memory_space<hbm>>) target_semaphore(%arg17 : memref<!tpu.dma_semaphore, #tpu.memory_space<semaphore_mem>>)
      %lt3A_306 = arith.constant 20 : i32
      %lt3A_307 = arith.cmpi slt, %scan3A_258, %lt3A_306 : i32
      %convert_element_type3A_308 = arith.extui %lt3A_307 : i1 to i32
      %cond3A_309 = arith.constant 0 : i32
      %cond3A_310 = arith.cmpi ne, %convert_element_type3A_308, %cond3A_309 : i32
      scf.if %cond3A_310 {
        %add3A_311 = arith.constant 224 : i32
        %add3A_312 = arith.addi %add3A_289, %add3A_311 : i32
        %mul3A_313 = arith.constant 256 : i32
        %mul3A_314 = arith.muli %add3A_312, %mul3A_313 : i32
        %dma_start3A_315 = tpu.memref_slice %arg2[%mul3A_314] : memref<38535168xf32, #tpu.memory_space<hbm>> -> memref<28672xf32, #tpu.memory_space<hbm>>
        %dma_start3A_316 = tpu.memref_slice %arg2[%mul3A_314] : memref<38535168xf32, #tpu.memory_space<hbm>> -> memref<28672xf32, #tpu.memory_space<hbm>>
        tpu.enqueue_dma source(%dma_start3A_316 : memref<28672xf32, #tpu.memory_space<hbm>>) target(%arg9 : memref<28672xf32, #tpu.memory_space<vmem>>) target_semaphore(%arg15 : memref<!tpu.dma_semaphore, #tpu.memory_space<semaphore_mem>>)
      } else {
      }
    }
    %scan3A_246 = arith.constant 21 : i32
    %add3A_247 = arith.constant 4480 : i32
    %add3A_248 = arith.addi %mul3A_230, %add3A_247 : i32
    %mul3A_249 = arith.constant 128 : i32
    %mul3A_250 = arith.muli %add3A_248, %mul3A_249 : i32
    %dma_wait3A = tpu.memref_slice %arg5[%mul3A_250] : memref<19267584xf32, #tpu.memory_space<hbm>> -> memref<14336xf32, #tpu.memory_space<hbm>>
    %dma_wait3A_251 = tpu.memref_slice %arg5[%mul3A_250] : memref<19267584xf32, #tpu.memory_space<hbm>> -> memref<14336xf32, #tpu.memory_space<hbm>>
    tpu.wait_dma2 semaphore(%arg16 : memref<!tpu.dma_semaphore, #tpu.memory_space<semaphore_mem>>) src(%arg10 : memref<14336xf32, #tpu.memory_space<vmem>>) dst(%dma_wait3A_251 : memref<14336xf32, #tpu.memory_space<hbm>>)
    %add3A_252 = arith.constant 4592 : i32
    %add3A_253 = arith.addi %mul3A_230, %add3A_252 : i32
    %mul3A_254 = arith.constant 128 : i32
    %mul3A_255 = arith.muli %add3A_253, %mul3A_254 : i32
    %dma_wait3A_256 = tpu.memref_slice %arg5[%mul3A_255] : memref<19267584xf32, #tpu.memory_space<hbm>> -> memref<14336xf32, #tpu.memory_space<hbm>>
    %dma_wait3A_257 = tpu.memref_slice %arg5[%mul3A_255] : memref<19267584xf32, #tpu.memory_space<hbm>> -> memref<14336xf32, #tpu.memory_space<hbm>>
    tpu.wait_dma2 semaphore(%arg17 : memref<!tpu.dma_semaphore, #tpu.memory_space<semaphore_mem>>) src(%arg11 : memref<14336xf32, #tpu.memory_space<vmem>>) dst(%dma_wait3A_257 : memref<14336xf32, #tpu.memory_space<hbm>>)
    return
  }
}

</mosaic_0001>

<sc_bundles>
// kernel: _mixup.3.cloned.1.call-start
scs
__scs_entry_jumppad:
0x0: {  	(pc) =	sbr.rel $0x88, $3  }
0x1: {  	(tag) =	ssettag $0x0;
	lr =	simm.s32 $0x1  }
0x2: {  	[smem:$0x3F9E] =	sst lr;
	_ =	strace $0xD0000000  }
0x3: {  	_ = 	snop  }
0x4: {  	_ = 	snop  }
0x5: {  	_ = 	snop  }
0x6: {  	_ = 	snop  }
0x7: {  	_ = 	snop  }
__scs_overlays_trampoline_lowered:
0x8: {  	[smem:$0x3FAD] =	sst s0  }
0x9: {  	[smem:$0x3FAE] =	sst s1  }
0xa: {  	[smem:$0x3FAF] =	sst s2  }
0xb: {  	[smem:$0x3FB0] =	sst s3  }
0xc: {  	[smem:$0x3FB1] =	sst s4  }
0xd: {  	[smem:$0x3FB2] =	sst s5  }
0xe: {  	[smem:$0x3FB3] =	sst s6  }
0xf: {  	[smem:$0x3FB4] =	sst s7  }
0x10: {  	[smem:$0x3FB5] =	sst s8  }
0x11: {  	[smem:$0x3FB6] =	sst s9;
	s0 =	simm.s32 @!p0 $0x0  }
0x12: {  	s1 =	sld [smem:$0x3F9C];
	s0 =	simm.s32 @p0 $0x1  }
0x13: {  	[smem:$0x3FB7] =	sst s0;
	s0 =	simm.s32 @!p1 $0x0  }
0x14: {  	s2 =	sld [smem:$0x3F9B];
	s0 =	simm.s32 @p1 $0x1  }
0x15: {  	[smem:$0x3FB8] =	sst s0;
	s0 =	simm.s32 @!p2 $0x0  }
0x16: {  	s3 =	sld [smem:$0x3FDB];
	s0 =	simm.s32 @p2 $0x1  }
0x17: {  	s4 =	simm.s32 $0x1BF5;
	[smem:$0x3FBA] =	sst s0  }
0x18: {  	s0 =	sld [smem:$0x3F9D];
	_ =	swait.ge [sflag:s4], $0x0  }
0x19: {  	s7 =	sld [smem:$0x3F9E]  }
0x1a: {  	s8 =	sadd.s32 $0xFFFFE003, lr  }
0x1b: {  	s9 =	sadd.s32 $0xFFFFFEF7, lr;
	s5 =	simm.s32 $0xFFFFFFFF;
	p2 =	slt.u32 s8, $0xFFFFF086  }
0x1c: {  	p1 =	slt.u32 s9, $0xF7A;
	s5 =	simm.s32 @!p2 $0x0  }
0x1d: {  	s5 =	simm.s32 @p1 $0x1;
	p0 =	seq.s32 s7, s2  }
0x1e: {  	s7 =	smul.u32 @!p0 $0xF7A, s2;
	p2 =	seq.s32 @!p0 s5, $0x0  }
0x1f: {  	s9 =	smul.u32 $0xF7A, s1;
	s8 =	simm.s32 @!p0 $0x1BF5;
	p2 =	por !p2, p0  }
0x20: {  	[sflag:s8] =	ssyncset.s32 @!p0 $0xFFFFF086;
	s6 =	sadd.s32 @!p0 s3, s7;
	s7 =	simm.s32 @!p0 $0x108  }
0x21: {  	s3 =	sadd.s32 s3, s9;
	s6 =	sadd.s32 @!p0 $0x88, s6;
	s7 =	simm.s32 @p2 $0x1082  }
0x22: {  	[simem:s7], [sflag:s8] =	dma.local @!p0 [hbm:s6], $0xF7A  }
0x23: {  	s9 =	sor.u32 $0xD0000000, s2;
	s6 =	simm.s32 $0x108;
	_ =	swait.ge @!p0 [sflag:s8], $0x0  }
0x24: {  	s3 =	sadd.s32 $0x88, s3;
	s6 =	simm.s32 @!p1 $0x1082;
	[sflag:s4] =	ssyncset.s32 $0xFFFFF086  }
0x25: {  	[simem:s6], [sflag:s4] =	dma.local [hbm:s3], $0xF7A  }
0x26: {  	[smem:$0x3F9E] =	sst s1;
	(tag) =	ssettag s2;
	_ =	strace s9  }
0x27: {  	s1 =	sld [smem:$0x3FAE]  }
0x28: {  	s2 =	sld [smem:$0x3FAF]  }
0x29: {  	s4 =	sld [smem:$0x3FB1]  }
0x2a: {  	p0 =	seq.s32 s5, $0x0;
	s5 =	sld [smem:$0x3FB2]  }
0x2b: {  	s6 =	sld [smem:$0x3FB3]  }
0x2c: {  	s7 =	sld [smem:$0x3FB4]  }
0x2d: {  	s3 =	simm.s32 $0x108;
	s8 =	sld [smem:$0x3FB5]  }
0x2e: {  	s3 =	simm.s32 @!p0 $0x1082;
	s9 =	sld [smem:$0x3FB6]  }
0x2f: {  	lr =	sadd.s32 s0, s3;
	s0 =	sld [smem:$0x3FAD]  }
0x30: {  	s3 =	sld [smem:$0x3FB0]  }
0x31: {  	[smem:$0x3FB9] =	sst s10  }
0x32: {  	s10 =	sld [smem:$0x3FB7];
	_ =	sdelay $0x3  }
0x33: {  	p0 =	seq.s32 s10, $0x1;
	s10 =	sld [smem:$0x3FB9];
	_ =	sdelay $0x3  }
0x34: {  	[smem:$0x3FB9] =	sst s10  }
0x35: {  	s10 =	sld [smem:$0x3FB8];
	_ =	sdelay $0x3  }
0x36: {  	p1 =	seq.s32 s10, $0x1;
	s10 =	sld [smem:$0x3FB9];
	_ =	sdelay $0x3  }
0x37: {  	[smem:$0x3FB9] =	sst s10  }
0x38: {  	s10 =	sld [smem:$0x3FBA]  }
0x39: {  	_ = 	snop;
	(pc) =	sbr.ind lr, $3  }
0x3a: {  	_ = 	snop  }
0x3b: {  	_ = 	snop  }
0x3c: {  	p2 =	seq.s32 s10, $0x1;
	s10 =	sld [smem:$0x3FB9]  }
0x3d: {  	_ =	shalt  }
0x3e: {  	_ =	shalt  }
0x3f: {  	_ =	shalt  }
0x40: {  	_ =	shalt  }
0x41: {  	_ =	shalt  }
0x42: {  	_ =	shalt  }
0x43: {  	_ =	shalt  }
0x44: {  	_ =	shalt  }
0x45: {  	_ =	shalt  }
0x46: {  	_ =	shalt  }
0x47: {  	_ =	shalt  }
0x48: {  	_ =	shalt  }
0x49: {  	_ =	shalt  }
0x4a: {  	_ =	shalt  }
0x4b: {  	_ =	shalt  }
0x4c: {  	_ =	shalt  }
0x4d: {  	_ =	shalt  }
0x4e: {  	_ =	shalt  }
0x4f: {  	_ =	shalt  }
0x50: {  	_ =	shalt  }
0x51: {  	_ =	shalt  }
0x52: {  	_ =	shalt  }
0x53: {  	_ =	shalt  }
0x54: {  	_ =	shalt  }
0x55: {  	_ =	shalt  }
0x56: {  	_ =	shalt  }
0x57: {  	_ =	shalt  }
0x58: {  	_ =	shalt  }
0x59: {  	_ =	shalt  }
0x5a: {  	_ =	shalt  }
0x5b: {  	_ =	shalt  }
0x5c: {  	_ =	shalt  }
0x5d: {  	_ =	shalt  }
0x5e: {  	_ =	shalt  }
0x5f: {  	_ =	shalt  }
0x60: {  	_ =	shalt  }
0x61: {  	_ =	shalt  }
0x62: {  	_ =	shalt  }
0x63: {  	_ =	shalt  }
0x64: {  	_ =	shalt  }
0x65: {  	_ =	shalt  }
0x66: {  	_ =	shalt  }
0x67: {  	_ =	shalt  }
0x68: {  	_ =	shalt  }
0x69: {  	_ =	shalt  }
0x6a: {  	_ =	shalt  }
0x6b: {  	_ =	shalt  }
0x6c: {  	_ =	shalt  }
0x6d: {  	_ =	shalt  }
0x6e: {  	_ =	shalt  }
0x6f: {  	_ =	shalt  }
0x70: {  	_ =	shalt  }
0x71: {  	_ =	shalt  }
0x72: {  	_ =	shalt  }
0x73: {  	_ =	shalt  }
0x74: {  	_ =	shalt  }
0x75: {  	_ =	shalt  }
0x76: {  	_ =	shalt  }
0x77: {  	_ =	shalt  }
0x78: {  	_ =	shalt  }
0x79: {  	_ =	shalt  }
0x7a: {  	_ =	shalt  }
0x7b: {  	_ =	shalt  }
0x7c: {  	_ =	shalt  }
0x7d: {  	_ =	shalt  }
0x7e: {  	_ =	shalt  }
0x7f: {  	_ =	shalt  }
0x80: {  	_ =	shalt  }
0x81: {  	_ =	shalt  }
0x82: {  	_ =	shalt  }
0x83: {  	_ =	shalt  }
0x84: {  	_ =	shalt  }
0x85: {  	_ =	shalt  }
0x86: {  	_ =	shalt  }
0x87: {  	_ =	shalt  }
.Lfunc_end0:
.L_simem_size_0:
called_computation_lowered:
.L_overlay_start_0:
0x88: {  	s2 =	sld [smem:$0x3FD9]  }
0x89: {  	s3 =	sld [smem:$0x3FFE];
	_ =	sdelay $0x1  }
0x8a: {  	s1 =	srdreg.scid  }
0x8b: {  	s0 =	sand.u32 $0x1, s1  }
0x8c: {  	s14 =	sshll.u32 s0, $0xA;
	s2 =	sadd.s32 s3, s2  }
0x8d: {  	s2 =	sadd.s32 s2, s14  }
0x8e: {  	[smem:$0x3FC5] =	sst s2  }
0x8f: {  	_ = 	snop  }
0x90: {  	s2 =	sld [smem:$0x3FD0];
	_ =	sdelay $0x2  }
0x91: {  	s4 =	simm.s32 $0xA;
	s5 =	simm.s32 $0x10;
	s15 =	sld [smem:$0x3FC9]  }
0x92: {  	[smem:s5], [sflag:s4] =	dma.local [hbm:s2], $0x1  }
0x93: {  	_ =	swait.eq [sflag:s4], $0x1  }
0x94: {  	[sflag:s4] =	ssyncset.done $0x0  }
0x95: {  	s16 =	sld [smem:$0x10];
	[sflag:s4] =	ssyncadd.s32 $0xFFFFFFFF  }
0x96: {  	s17 =	sld [smem:$0x11];
	(tm) =	ssettm $0x1  }
0x97: {  	s18 =	sld [smem:$0x3FFB];
	_ =	sdelay $0x3  }
0x98: {  	_ =	strace s18  }
0x99: {  	s5 =	sld [smem:$0x3FFC];
	_ =	sdelay $0x3  }
0x9a: {  	_ =	strace s5  }
0x9b: {  	s5 =	sld [smem:$0x3FFD];
	_ =	sdelay $0x3  }
0x9c: {  	_ =	strace s5  }
0x9d: {  	_ =	strace $0x8FFFFFFF  }
0x9e: {  	s19 =	sld [smem:$0x3FDB];
	_ =	sdelay $0x1  }
0x9f: {  	s6 =	simm.s32 $_scs_section_size  }
0xa0: {  	s7 =	simm.s32 $_size__tile_overlayer_lowered;
	s8 =	simm.s32 $_tile_overlayer_lowered  }
0xa1: {  	s22 =	simm.s32 $0x1BFF;
	s21 =	sshll.u32 s8, $0x1;
	s5 =	sadd.s32 s6, s19  }
0xa2: {  	s9 =	simm.s32 $0x0;
	s20 =	sshll.u32 s7, $0x1;
	s7 =	sadd.s32 s21, s5  }
0xa3: {  	[timem:s9], [sflag:s22] =	dma.local [hbm:s7], s20  }
0xa4: {  	_ =	swait.ge [sflag:s22], s20  }
0xa5: {  	s6 =	ssub.s32 $0x0, s20;
	[sflag:s22] =	ssyncset.done $0x0  }
0xa6: {  	[sflag:s22] =	ssyncadd.s32 s6;
	_ =	sdelay $0x1  }
0xa7: {  	s23 =	simm.s32 $0x1B8B  }
0xa8: {  	_ =	swait.ge [sflag:s23], $0x1  }
0xa9: {  	[sflag:s23] =	ssyncset.done $0x0  }
0xaa: {  	s25 =	simm.s32 $0x1B8E;
	s24 =	sld [smem:$0x3FFE];
	[sflag:s23] =	ssyncadd.s32 $0xFFFFFFFF  }
0xab: {  	s26 =	simm.s32 $execute0_lowered;
	[smem:$0x3FD2] =	sst s25  }
0xac: {  	s7 =	sshll.u32 s26, $0x1;
	_ =	strace $0x80000046;
	[dreg:$0x1] =	wrdreg $0xFFFFFFFF  }
0xad: {  	s28 =	simm.s32 $_size_execute0_lowered;
	s5 =	sadd.s32 s5, s7;
	[dreg:$0x0] =	wrdreg $0x0  }
0xae: {  	s7 =	sshll.u32 s28, $0x1;
	[dreg:$0x2] =	wrdreg s5  }
0xaf: {  	[dreg:$0x3] =	wrdreg s7  }
0xb0: {  	[dreg:$0x4] =	wrdreg $0xC0  }
0xb1: {  	_ =	task [dreg:s9], $0x5FFFF  }
0xb2: {  	[dreg:$0x1] =	wrdreg $0xFFFFFFFF  }
0xb3: {  	[dreg:$0x0] =	wrdreg $0x60  }
0xb4: {  	[dreg:$0x2] =	wrdreg s15  }
0xb5: {  	[dreg:$0x3] =	wrdreg s24  }
0xb6: {  	[dreg:$0x4] =	wrdreg s17  }
0xb7: {  	[dreg:$0x5] =	wrdreg s16  }
0xb8: {  	[dreg:$0x6] =	wrdreg $0x9  }
0xb9: {  	_ =	task.clear_ibuf [dreg:s9], $0x7FFFF;
	_ =	strace $0x90000046  }
0xba: {  	s29 =	simm.s32 $0x9;
	_ =	strace $0x80000048  }
0xbb: {  	_ =	swait.ge [sflag:s29], $0x1  }
0xbc: {  	[sflag:s29] =	ssyncadd.s32 $0xFFFFFFFF  }
0xbd: {  	_ =	strace $0x90000048  }
0xbe: {  	_ =	sfence  }
0xbf: {  	s30 =	sld [smem:$0x0];
	_ =	sdelay $0x2  }
0xc0: {  	s31 =	sshll.u32 s1, $0xD;
	s1 =	sshrl.u32 s1, $0x2  }
0xc1: {  	s3 =	sand.u32 $0x4000, s31;
	s1 =	sadd.s32 s1, s30  }
0xc2: {  	s0 =	sor.u32 s3, s0;
	s1 =	sshll.u32 s1, $0x11  }
0xc3: {  	s0 =	sor.u32 s1, s0  }
0xc4: {  	s0 =	sadd.s32 $0x8F2B, s0  }
0xc5: {  	[sflag:s0] =	ssyncadd.remote.s32 $0x1  }
0xc6: {  	_ =	sfence.sel $0xFFFF  }
0xc7: {  	[dreg:$0x0] =	wrdreg $0xFFFFFFFF;
	(pc) =	sbr.abs _section_cstart, $3  }
0xc8: {  	[dreg:$0x1] =	wrdreg $0xFFFFFFFF  }
0xc9: {  	_ =	task.clear_ibuf [dreg:s9], $0x2FFFF;
	_ =	strace $0x9FFFFFFF  }
0xca: {  	(tm) =	ssettm $0x7FFFFFFF  }
0xcb: {  	_ =	shalt  }
tec
execute0_lowered:
.L_overlay_start_1:
0x0: {  	(tag) =	ssettag $0x1  }
0x1: {  	s0 =	rddreg [dreg:$0x0]  }
0x2: {  	s1 =	rddreg [dreg:$0x1]  }
0x3: {  	s3 =	rddreg [dreg:$0x3]  }
0x4: {  	s2 =	srdreg.scid;
	s5 =	stileid.u32  }
0x5: {  	s4 =	simm.s32 $0x0;
	s13 =	simm.s32 $0x5;
	s14 =	simm.s32 $0x15100  }
0x6: {  	s16 =	simm.s32 $0x100;
	s17 =	simm.s32 $0x7100;
	s18 =	simm.s32 $0x1  }
0x7: {  	s19 =	simm.s32 $0xE100;
	s20 =	simm.s32 $0x2;
	s21 =	simm.s32 $0x11900  }
0x8: {  	s2 =	sand.u32 $0x1, s2;
	s5 =	sshll.u32 s5, $0x1;
	[smem:$0x7FF] =	sst s4  }
0x9: {  	s5 =	sor.u32 s2, s5;
	s2 =	ssub.s32 $0x2, s2;
	_ =	strace $0x80000047  }
0xa: {  	s6 =	sshll.u32 s5, $0x9;
	s7 =	sshrl.u32 s2, $0x1;
	s8 =	smul.u32 $0x126000, s5  }
0xb: {  	s25 =	sshll.u32 s5, $0xA;
	s26 =	smul.u32 $0x24C00, s5;
	s9 =	sadd.s32 s6, s1  }
0xc: {  	s2 =	ssub.s32 s2, s7;
	s1 =	sadd.s32 s1, s25;
	s6 =	smul.u32 $0x1260, s5  }
.Ltmp0:
0xd: {  	[dreg:$0x5] =	wrdreg s1;
	s29 =	sadd.s32 $0x8000, s9;
	(pc) =	sbr.rel .LBB2_1-.Ltmp0, $4  }
0xe: {  	s8 =	sshrl.u32 s8, $0x3;
	s30 =	sadd.s32 s0, s26;
	[dreg:$0x6] =	wrdreg s29  }
0xf: {  	s31 =	smax.u32 s2, $0x1;
	s28 =	sadd.s32 s0, s8;
	[dreg:$0x7] =	wrdreg s30  }
0x10: {  	s24 =	simm.s32 $0x0;
	[dreg:$0x9] =	wrdreg s31;
	s1 =	sadd.s32 $0xE00, s28  }
0x11: {  	s10 =	sadd.s32 $0x1C00, s0;
	s11 =	sadd.s32 $0x70, s6;
	[dreg:$0x8] =	wrdreg s1  }
.LBB2_10:
0x12: {  	s0 =	simm.s32 $0x3  }
0x13: {  	_ =	swait.ge [sflag:s0], $0x3800  }
0x14: {  	[sflag:s0] =	ssyncset.done $0x0  }
0x15: {  	s1 =	simm.s32 $0x4;
	[sflag:s0] =	ssyncadd.s32 $0xFFFFC800  }
0x16: {  	_ =	swait.ge [sflag:s1], $0x3800  }
0x17: {  	s24 =	sadd.s32 $0x1, s24;
	s31 =	rddreg [dreg:$0x9]  }
0x18: {  	p0 =	sne.s32 s24, s31  }
.Ltmp1:
0x19: {  	_ = 	snop;
	(pc) =	sbr.rel @!p0 .LBB2_11-.Ltmp1, $3  }
0x1a: {  	_ =	sdelay $0x1  }
0x1b: {  	[sflag:s1] =	ssyncset.done $0x0  }
0x1c: {  	s13 =	simm.s32 $0x5;
	[sflag:s1] =	ssyncadd.s32 $0xFFFFC800  }
.LBB2_1:
0x1d: {  	s0 =	rddreg [dreg:$0x2]  }
0x1e: {  	[tilespmem:s4], [sflag:$0x5] =	stream.linear.gather [hbm4b:s0+s4], $0x100, $0x38;
	[tilespmem:$0x18100] =	vst v63  }
0x1f: {  	_ =	swait.ge [sflag:s13], $0x100  }
0x20: {  	[sflag:s13] =	ssyncset.done $0x0  }
0x21: {  	[sflag:s13] =	ssyncadd.s32 $0xFFFFFF00  }
0x22: {  	v0 =	vld [tilespmem:$0x0]  }
0x23: {  	v1 =	vld [tilespmem:$0x80]  }
0x24: {  	v2 =	vld [tilespmem:$0x10]  }
0x25: {  	v3 =	vld [tilespmem:$0x90]  }
0x26: {  	v4 =	vld [tilespmem:$0x20]  }
0x27: {  	v5 =	vld [tilespmem:$0xA0]  }
0x28: {  	v6 =	vld [tilespmem:$0x30]  }
0x29: {  	v7 =	vld [tilespmem:$0xB0]  }
0x2a: {  	v8 =	vld [tilespmem:$0x40]  }
0x2b: {  	v9 =	vld [tilespmem:$0xC0]  }
0x2c: {  	v11 =	vld [tilespmem:$0x50]  }
0x2d: {  	s8 =	simm.s32 $0x80;
	v10 =	vld [tilespmem:$0xD0];
	v12 =	vshll.u32 v0, $0x3  }
0x2e: {  	s1 =	sand.u32 $0x1800, s4;
	s0 =	sand.u32 $0x380, s8;
	v15 =	vld [tilespmem:$0x60];
	v0 =	vand.u32 $0x7F, v0;
	v13 =	vshll.u32 v1, $0x3;
	v14 =	vand.u32 $0xFFFFFC00, v12  }
0x2f: {  	s0 =	sor.u32 s1, s0;
	v1 =	vand.u32 $0x7F, v1;
	v12 =	vld [tilespmem:$0xE0];
	v16 =	vand.u32 $0xFFFFFC00, v13;
	v0 =	vor.u32 v0, v14  }
0x30: {  	s2 =	rddreg [dreg:$0x5];
	v13 =	vld [tilespmem:$0x70];
	v1 =	vor.u32 v1, v16;
	v16 =	vadd.s32 s0, v0  }
0x31: {  	v14 =	vld [tilespmem:$0xF0];
	[tilespmem:s14], [sflag:$0x5] =	stream.linear.gather [hbm4b:s2+s4], $0x2000, $0x38;
	v17 =	vadd.s32 s0, v1  }
0x32: {  	_ =	swait.ge [sflag:s13], $0x2000  }
0x33: {  	s9 =	sand.u32 $0x300, s4;
	[sflag:s13] =	ssyncset.done $0x0  }
0x34: {  	s2 =	sor.u32 s9, s1;
	[sflag:s13] =	ssyncadd.s32 $0xFFFFE000  }
0x35: {  	v18 =	vadd.s32 s2, v0;
	v16 =	vld.idx.msk [tilespmem:v16+s14+$0x0], $0xffff  }
0x36: {  	v19 =	vadd.s32 s2, v1;
	v17 =	vld.idx.msk [tilespmem:v17+s14+$0x0], $0xffff;
	_ =	sdelay $0x1  }
0x37: {  	v20 =	vshll.u32 v2, $0x3;
	v21 =	vshll.u32 v3, $0x3;
	v2 =	vand.u32 $0x7F, v2  }
0x38: {  	v3 =	vand.u32 $0x7F, v3;
	v20 =	vand.u32 $0xFFFFFC00, v20;
	v21 =	vand.u32 $0xFFFFFC00, v21  }
0x39: {  	v2 =	vor.u32 v2, v20;
	v3 =	vor.u32 v3, v21;
	v18 =	vld.idx.msk [tilespmem:v18+s14+$0x0], $0xffff  }
0x3a: {  	v20 =	vadd.s32 s0, v2;
	v19 =	vld.idx.msk [tilespmem:v19+s14+$0x0], $0xffff;
	v16 =	vmul.f32 $3.000000120e-01, v16;
	v17 =	vmul.f32 $6.999999880e-01, v17  }
0x3b: {  	v21 =	vadd.s32 s0, v3  }
0x3c: {  	v16 =	vadd.f32 v17, v16  }
0x3d: {  	s25 =	simm.s32 $0x17180  }
0x3e: {  	[tilespmem:s25+$0x0] =	vst v16  }
0x3f: {  	v17 =	vmul.f32 $3.000000120e-01, v18;
	v18 =	vmul.f32 $6.999999880e-01, v19;
	v16 =	vadd.s32 s2, v2;
	v19 =	vld.idx.msk [tilespmem:v20+s14+$0x0], $0xffff  }
0x40: {  	v20 =	vadd.s32 s2, v3;
	v21 =	vld.idx.msk [tilespmem:v21+s14+$0x0], $0xffff  }
0x41: {  	v22 =	vshll.u32 v4, $0x3;
	v17 =	vadd.f32 v18, v17  }
0x42: {  	v18 =	vand.u32 $0xFFFFFC00, v22;
	v22 =	vshll.u32 v5, $0x3  }
0x43: {  	v4 =	vand.u32 $0x7F, v4;
	v5 =	vand.u32 $0x7F, v5;
	v22 =	vand.u32 $0xFFFFFC00, v22;
	[tilespmem:s25+$0xFFFFFF80] =	vst v17  }
0x44: {  	v4 =	vor.u32 v4, v18;
	v5 =	vor.u32 v5, v22;
	v16 =	vld.idx.msk [tilespmem:v16+s14+$0x0], $0xffff  }
0x45: {  	v17 =	vld.idx.msk [tilespmem:v20+s14+$0x0], $0xffff;
	v18 =	vmul.f32 $3.000000120e-01, v19;
	v19 =	vmul.f32 $6.999999880e-01, v21;
	v20 =	vadd.s32 s0, v4  }
0x46: {  	v21 =	vadd.s32 s0, v5  }
0x47: {  	v18 =	vadd.f32 v19, v18;
	_ =	sdelay $0x1  }
0x48: {  	s12 =	simm.s32 $0x180;
	s5 =	simm.s32 $0x200;
	[tilespmem:s25+$0x10] =	vst v18  }
0x49: {  	s5 =	sand.u32 $0x1800, s5;
	s1 =	sand.u32 $0x380, s12;
	v18 =	vadd.s32 s2, v4;
	v16 =	vmul.f32 $3.000000120e-01, v16;
	v17 =	vmul.f32 $6.999999880e-01, v17;
	v19 =	vld.idx.msk [tilespmem:v20+s14+$0x0], $0xffff  }
0x4a: {  	s1 =	sor.u32 s5, s1;
	v20 =	vadd.s32 s2, v5;
	v21 =	vld.idx.msk [tilespmem:v21+s14+$0x0], $0xffff  }
0x4b: {  	v23 =	vshll.u32 v7, $0x3;
	v24 =	vadd.s32 s1, v1;
	v16 =	vadd.f32 v17, v16  }
0x4c: {  	v7 =	vand.u32 $0x7F, v7;
	v22 =	vshll.u32 v6, $0x3;
	v17 =	vadd.s32 s1, v0  }
0x4d: {  	v23 =	vand.u32 $0xFFFFFC00, v23;
	v6 =	vand.u32 $0x7F, v6;
	v22 =	vand.u32 $0xFFFFFC00, v22;
	[tilespmem:s25+$0xFFFFFF90] =	vst v16  }
0x4e: {  	s7 =	simm.s32 $0x100;
	v7 =	vor.u32 v7, v23;
	v6 =	vor.u32 v6, v22;
	v16 =	vld.idx.msk [tilespmem:v18+s14+$0x0], $0xffff  }
0x4f: {  	s7 =	sand.u32 $0x300, s7;
	v18 =	vld.idx.msk [tilespmem:v20+s14+$0x0], $0xffff;
	v19 =	vmul.f32 $3.000000120e-01, v19;
	v20 =	vmul.f32 $6.999999880e-01, v21;
	v21 =	vadd.s32 s0, v6  }
0x50: {  	s5 =	sor.u32 s7, s5;
	v24 =	vld.idx.msk [tilespmem:v24+s14+$0x0], $0xffff;
	v22 =	vadd.s32 s0, v7  }
0x51: {  	v23 =	vadd.s32 s5, v0;
	v17 =	vld.idx.msk [tilespmem:v17+s14+$0x0], $0xffff;
	v19 =	vadd.f32 v20, v19  }
0x52: {  	v20 =	vadd.s32 s5, v1  }
0x53: {  	v25 =	vshll.u32 v8, $0x3;
	[tilespmem:s25+$0x20] =	vst v19  }
0x54: {  	v8 =	vand.u32 $0x7F, v8;
	v27 =	vadd.s32 s1, v2;
	v28 =	vadd.s32 s1, v3;
	v21 =	vld.idx.msk [tilespmem:v21+s14+$0x0], $0xffff  }
0x55: {  	v26 =	vadd.s32 s2, v6;
	v16 =	vmul.f32 $3.000000120e-01, v16;
	v18 =	vmul.f32 $6.999999880e-01, v18;
	v22 =	vld.idx.msk [tilespmem:v22+s14+$0x0], $0xffff  }
0x56: {  	v23 =	vld.idx.msk [tilespmem:v23+s14+$0x0], $0xffff;
	v24 =	vmul.f32 $6.999999880e-01, v24;
	v19 =	vand.u32 $0xFFFFFC00, v25;
	v17 =	vmul.f32 $3.000000120e-01, v17  }
0x57: {  	v25 =	vshll.u32 v9, $0x3;
	v9 =	vand.u32 $0x7F, v9;
	v20 =	vld.idx.msk [tilespmem:v20+s14+$0x0], $0xffff;
	v16 =	vadd.f32 v18, v16  }
0x58: {  	v25 =	vand.u32 $0xFFFFFC00, v25;
	v18 =	vadd.s32 s2, v7;
	v17 =	vadd.f32 v24, v17  }
0x59: {  	s26 =	simm.s32 $0x17280;
	v8 =	vor.u32 v8, v19;
	v9 =	vor.u32 v9, v25;
	[tilespmem:s25+$0xFFFFFFA0] =	vst v16  }
0x5a: {  	v16 =	vld.idx.msk [tilespmem:v26+s14+$0x0], $0xffff;
	v19 =	vmul.f32 $6.999999880e-01, v22;
	[tilespmem:s26+$0x0] =	vst v17;
	v17 =	vmul.f32 $3.000000120e-01, v21;
	v21 =	vadd.s32 s0, v8  }
0x5b: {  	s15 =	simm.s32 $0x280;
	s8 =	simm.s32 $0x400;
	v23 =	vmul.f32 $3.000000120e-01, v23;
	v25 =	vadd.s32 s0, v9;
	v24 =	vld.idx.msk [tilespmem:v27+s14+$0x0], $0xffff  }
0x5c: {  	s8 =	sand.u32 $0x1800, s8;
	s7 =	sand.u32 $0x380, s15;
	v22 =	vadd.s32 s5, v2;
	v20 =	vmul.f32 $6.999999880e-01, v20;
	v26 =	vld.idx.msk [tilespmem:v28+s14+$0x0], $0xffff;
	v17 =	vadd.f32 v19, v17  }
0x5d: {  	s28 =	sor.u32 s8, s7;
	v18 =	vld.idx.msk [tilespmem:v18+s14+$0x0], $0xffff;
	v19 =	vadd.s32 s5, v3  }
0x5e: {  	v29 =	vadd.s32 s28, v1;
	v20 =	vadd.f32 v20, v23;
	[tilespmem:s25+$0x30] =	vst v17  }
0x5f: {  	v27 =	vshll.u32 v11, $0x3;
	v11 =	vand.u32 $0x7F, v11;
	v23 =	vshll.u32 v10, $0x3;
	v21 =	vld.idx.msk [tilespmem:v21+s14+$0x0], $0xffff  }
0x60: {  	v28 =	vadd.s32 s1, v5;
	v17 =	vand.u32 $0xFFFFFC00, v27;
	v23 =	vand.u32 $0xFFFFFC00, v23;
	[tilespmem:s26+$0xFFFFFF80] =	vst v20;
	v20 =	vld.idx.msk [tilespmem:v25+s14+$0x0], $0xffff  }
0x61: {  	v22 =	vld.idx.msk [tilespmem:v22+s14+$0x0], $0xffff;
	v24 =	vmul.f32 $3.000000120e-01, v24;
	v25 =	vmul.f32 $6.999999880e-01, v26;
	v26 =	vadd.s32 s1, v4  }
0x62: {  	v27 =	vand.u32 $0x7F, v10;
	v16 =	vmul.f32 $3.000000120e-01, v16;
	v18 =	vmul.f32 $6.999999880e-01, v18;
	v19 =	vld.idx.msk [tilespmem:v19+s14+$0x0], $0xffff  }
0x63: {  	s9 =	simm.s32 $0x200;
	v10 =	vor.u32 v11, v17;
	v17 =	vadd.s32 s2, v8;
	v24 =	vadd.f32 v25, v24  }
0x64: {  	s22 =	sand.u32 $0x300, s9;
	v11 =	vor.u32 v27, v23;
	v23 =	vadd.s32 s2, v9;
	v16 =	vadd.f32 v18, v16  }
0x65: {  	s7 =	sor.u32 s22, s8;
	[tilespmem:s26+$0x10] =	vst v24;
	v18 =	vmul.f32 $3.000000120e-01, v21;
	v20 =	vmul.f32 $6.999999880e-01, v20;
	v21 =	vadd.s32 s0, v10  }
0x66: {  	v31 =	vadd.s32 s7, v0;
	v33 =	vadd.s32 s28, v3;
	v25 =	vld.idx.msk [tilespmem:v26+s14+$0x0], $0xffff;
	v26 =	vadd.s32 s0, v11  }
0x67: {  	[tilespmem:s25+$0xFFFFFFB0] =	vst v16;
	v22 =	vmul.f32 $3.000000120e-01, v22;
	v16 =	vld.idx.msk [tilespmem:v28+s14+$0x0], $0xffff;
	v19 =	vmul.f32 $6.999999880e-01, v19;
	v18 =	vadd.f32 v20, v18  }
0x68: {  	v30 =	vand.u32 $0x7F, v12;
	v27 =	vadd.s32 s5, v4;
	v24 =	vshll.u32 v15, $0x3;
	v17 =	vld.idx.msk [tilespmem:v17+s14+$0x0], $0xffff  }
0x69: {  	v23 =	vld.idx.msk [tilespmem:v23+s14+$0x0], $0xffff;
	v20 =	vand.u32 $0xFFFFFC00, v24;
	v24 =	vadd.s32 s5, v5;
	v19 =	vadd.f32 v19, v22;
	[tilespmem:s25+$0x40] =	vst v18  }
0x6a: {  	v15 =	vand.u32 $0x7F, v15;
	v28 =	vshll.u32 v12, $0x3;
	v22 =	vadd.s32 s28, v0;
	v21 =	vld.idx.msk [tilespmem:v21+s14+$0x0], $0xffff  }
0x6b: {  	v12 =	vor.u32 v15, v20;
	v15 =	vadd.s32 s7, v1;
	v18 =	vand.u32 $0xFFFFFC00, v28;
	[tilespmem:s26+$0xFFFFFF90] =	vst v19;
	v19 =	vld.idx.msk [tilespmem:v26+s14+$0x0], $0xffff  }
0x6c: {  	v29 =	vld.idx.msk [tilespmem:v29+s14+$0x0], $0xffff;
	v28 =	vshll.u32 v13, $0x3;
	v26 =	vand.u32 $0x7F, v13;
	v25 =	vmul.f32 $3.000000120e-01, v25  }
0x6d: {  	v16 =	vmul.f32 $6.999999880e-01, v16;
	v13 =	vor.u32 v30, v18;
	v30 =	vadd.s32 s1, v7;
	v20 =	vld.idx.msk [tilespmem:v27+s14+$0x0], $0xffff  }
0x6e: {  	v32 =	vshll.u32 v14, $0x3;
	v18 =	vadd.s32 s2, v10;
	v24 =	vld.idx.msk [tilespmem:v24+s14+$0x0], $0xffff;
	v27 =	vadd.s32 s1, v6  }
0x6f: {  	v17 =	vmul.f32 $3.000000120e-01, v17;
	v23 =	vmul.f32 $6.999999880e-01, v23;
	v16 =	vadd.f32 v16, v25;
	v22 =	vld.idx.msk [tilespmem:v22+s14+$0x0], $0xffff  }
0x70: {  	v25 =	vld.idx.msk [tilespmem:v31+s14+$0x0], $0xffff;
	v31 =	vadd.s32 s0, v12;
	v21 =	vmul.f32 $3.000000120e-01, v21;
	v19 =	vmul.f32 $6.999999880e-01, v19  }
0x71: {  	v53 =	vadd.s32 s2, v11;
	v15 =	vld.idx.msk [tilespmem:v15+s14+$0x0], $0xffff;
	[tilespmem:s26+$0x20] =	vst v16;
	v16 =	vadd.f32 v23, v17;
	v17 =	vadd.s32 s0, v13  }
0x72: {  	v28 =	vand.u32 $0xFFFFFC00, v28;
	v55 =	vadd.s32 s2, v13;
	v30 =	vld.idx.msk [tilespmem:v30+s14+$0x0], $0xffff;
	v19 =	vadd.f32 v19, v21  }
0x73: {  	v27 =	vld.idx.msk [tilespmem:v27+s14+$0x0], $0xffff;
	v20 =	vmul.f32 $3.000000120e-01, v20;
	v24 =	vmul.f32 $6.999999880e-01, v24;
	[tilespmem:s25+$0xFFFFFFC0] =	vst v16;
	v21 =	vadd.s32 s5, v6  }
0x74: {  	v18 =	vld.idx.msk [tilespmem:v18+s14+$0x0], $0xffff;
	v16 =	vmul.f32 $3.000000120e-01, v22;
	v22 =	vmul.f32 $6.999999880e-01, v29;
	v29 =	vadd.s32 s28, v2;
	[tilespmem:s25+$0x50] =	vst v19  }
0x75: {  	v23 =	vand.u32 $0xFFFFFC00, v32;
	v25 =	vmul.f32 $3.000000120e-01, v25;
	v20 =	vadd.f32 v24, v20;
	v24 =	vld.idx.msk [tilespmem:v31+s14+$0x0], $0xffff  }
0x76: {  	v19 =	vand.u32 $0x7F, v14;
	v31 =	vadd.s32 s5, v7;
	v16 =	vadd.f32 v22, v16;
	v17 =	vld.idx.msk [tilespmem:v17+s14+$0x0], $0xffff  }
0x77: {  	s29 =	simm.s32 $0x17380;
	v14 =	vor.u32 v26, v28;
	v26 =	vmul.f32 $6.999999880e-01, v15;
	v22 =	vadd.s32 s7, v2;
	[tilespmem:s26+$0xFFFFFFA0] =	vst v20;
	v20 =	vld.idx.msk [tilespmem:v53+s14+$0x0], $0xffff  }
0x78: {  	v28 =	vadd.s32 s1, v8;
	[tilespmem:s29+$0x0] =	vst v16;
	v21 =	vld.idx.msk [tilespmem:v21+s14+$0x0], $0xffff;
	v16 =	vmul.f32 $3.000000120e-01, v27;
	v27 =	vmul.f32 $6.999999880e-01, v30  }
0x79: {  	v15 =	vor.u32 v19, v23;
	v19 =	vadd.f32 v26, v25;
	v25 =	vadd.s32 s1, v9;
	v23 =	vld.idx.msk [tilespmem:v29+s14+$0x0], $0xffff  }
0x7a: {  	v26 =	vadd.s32 s2, v12;
	v29 =	vadd.s32 s7, v3;
	v30 =	vld.idx.msk [tilespmem:v33+s14+$0x0], $0xffff;
	v16 =	vadd.f32 v27, v16  }
0x7b: {  	[tilespmem:s29+$0xFFFFFF80] =	vst v19;
	v19 =	vld.idx.msk [tilespmem:v31+s14+$0x0], $0xffff;
	v24 =	vmul.f32 $3.000000120e-01, v24;
	v17 =	vmul.f32 $6.999999880e-01, v17;
	v31 =	vadd.s32 s0, v14  }
0x7c: {  	v54 =	vadd.s32 s0, v15;
	v18 =	vmul.f32 $3.000000120e-01, v18;
	v22 =	vld.idx.msk [tilespmem:v22+s14+$0x0], $0xffff;
	v20 =	vmul.f32 $6.999999880e-01, v20;
	[tilespmem:s26+$0x30] =	vst v16  }
0x7d: {  	s23 =	simm.s32 $0x380;
	v27 =	vadd.s32 s2, v14;
	v16 =	vadd.s32 s2, v15;
	s2 =	simm.s32 $0x600;
	v28 =	vld.idx.msk [tilespmem:v28+s14+$0x0], $0xffff;
	v17 =	vadd.f32 v17, v24  }
0x7e: {  	v45 =	vadd.s32 s7, v7;
	s0 =	sand.u32 $0x380, s23;
	v25 =	vld.idx.msk [tilespmem:v25+s14+$0x0], $0xffff;
	v18 =	vadd.f32 v20, v18;
	s30 =	sand.u32 $0x1800, s2  }
0x7f: {  	v20 =	vld.idx.msk [tilespmem:v29+s14+$0x0], $0xffff;
	v23 =	vmul.f32 $3.000000120e-01, v23;
	v29 =	vmul.f32 $6.999999880e-01, v30;
	v30 =	vadd.s32 s28, v4;
	[tilespmem:s25+$0x60] =	vst v17  }
0x80: {  	v50 =	vadd.s32 s28, v7;
	s0 =	sor.u32 s30, s0;
	v17 =	vmul.f32 $3.000000120e-01, v21;
	v21 =	vadd.s32 s28, v5;
	v31 =	vld.idx.msk [tilespmem:v31+s14+$0x0], $0xffff  }
0x81: {  	v36 =	vadd.s32 s7, v4;
	[tilespmem:s25+$0xFFFFFFD0] =	vst v18;
	v44 =	vadd.s32 s0, v0;
	v18 =	vadd.f32 v29, v23;
	v29 =	vld.idx.msk [tilespmem:v54+s14+$0x0], $0xffff  }
0x82: {  	v34 =	vadd.s32 s5, v9;
	v35 =	vadd.s32 s5, v10;
	v46 =	vadd.s32 s0, v1;
	v40 =	vld.idx.msk [tilespmem:v26+s14+$0x0], $0xffff  }
0x83: {  	v24 =	vadd.s32 s5, v8;
	v19 =	vmul.f32 $6.999999880e-01, v19;
	[tilespmem:s29+$0x10] =	vst v18;
	v18 =	vmul.f32 $3.000000120e-01, v28;
	v28 =	vld.idx.msk [tilespmem:v55+s14+$0x0], $0xffff  }
0x84: {  	v56 =	vadd.s32 s1, v11;
	v39 =	vadd.s32 s5, v12;
	v42 =	vadd.s32 s5, v13;
	v30 =	vld.idx.msk [tilespmem:v30+s14+$0x0], $0xffff  }
0x85: {  	v23 =	vadd.s32 s1, v10;
	v17 =	vadd.f32 v19, v17;
	v19 =	vmul.f32 $6.999999880e-01, v25;
	v37 =	vld.idx.msk [tilespmem:v21+s14+$0x0], $0xffff  }
0x86: {  	s31 =	simm.s32 $0x300;
	v32 =	vadd.s32 s5, v11;
	v22 =	vmul.f32 $3.000000120e-01, v22;
	v20 =	vmul.f32 $6.999999880e-01, v20;
	v44 =	vld.idx.msk [tilespmem:v44+s14+$0x0], $0xffff  }
0x87: {  	[tilespmem:s26+$0xFFFFFFB0] =	vst v17;
	v19 =	vadd.f32 v19, v18;
	v18 =	vadd.s32 s5, v14;
	v17 =	vadd.s32 s5, v15;
	s5 =	sand.u32 $0x300, s31;
	v46 =	vld.idx.msk [tilespmem:v46+s14+$0x0], $0xffff  }
0x88: {  	v38 =	vadd.s32 s7, v5;
	v43 =	vadd.s32 s7, v6;
	v49 =	vadd.s32 s28, v6;
	v41 =	vld.idx.msk [tilespmem:v24+s14+$0x0], $0xffff;
	s8 =	sor.u32 s5, s30  }
0x89: {  	v51 =	vadd.s32 s1, v12;
	v20 =	vadd.f32 v20, v22;
	v34 =	vld.idx.msk [tilespmem:v34+s14+$0x0], $0xffff;
	[tilespmem:s26+$0x40] =	vst v19;
	v48 =	vadd.s32 s8, v0  }
0x8a: {  	v60 =	vadd.s32 s1, v13;
	v52 =	vadd.s32 s0, v3;
	v57 =	vadd.s32 s8, v1;
	v47 =	vld.idx.msk [tilespmem:v23+s14+$0x0], $0xffff  }
0x8b: {  	v26 =	vadd.s32 s7, v9;
	v40 =	vmul.f32 $3.000000120e-01, v40;
	[tilespmem:s29+$0xFFFFFF90] =	vst v20;
	v20 =	vld.idx.msk [tilespmem:v56+s14+$0x0], $0xffff;
	v28 =	vmul.f32 $6.999999880e-01, v28  }
0x8c: {  	v54 =	vadd.s32 s1, v15;
	v36 =	vld.idx.msk [tilespmem:v36+s14+$0x0], $0xffff;
	v30 =	vmul.f32 $3.000000120e-01, v30;
	v37 =	vmul.f32 $6.999999880e-01, v37  }
0x8d: {  	v25 =	vadd.s32 s7, v8;
	v21 =	vadd.s32 s7, v12;
	v38 =	vld.idx.msk [tilespmem:v38+s14+$0x0], $0xffff;
	v28 =	vadd.f32 v28, v40  }
0x8e: {  	v58 =	vmul.f32 $3.000000120e-01, v41;
	v34 =	vmul.f32 $6.999999880e-01, v34;
	v30 =	vadd.f32 v37, v30;
	v41 =	vld.idx.msk [tilespmem:v48+s14+$0x0], $0xffff  }
0x8f: {  	v24 =	vadd.s32 s7, v11;
	v22 =	vadd.s32 s7, v13;
	v31 =	vmul.f32 $3.000000120e-01, v31;
	v33 =	vld.idx.msk [tilespmem:v57+s14+$0x0], $0xffff;
	[tilespmem:s25+$0xFFFFFFE0] =	vst v28  }
0x90: {  	v47 =	vmul.f32 $3.000000120e-01, v47;
	v59 =	vmul.f32 $6.999999880e-01, v20;
	v40 =	vld.idx.msk [tilespmem:v27+s14+$0x0], $0xffff;
	[tilespmem:s29+$0x20] =	vst v30;
	v30 =	vadd.f32 v34, v58  }
0x91: {  	v29 =	vmul.f32 $6.999999880e-01, v29;
	v19 =	vadd.s32 s7, v14;
	v23 =	vadd.s32 s7, v10;
	v61 =	vld.idx.msk [tilespmem:v49+s14+$0x0], $0xffff  }
0x92: {  	v36 =	vmul.f32 $3.000000120e-01, v36;
	v38 =	vmul.f32 $6.999999880e-01, v38;
	v47 =	vadd.f32 v59, v47;
	v62 =	vld.idx.msk [tilespmem:v50+s14+$0x0], $0xffff;
	[tilespmem:s26+$0xFFFFFFC0] =	vst v30  }
0x93: {  	v56 =	vadd.s32 s0, v2;
	v63 =	vmul.f32 $6.999999880e-01, v46;
	v30 =	vmul.f32 $3.000000120e-01, v44;
	v57 =	vld.idx.msk [tilespmem:v35+s14+$0x0], $0xffff  }
0x94: {  	v53 =	vadd.f32 v29, v31;
	v48 =	vadd.s32 s8, v2;
	v58 =	vadd.f32 v38, v36;
	[tilespmem:s26+$0x50] =	vst v47;
	v32 =	vld.idx.msk [tilespmem:v32+s14+$0x0], $0xffff  }
0x95: {  	s5 =	simm.s32 $0x17480;
	v37 =	vadd.s32 s8, v8;
	v20 =	vadd.s32 s7, v15;
	v51 =	vld.idx.msk [tilespmem:v51+s14+$0x0], $0xffff;
	v30 =	vadd.f32 v63, v30  }
0x96: {  	v27 =	vadd.s32 s8, v14;
	v29 =	vmul.f32 $3.000000120e-01, v41;
	v59 =	vmul.f32 $6.999999880e-01, v33;
	v31 =	vld.idx.msk [tilespmem:v60+s14+$0x0], $0xffff;
	[tilespmem:s29+$0xFFFFFFA0] =	vst v58  }
0x97: {  	v41 =	vld.idx.msk [tilespmem:v43+s14+$0x0], $0xffff;
	[tilespmem:s5+$0x0] =	vst v30;
	v30 =	vmul.f32 $3.000000120e-01, v61;
	v60 =	vmul.f32 $6.999999880e-01, v62;
	v61 =	vadd.s32 s28, v8  }
0x98: {  	v34 =	vadd.s32 s8, v4;
	v29 =	vadd.f32 v59, v29;
	v62 =	vadd.s32 s28, v9;
	v46 =	vld.idx.msk [tilespmem:v56+s14+$0x0], $0xffff  }
0x99: {  	v49 =	vadd.s32 s0, v4;
	v47 =	vadd.s32 s8, v3;
	v52 =	vld.idx.msk [tilespmem:v52+s14+$0x0], $0xffff;
	v30 =	vadd.f32 v60, v30  }
0x9a: {  	v50 =	vadd.s32 s0, v5;
	v63 =	vld.idx.msk [tilespmem:v45+s14+$0x0], $0xffff;
	[tilespmem:s5+$0xFFFFFF80] =	vst v29;
	v57 =	vmul.f32 $3.000000120e-01, v57;
	v58 =	vmul.f32 $6.999999880e-01, v32  }
0x9b: {  	v48 =	vld.idx.msk [tilespmem:v48+s14+$0x0], $0xffff;
	v29 =	vmul.f32 $3.000000120e-01, v51;
	v51 =	vadd.s32 s1, v14;
	[tilespmem:s29+$0x30] =	vst v30;
	v30 =	vmul.f32 $6.999999880e-01, v31  }
0x9c: {  	v36 =	vadd.s32 s8, v5;
	v38 =	vadd.s32 s8, v9;
	v44 =	vld.idx.msk [tilespmem:v61+s14+$0x0], $0xffff;
	v61 =	vadd.f32 v58, v57  }
0x9d: {  	v33 =	vadd.s32 s8, v6;
	v35 =	vadd.s32 s8, v7;
	v55 =	vld.idx.msk [tilespmem:v62+s14+$0x0], $0xffff;
	v59 =	vadd.f32 v30, v29  }
0x9e: {  	v32 =	vadd.s32 s8, v11;
	v45 =	vld.idx.msk [tilespmem:v47+s14+$0x0], $0xffff;
	v28 =	vmul.f32 $3.000000120e-01, v46;
	v60 =	vmul.f32 $6.999999880e-01, v52;
	[tilespmem:s26+$0xFFFFFFD0] =	vst v61  }
0x9f: {  	v31 =	vadd.s32 s8, v10;
	v63 =	vmul.f32 $6.999999880e-01, v63;
	v62 =	vmul.f32 $3.000000120e-01, v41;
	[tilespmem:s26+$0x60] =	vst v59;
	v39 =	vld.idx.msk [tilespmem:v39+s14+$0x0], $0xffff  }
0xa0: {  	v30 =	vadd.s32 s8, v12;
	v29 =	vadd.s32 s8, v13;
	v46 =	vadd.f32 v60, v28;
	v41 =	vld.idx.msk [tilespmem:v51+s14+$0x0], $0xffff  }
0xa1: {  	[tilespmem:s25+$0x70] =	vst v53;
	s1 =	simm.s32 $0x17480;
	v28 =	vadd.s32 s8, v15;
	v43 =	vld.idx.msk [tilespmem:v54+s14+$0x0], $0xffff;
	v51 =	vmul.f32 $3.000000120e-01, v48;
	v48 =	vadd.f32 v63, v62  }
0xa2: {  	s7 =	simm.s32 $0x6;
	s8 =	simm.s32 $0x400;
	v42 =	vld.idx.msk [tilespmem:v42+s14+$0x0], $0xffff;
	[tilespmem:s5+$0x10] =	vst v46;
	v46 =	vmul.f32 $3.000000120e-01, v44;
	v47 =	vmul.f32 $6.999999880e-01, v55;
	v44 =	vadd.s32 s28, v10  }
.LBB2_2:
0xa3: {  	s9 =	sand.u32 $0x300, s8;
	s12 =	sadd.s32 $0x80, s8;
	v45 =	vmul.f32 $6.999999880e-01, v45;
	v49 =	vld.idx.msk [tilespmem:v49+s14+$0x0], $0xffff;
	s2 =	sadd.s32 $0x200, s2;
	[tilespmem:s29+$0xFFFFFFB0] =	vst v48;
	v48 =	vadd.s32 s28, v11  }
0xa4: {  	v40 =	vmul.f32 $3.000000120e-01, v40;
	s15 =	sand.u32 $0x1800, s2;
	s22 =	sand.u32 $0x380, s12;
	v50 =	vld.idx.msk [tilespmem:v50+s14+$0x0], $0xffff;
	v46 =	vadd.f32 v47, v46  }
0xa5: {  	s12 =	sor.u32 s9, s15;
	s9 =	sor.u32 s15, s22;
	v45 =	vadd.f32 v45, v51;
	v47 =	vld.idx.msk [tilespmem:v25+s14+$0x0], $0xffff;
	v25 =	vmov v37  }
0xa6: {  	v37 =	vmul.f32 $3.000000120e-01, v41;
	v41 =	vmul.f32 $6.999999880e-01, v43;
	v51 =	vadd.s32 s9, v0;
	v52 =	vld.idx.msk [tilespmem:v26+s14+$0x0], $0xffff;
	[tilespmem:s29+$0x40] =	vst v46;
	v26 =	vmovc v38  }
0xa7: {  	v43 =	vadd.s32 s12, v0;
	v46 =	vadd.s32 s12, v1;
	v53 =	vadd.s32 s9, v1;
	[tilespmem:s5+$0xFFFFFF90] =	vst v45;
	v44 =	vld.idx.msk [tilespmem:v44+s14+$0x0], $0xffff  }
0xa8: {  	v54 =	vadd.s32 s12, v3;
	v45 =	vadd.s32 s12, v2;
	v37 =	vadd.f32 v41, v37;
	v48 =	vld.idx.msk [tilespmem:v48+s14+$0x0], $0xffff  }
0xa9: {  	v38 =	vadd.s32 s12, v5;
	v41 =	vadd.s32 s12, v6;
	v55 =	vld.idx.msk [tilespmem:v34+s14+$0x0], $0xffff;
	v34 =	vadd.s32 s12, v4  }
0xaa: {  	v57 =	vadd.s32 s0, v6;
	v49 =	vmul.f32 $3.000000120e-01, v49;
	v50 =	vmul.f32 $6.999999880e-01, v50;
	v56 =	vld.idx.msk [tilespmem:v36+s14+$0x0], $0xffff;
	[tilespmem:s26+$0x70] =	vst v37;
	v36 =	vmovc v38  }
0xab: {  	s7 =	sadd.s32 $0x2, s7;
	v59 =	vadd.s32 s0, v7;
	v58 =	vadd.s32 s12, v7;
	v37 =	vadd.s32 s12, v8;
	v51 =	vld.idx.msk [tilespmem:v51+s14+$0x0], $0xffff  }
0xac: {  	p0 =	slt.u32 s7, $0x1E;
	v38 =	vadd.s32 s12, v9;
	v47 =	vmul.f32 $3.000000120e-01, v47;
	v49 =	vadd.f32 v50, v49;
	v53 =	vld.idx.msk [tilespmem:v53+s14+$0x0], $0xffff  }
0xad: {  	v60 =	vadd.s32 s12, v11;
	v50 =	vadd.s32 s12, v10;
	v52 =	vmul.f32 $6.999999880e-01, v52;
	v43 =	vld.idx.msk [tilespmem:v43+s14+$0x0], $0xffff  }
0xae: {  	v44 =	vmul.f32 $3.000000120e-01, v44;
	v48 =	vmul.f32 $6.999999880e-01, v48;
	v46 =	vld.idx.msk [tilespmem:v46+s14+$0x0], $0xffff;
	[tilespmem:s5+$0x20] =	vst v49;
	v49 =	vadd.s32 s28, v12  }
0xaf: {  	v47 =	vadd.f32 v52, v47;
	v52 =	vadd.s32 s28, v13;
	v55 =	vmul.f32 $3.000000120e-01, v55;
	v57 =	vld.idx.msk [tilespmem:v57+s14+$0x0], $0xffff  }
0xb0: {  	v61 =	vadd.s32 s12, v12;
	v56 =	vmul.f32 $6.999999880e-01, v56;
	v44 =	vadd.f32 v48, v44;
	v59 =	vld.idx.msk [tilespmem:v59+s14+$0x0], $0xffff  }
0xb1: {  	v62 =	vadd.s32 s12, v13;
	v39 =	vmul.f32 $3.000000120e-01, v39;
	v42 =	vmul.f32 $6.999999880e-01, v42;
	[tilespmem:s29+$0xFFFFFFC0] =	vst v47;
	v47 =	vld.idx.msk [tilespmem:v16+s14+$0x0], $0xffff;
	v16 =	vmovc v17;
	v17 =	vmovc v20  }
0xb2: {  	v48 =	vmul.f32 $3.000000120e-01, v51;
	v51 =	vmul.f32 $6.999999880e-01, v53;
	v53 =	vadd.s32 s9, v2;
	v63 =	vld.idx.msk [tilespmem:v23+s14+$0x0], $0xffff;
	[tilespmem:s29+$0x50] =	vst v44;
	v23 =	vmovc v31;
	v31 =	vmovc v50  }
0xb3: {  	v20 =	vmovc v28;
	v43 =	vmul.f32 $3.000000120e-01, v43;
	v44 =	vadd.s32 s9, v3;
	v50 =	vadd.f32 v56, v55;
	v49 =	vld.idx.msk [tilespmem:v49+s14+$0x0], $0xffff  }
0xb4: {  	v39 =	vadd.f32 v42, v39;
	v46 =	vmul.f32 $6.999999880e-01, v46;
	v48 =	vadd.f32 v51, v48;
	v51 =	vld.idx.msk [tilespmem:v52+s14+$0x0], $0xffff  }
0xb5: {  	v42 =	vadd.s32 s12, v14;
	s5 =	sadd.s32 $0x100, s5;
	v28 =	vadd.s32 s12, v15;
	[tilespmem:s1+$0xFFFFFFA0] =	vst v50;
	v50 =	vld.idx.msk [tilespmem:v24+s14+$0x0], $0xffff;
	v24 =	vmovc v32;
	v32 =	vmov v60  }
0xb6: {  	v56 =	vadd.s32 s0, v8;
	v52 =	vmul.f32 $3.000000120e-01, v57;
	v55 =	vmul.f32 $6.999999880e-01, v59;
	[tilespmem:s5+$0x0] =	vst v48;
	v48 =	vld.idx.msk [tilespmem:v33+s14+$0x0], $0xffff;
	v33 =	vmovc v41  }
0xb7: {  	v41 =	vadd.f32 v46, v43;
	v46 =	vadd.s32 s0, v9;
	v43 =	vld.idx.msk [tilespmem:v53+s14+$0x0], $0xffff;
	[tilespmem:s26+$0xFFFFFFE0] =	vst v39;
	v39 =	vmul.f32 $6.999999880e-01, v47  }
0xb8: {  	v47 =	vadd.f32 v55, v52;
	v52 =	vmul.f32 $3.000000120e-01, v63;
	v44 =	vld.idx.msk [tilespmem:v44+s14+$0x0], $0xffff  }
0xb9: {  	[tilespmem:s5+$0xFFFFFF80] =	vst v41;
	v41 =	vld.idx.msk [tilespmem:v35+s14+$0x0], $0xffff;
	v39 =	vadd.f32 v39, v40;
	v35 =	vmov v58  }
0xba: {  	v40 =	vmul.f32 $3.000000120e-01, v49;
	v53 =	vld.idx.msk [tilespmem:v45+s14+$0x0], $0xffff;
	[tilespmem:s1+$0x30] =	vst v47;
	v45 =	vmul.f32 $6.999999880e-01, v51;
	v47 =	vadd.s32 s28, v14  }
0xbb: {  	v49 =	vmul.f32 $6.999999880e-01, v50;
	v55 =	vld.idx.msk [tilespmem:v56+s14+$0x0], $0xffff;
	v56 =	vadd.s32 s28, v15;
	[tilespmem:s25+$0xFFFFFFF0] =	vst v39;
	s28 =	smov.u32 s0;
	s0 =	smov.u32 s9;
	s25 =	smov.u32 s26  }
0xbc: {  	v39 =	vmul.f32 $3.000000120e-01, v48;
	s26 =	smov.u32 s29;
	s29 =	smov.u32 s1;
	s1 =	smov.u32 s5;
	v57 =	vld.idx.msk [tilespmem:v46+s14+$0x0], $0xffff;
	v40 =	vadd.f32 v45, v40  }
0xbd: {  	v46 =	vadd.f32 v49, v52;
	v43 =	vmul.f32 $3.000000120e-01, v43;
	v45 =	vld.idx.msk [tilespmem:v54+s14+$0x0], $0xffff  }
.Ltmp2:
0xbe: {  	v49 =	vadd.s32 s0, v4;
	v44 =	vmul.f32 $6.999999880e-01, v44;
	[tilespmem:s26+$0x60] =	vst v40;
	v40 =	vld.idx.msk [tilespmem:v18+s14+$0x0], $0xffff;
	v18 =	vmovc v19;
	v19 =	vmov v27;
	(pc) =	sbr.rel @p0 .LBB2_2-.Ltmp2, $4  }
0xbf: {  	v50 =	vadd.s32 s0, v5;
	v48 =	vmul.f32 $6.999999880e-01, v41;
	v27 =	vmov v42;
	[tilespmem:s26+$0xFFFFFFD0] =	vst v46;
	v41 =	vld.idx.msk [tilespmem:v47+s14+$0x0], $0xffff  }
0xc0: {  	v51 =	vmul.f32 $3.000000120e-01, v53;
	v42 =	vadd.f32 v44, v43;
	v43 =	vld.idx.msk [tilespmem:v56+s14+$0x0], $0xffff  }
0xc1: {  	v48 =	vadd.f32 v48, v39;
	v39 =	vld.idx.msk [tilespmem:v21+s14+$0x0], $0xffff;
	v21 =	vmov v30;
	v30 =	vmov v61  }
0xc2: {  	s8 =	sadd.s32 $0x100, s8;
	v44 =	vadd.s32 s28, v10;
	v46 =	vmul.f32 $3.000000120e-01, v55;
	v47 =	vmul.f32 $6.999999880e-01, v57;
	[tilespmem:s5+$0x10] =	vst v42;
	v42 =	vld.idx.msk [tilespmem:v22+s14+$0x0], $0xffff;
	v22 =	vmovc v29;
	v29 =	vmovc v62  }
0xc3: {  	_ = 	snop  }
0xc4: {  	v45 =	vmul.f32 $6.999999880e-01, v45;
	_ =	sdelay $0x1  }
0xc5: {  	v45 =	vadd.f32 v45, v51  }
0xc6: {  	v49 =	vld.idx.msk [tilespmem:v49+s14+$0x0], $0xffff  }
0xc7: {  	v50 =	vld.idx.msk [tilespmem:v50+s14+$0x0], $0xffff;
	[tilespmem:s5+$0xFFFFFF90] =	vst v45  }
0xc8: {  	v34 =	vld.idx.msk [tilespmem:v34+s14+$0x0], $0xffff  }
0xc9: {  	v36 =	vld.idx.msk [tilespmem:v36+s14+$0x0], $0xffff;
	_ =	sdelay $0x2  }
0xca: {  	v57 =	vadd.s32 s0, v6;
	v55 =	vmul.f32 $3.000000120e-01, v49;
	v56 =	vmul.f32 $6.999999880e-01, v50  }
0xcb: {  	v58 =	vadd.s32 s0, v7  }
0xcc: {  	v45 =	vadd.f32 v56, v55;
	v34 =	vmul.f32 $3.000000120e-01, v34;
	v36 =	vmul.f32 $6.999999880e-01, v36;
	_ =	sdelay $0x1  }
0xcd: {  	[tilespmem:s5+$0x20] =	vst v45;
	v34 =	vadd.f32 v36, v34  }
0xce: {  	v45 =	vld.idx.msk [tilespmem:v57+s14+$0x0], $0xffff  }
0xcf: {  	v59 =	vld.idx.msk [tilespmem:v58+s14+$0x0], $0xffff;
	[tilespmem:s1+$0xFFFFFFA0] =	vst v34  }
0xd0: {  	v33 =	vld.idx.msk [tilespmem:v33+s14+$0x0], $0xffff  }
0xd1: {  	v34 =	vld.idx.msk [tilespmem:v35+s14+$0x0], $0xffff;
	_ =	sdelay $0x2  }
0xd2: {  	v61 =	vadd.s32 s0, v8;
	[tilespmem:s29+$0xFFFFFFB0] =	vst v48;
	v60 =	vmul.f32 $3.000000120e-01, v45;
	v36 =	vmul.f32 $6.999999880e-01, v59  }
0xd3: {  	v62 =	vadd.s32 s0, v9;
	v25 =	vld.idx.msk [tilespmem:v25+s14+$0x0], $0xffff  }
0xd4: {  	v26 =	vld.idx.msk [tilespmem:v26+s14+$0x0], $0xffff;
	v35 =	vadd.f32 v36, v60;
	v33 =	vmul.f32 $3.000000120e-01, v33;
	v34 =	vmul.f32 $6.999999880e-01, v34;
	_ =	sdelay $0x1  }
0xd5: {  	[tilespmem:s1+$0x30] =	vst v35;
	v33 =	vadd.f32 v34, v33  }
0xd6: {  	v35 =	vld.idx.msk [tilespmem:v61+s14+$0x0], $0xffff  }
0xd7: {  	v63 =	vld.idx.msk [tilespmem:v62+s14+$0x0], $0xffff;
	[tilespmem:s1+$0xFFFFFFB0] =	vst v33  }
0xd8: {  	v25 =	vmul.f32 $3.000000120e-01, v25;
	v26 =	vmul.f32 $6.999999880e-01, v26;
	v37 =	vld.idx.msk [tilespmem:v37+s14+$0x0], $0xffff  }
0xd9: {  	v38 =	vld.idx.msk [tilespmem:v38+s14+$0x0], $0xffff  }
0xda: {  	v25 =	vadd.f32 v26, v25  }
0xdb: {  	v46 =	vadd.f32 v47, v46;
	v45 =	vadd.s32 s28, v11  }
0xdc: {  	v49 =	vadd.s32 s0, v10;
	[tilespmem:s29+$0xFFFFFFC0] =	vst v25;
	v48 =	vmul.f32 $3.000000120e-01, v35;
	v34 =	vmul.f32 $6.999999880e-01, v63  }
0xdd: {  	v50 =	vadd.s32 s0, v11;
	v23 =	vld.idx.msk [tilespmem:v23+s14+$0x0], $0xffff  }
0xde: {  	[tilespmem:s29+$0x40] =	vst v46;
	v24 =	vld.idx.msk [tilespmem:v24+s14+$0x0], $0xffff;
	v33 =	vadd.f32 v34, v48;
	v51 =	vmul.f32 $3.000000120e-01, v37;
	v52 =	vmul.f32 $6.999999880e-01, v38  }
0xdf: {  	v47 =	vld.idx.msk [tilespmem:v44+s14+$0x0], $0xffff  }
0xe0: {  	v36 =	vld.idx.msk [tilespmem:v45+s14+$0x0], $0xffff;
	[tilespmem:s1+$0x40] =	vst v33;
	v34 =	vadd.f32 v52, v51  }
0xe1: {  	v33 =	vld.idx.msk [tilespmem:v49+s14+$0x0], $0xffff  }
0xe2: {  	v25 =	vld.idx.msk [tilespmem:v50+s14+$0x0], $0xffff;
	[tilespmem:s1+$0xFFFFFFC0] =	vst v34  }
0xe3: {  	v23 =	vmul.f32 $3.000000120e-01, v23;
	v24 =	vmul.f32 $6.999999880e-01, v24;
	v31 =	vld.idx.msk [tilespmem:v31+s14+$0x0], $0xffff  }
0xe4: {  	v54 =	vadd.s32 s28, v12;
	v32 =	vld.idx.msk [tilespmem:v32+s14+$0x0], $0xffff  }
0xe5: {  	v26 =	vmul.f32 $3.000000120e-01, v47;
	v23 =	vadd.f32 v24, v23;
	v53 =	vmul.f32 $6.999999880e-01, v36  }
0xe6: {  	v55 =	vadd.s32 s28, v13;
	v57 =	vadd.s32 s0, v12  }
0xe7: {  	[tilespmem:s29+$0xFFFFFFD0] =	vst v23;
	v26 =	vadd.f32 v53, v26;
	v56 =	vmul.f32 $3.000000120e-01, v33;
	v25 =	vmul.f32 $6.999999880e-01, v25  }
0xe8: {  	v59 =	vadd.s32 s0, v13;
	v21 =	vld.idx.msk [tilespmem:v21+s14+$0x0], $0xffff  }
0xe9: {  	v22 =	vld.idx.msk [tilespmem:v22+s14+$0x0], $0xffff;
	[tilespmem:s29+$0x50] =	vst v26;
	v60 =	vadd.f32 v25, v56;
	v61 =	vmul.f32 $3.000000120e-01, v31;
	v62 =	vmul.f32 $6.999999880e-01, v32  }
0xea: {  	v58 =	vld.idx.msk [tilespmem:v54+s14+$0x0], $0xffff  }
0xeb: {  	v34 =	vld.idx.msk [tilespmem:v55+s14+$0x0], $0xffff;
	[tilespmem:s1+$0x50] =	vst v60;
	v24 =	vadd.f32 v62, v61  }
0xec: {  	v63 =	vmul.f32 $3.000000120e-01, v39;
	v36 =	vmul.f32 $6.999999880e-01, v42;
	v23 =	vld.idx.msk [tilespmem:v57+s14+$0x0], $0xffff  }
0xed: {  	v37 =	vld.idx.msk [tilespmem:v59+s14+$0x0], $0xffff;
	[tilespmem:s1+$0xFFFFFFD0] =	vst v24  }
0xee: {  	v21 =	vmul.f32 $3.000000120e-01, v21;
	v22 =	vmul.f32 $6.999999880e-01, v22;
	v44 =	vadd.f32 v36, v63;
	v46 =	vld.idx.msk [tilespmem:v30+s14+$0x0], $0xffff  }
0xef: {  	v42 =	vadd.s32 s28, v14;
	v29 =	vld.idx.msk [tilespmem:v29+s14+$0x0], $0xffff  }
0xf0: {  	v16 =	vld.idx.msk [tilespmem:v16+s14+$0x0], $0xffff;
	v21 =	vadd.f32 v22, v21;
	[tilespmem:s26+$0xFFFFFFE0] =	vst v44;
	v38 =	vmul.f32 $3.000000120e-01, v58;
	v39 =	vmul.f32 $6.999999880e-01, v34  }
0xf1: {  	v45 =	vadd.s32 s28, v15;
	v18 =	vld.idx.msk [tilespmem:v18+s14+$0x0], $0xffff;
	v49 =	vadd.s32 s0, v14  }
0xf2: {  	v17 =	vld.idx.msk [tilespmem:v17+s14+$0x0], $0xffff;
	[tilespmem:s29+$0xFFFFFFE0] =	vst v21;
	v47 =	vadd.f32 v39, v38;
	v23 =	vmul.f32 $3.000000120e-01, v23;
	v48 =	vmul.f32 $6.999999880e-01, v37  }
0xf3: {  	v19 =	vld.idx.msk [tilespmem:v19+s14+$0x0], $0xffff;
	v51 =	vadd.s32 s0, v15  }
0xf4: {  	v20 =	vld.idx.msk [tilespmem:v20+s14+$0x0], $0xffff;
	[tilespmem:s29+$0x60] =	vst v47;
	v23 =	vadd.f32 v48, v23;
	v52 =	vmul.f32 $3.000000120e-01, v46;
	v53 =	vmul.f32 $6.999999880e-01, v29  }
0xf5: {  	v50 =	vld.idx.msk [tilespmem:v42+s14+$0x0], $0xffff  }
0xf6: {  	v25 =	vld.idx.msk [tilespmem:v45+s14+$0x0], $0xffff;
	[tilespmem:s1+$0x60] =	vst v23;
	v21 =	vadd.f32 v53, v52  }
0xf7: {  	v16 =	vmul.f32 $6.999999880e-01, v16;
	v57 =	vmul.f32 $3.000000120e-01, v40;
	v23 =	vld.idx.msk [tilespmem:v49+s14+$0x0], $0xffff  }
0xf8: {  	v22 =	vld.idx.msk [tilespmem:v51+s14+$0x0], $0xffff;
	[tilespmem:s1+$0xFFFFFFE0] =	vst v21  }
0xf9: {  	v18 =	vmul.f32 $3.000000120e-01, v18;
	v17 =	vmul.f32 $6.999999880e-01, v17;
	v16 =	vadd.f32 v16, v57;
	v56 =	vld.idx.msk [tilespmem:v27+s14+$0x0], $0xffff  }
0xfa: {  	v28 =	vld.idx.msk [tilespmem:v28+s14+$0x0], $0xffff  }
0xfb: {  	v60 =	vmul.f32 $6.999999880e-01, v20;
	[tilespmem:s25+$0xFFFFFFF0] =	vst v16;
	v16 =	vadd.f32 v17, v18;
	v17 =	vmul.f32 $3.000000120e-01, v19  }
0xfc: {  	v58 =	vmul.f32 $3.000000120e-01, v50;
	v25 =	vmul.f32 $6.999999880e-01, v25  }
0xfd: {  	v54 =	vmul.f32 $3.000000120e-01, v41;
	v55 =	vmul.f32 $6.999999880e-01, v43;
	[tilespmem:s26+$0xFFFFFFF0] =	vst v16;
	v16 =	vadd.f32 v60, v17  }
0xfe: {  	v59 =	vadd.f32 v25, v58;
	v23 =	vmul.f32 $3.000000120e-01, v23;
	v22 =	vmul.f32 $6.999999880e-01, v22  }
0xff: {  	[tilespmem:s29+$0xFFFFFFF0] =	vst v16;
	v21 =	vadd.f32 v55, v54;
	v62 =	vmul.f32 $3.000000120e-01, v56;
	v63 =	vmul.f32 $6.999999880e-01, v28  }
0x100: {  	[tilespmem:s29+$0x70] =	vst v59;
	v61 =	vadd.f32 v22, v23  }
0x101: {  	[tilespmem:s26+$0x70] =	vst v21;
	v17 =	vadd.f32 v63, v62  }
0x102: {  	[tilespmem:s1+$0x70] =	vst v61  }
0x103: {  	[tilespmem:s1+$0xFFFFFFF0] =	vst v17  }
0x104: {  	s25 =	simm.s32 $0x0;
	s29 =	simm.s32 $0x17100;
	s28 =	rddreg [dreg:$0x6]  }
0x105: {  	[hbm4b:s28+s25] =	stream.linear.scatter [tilespmem:s29], [sflag:$0x5], $0x1000, $0x38;
	[tilespmem:$0x18100] =	vst v63  }
0x106: {  	_ =	swait.ge [sflag:s13], $0x1000  }
0x107: {  	[sflag:s13] =	ssyncset.done $0x0  }
0x108: {  	s30 =	rddreg [dreg:$0x7];
	[sflag:s13] =	ssyncadd.s32 $0xFFFFF000  }
0x109: {  	[tilespmem:s16], [sflag:$0x1] =	stream.linear.gather [hbm4b:s30+s25], $0x7000, $0x38;
	[tilespmem:$0x18100] =	vst v63  }
0x10a: {  	s26 =	simm.s32 $0x0;
	s31 =	rddreg [dreg:$0x8]  }
0x10b: {  	[tilespmem:s17], [sflag:$0x2] =	stream.linear.gather [hbm4b:s31+s25], $0x7000, $0x38;
	[tilespmem:$0x18100] =	vst v63  }
.LBB2_4:
0x10c: {  	s0 =	simm.s32 $0x80  }
0x10d: {  	s2 =	sand.u32 $0x7800, s25;
	s0 =	sand.u32 $0x380, s0  }
0x10e: {  	_ =	swait.ge [sflag:s18], $0x7000;
	s1 =	sor.u32 s2, s0  }
0x10f: {  	p0 =	seq.s32 s26, $0x0;
	[sflag:s18] =	ssyncset.done $0x0;
	v16 =	vadd.s32 s1, v0  }
0x110: {  	[sflag:s18] =	ssyncadd.s32 $0xFFFF9000;
	s0 =	simm.s32 @!p0 $0x3;
	v17 =	vadd.s32 s1, v1  }
0x111: {  	_ =	swait.ge @!p0 [sflag:s0], $0x3800  }
0x112: {  	s5 =	sand.u32 $0x300, s25;
	[sflag:s0] =	ssyncset.done @!p0 $0x0  }
0x113: {  	s5 =	sor.u32 s5, s2;
	[sflag:s0] =	ssyncadd.s32 @!p0 $0xFFFFC800  }
0x114: {  	v18 =	vadd.s32 s5, v0;
	v16 =	vld.idx.msk [tilespmem:v16+s16+$0x0], $0xffff  }
0x115: {  	v19 =	vadd.s32 s5, v1;
	v17 =	vld.idx.msk [tilespmem:v17+s16+$0x0], $0xffff;
	_ =	sdelay $0x3  }
0x116: {  	v18 =	vld.idx.msk [tilespmem:v18+s16+$0x0], $0xffff  }
0x117: {  	v20 =	vadd.s32 s1, v2;
	v19 =	vld.idx.msk [tilespmem:v19+s16+$0x0], $0xffff;
	v16 =	vmul.f32 $3.000000120e-01, v16;
	v17 =	vmul.f32 $6.999999880e-01, v17  }
0x118: {  	v21 =	vadd.s32 s1, v3  }
0x119: {  	v16 =	vadd.f32 v17, v16  }
0x11a: {  	s29 =	simm.s32 $0xE180  }
0x11b: {  	[tilespmem:s29+$0x0] =	vst v16  }
0x11c: {  	v17 =	vmul.f32 $3.000000120e-01, v18;
	v18 =	vmul.f32 $6.999999880e-01, v19;
	v16 =	vadd.s32 s5, v2;
	v19 =	vld.idx.msk [tilespmem:v20+s16+$0x0], $0xffff  }
0x11d: {  	v20 =	vadd.s32 s5, v3;
	v21 =	vld.idx.msk [tilespmem:v21+s16+$0x0], $0xffff  }
0x11e: {  	v17 =	vadd.f32 v18, v17;
	_ =	sdelay $0x1  }
0x11f: {  	[tilespmem:s29+$0xFFFFFF80] =	vst v17  }
0x120: {  	v16 =	vld.idx.msk [tilespmem:v16+s16+$0x0], $0xffff  }
0x121: {  	v17 =	vld.idx.msk [tilespmem:v20+s16+$0x0], $0xffff;
	v18 =	vmul.f32 $3.000000120e-01, v19;
	v19 =	vmul.f32 $6.999999880e-01, v21;
	v20 =	vadd.s32 s1, v4  }
0x122: {  	v21 =	vadd.s32 s1, v5  }
0x123: {  	v18 =	vadd.f32 v19, v18;
	_ =	sdelay $0x1  }
0x124: {  	s8 =	simm.s32 $0x180;
	s9 =	simm.s32 $0x200;
	[tilespmem:s29+$0x10] =	vst v18  }
0x125: {  	s7 =	sand.u32 $0x7800, s9;
	s0 =	sand.u32 $0x380, s8;
	v18 =	vadd.s32 s5, v4;
	v16 =	vmul.f32 $3.000000120e-01, v16;
	v17 =	vmul.f32 $6.999999880e-01, v17;
	v19 =	vld.idx.msk [tilespmem:v20+s16+$0x0], $0xffff  }
0x126: {  	s2 =	sor.u32 s7, s0;
	v20 =	vadd.s32 s5, v5;
	v21 =	vld.idx.msk [tilespmem:v21+s16+$0x0], $0xffff  }
0x127: {  	v22 =	vadd.s32 s2, v1;
	v16 =	vadd.f32 v17, v16  }
0x128: {  	v17 =	vadd.s32 s2, v0  }
0x129: {  	[tilespmem:s29+$0xFFFFFF90] =	vst v16  }
0x12a: {  	s12 =	simm.s32 $0x100;
	v16 =	vld.idx.msk [tilespmem:v18+s16+$0x0], $0xffff  }
0x12b: {  	s0 =	sand.u32 $0x300, s12;
	v18 =	vld.idx.msk [tilespmem:v20+s16+$0x0], $0xffff;
	v19 =	vmul.f32 $3.000000120e-01, v19;
	v20 =	vmul.f32 $6.999999880e-01, v21;
	v21 =	vadd.s32 s1, v6  }
0x12c: {  	v23 =	vadd.s32 s1, v7;
	s7 =	sor.u32 s0, s7;
	v22 =	vld.idx.msk [tilespmem:v22+s16+$0x0], $0xffff  }
0x12d: {  	v24 =	vadd.s32 s7, v0;
	v17 =	vld.idx.msk [tilespmem:v17+s16+$0x0], $0xffff;
	v19 =	vadd.f32 v20, v19  }
0x12e: {  	v20 =	vadd.s32 s7, v1  }
0x12f: {  	[tilespmem:s29+$0x20] =	vst v19  }
0x130: {  	v19 =	vld.idx.msk [tilespmem:v21+s16+$0x0], $0xffff  }
0x131: {  	v21 =	vadd.s32 s5, v6;
	v16 =	vmul.f32 $3.000000120e-01, v16;
	v18 =	vmul.f32 $6.999999880e-01, v18;
	v23 =	vld.idx.msk [tilespmem:v23+s16+$0x0], $0xffff  }
0x132: {  	v25 =	vadd.s32 s2, v2;
	v24 =	vld.idx.msk [tilespmem:v24+s16+$0x0], $0xffff;
	v22 =	vmul.f32 $6.999999880e-01, v22;
	v17 =	vmul.f32 $3.000000120e-01, v17  }
0x133: {  	v26 =	vadd.s32 s2, v3;
	v20 =	vld.idx.msk [tilespmem:v20+s16+$0x0], $0xffff;
	v16 =	vadd.f32 v18, v16  }
0x134: {  	v18 =	vadd.s32 s5, v7;
	v17 =	vadd.f32 v22, v17  }
0x135: {  	s30 =	simm.s32 $0xE280;
	[tilespmem:s29+$0xFFFFFFA0] =	vst v16  }
0x136: {  	v16 =	vld.idx.msk [tilespmem:v21+s16+$0x0], $0xffff;
	v21 =	vadd.s32 s1, v8;
	[tilespmem:s30+$0x0] =	vst v17;
	v17 =	vmul.f32 $3.000000120e-01, v19;
	v19 =	vmul.f32 $6.999999880e-01, v23  }
0x137: {  	v24 =	vmul.f32 $3.000000120e-01, v24;
	v23 =	vld.idx.msk [tilespmem:v25+s16+$0x0], $0xffff;
	v25 =	vadd.s32 s1, v9  }
0x138: {  	v22 =	vadd.s32 s7, v2;
	v20 =	vmul.f32 $6.999999880e-01, v20;
	v26 =	vld.idx.msk [tilespmem:v26+s16+$0x0], $0xffff;
	v17 =	vadd.f32 v19, v17  }
0x139: {  	v18 =	vld.idx.msk [tilespmem:v18+s16+$0x0], $0xffff;
	v19 =	vadd.s32 s7, v3  }
0x13a: {  	v20 =	vadd.f32 v20, v24;
	[tilespmem:s29+$0x30] =	vst v17  }
0x13b: {  	v17 =	vld.idx.msk [tilespmem:v21+s16+$0x0], $0xffff  }
0x13c: {  	[tilespmem:s30+$0xFFFFFF80] =	vst v20;
	v20 =	vld.idx.msk [tilespmem:v25+s16+$0x0], $0xffff  }
0x13d: {  	v24 =	vadd.s32 s2, v4;
	v21 =	vld.idx.msk [tilespmem:v22+s16+$0x0], $0xffff;
	v22 =	vmul.f32 $3.000000120e-01, v23;
	v23 =	vmul.f32 $6.999999880e-01, v26  }
0x13e: {  	v16 =	vmul.f32 $3.000000120e-01, v16;
	v25 =	vadd.s32 s2, v5;
	v18 =	vmul.f32 $6.999999880e-01, v18;
	v19 =	vld.idx.msk [tilespmem:v19+s16+$0x0], $0xffff  }
0x13f: {  	v26 =	vadd.s32 s5, v8;
	v22 =	vadd.f32 v23, v22  }
0x140: {  	v23 =	vadd.s32 s5, v9;
	v16 =	vadd.f32 v18, v16  }
0x141: {  	s8 =	simm.s32 $0x400;
	[tilespmem:s30+$0x10] =	vst v22;
	v17 =	vmul.f32 $3.000000120e-01, v17;
	v18 =	vmul.f32 $6.999999880e-01, v20;
	v20 =	vadd.s32 s1, v10  }
0x142: {  	s13 =	simm.s32 $0x280;
	s8 =	sand.u32 $0x7800, s8;
	v27 =	vadd.s32 s7, v4;
	v22 =	vld.idx.msk [tilespmem:v24+s16+$0x0], $0xffff;
	v24 =	vadd.s32 s1, v11  }
0x143: {  	s0 =	sand.u32 $0x380, s13;
	[tilespmem:s29+$0xFFFFFFB0] =	vst v16;
	v21 =	vmul.f32 $3.000000120e-01, v21;
	v16 =	vld.idx.msk [tilespmem:v25+s16+$0x0], $0xffff;
	v19 =	vmul.f32 $6.999999880e-01, v19;
	v17 =	vadd.f32 v18, v17  }
0x144: {  	s9 =	simm.s32 $0x200;
	s0 =	sor.u32 s8, s0;
	v25 =	vld.idx.msk [tilespmem:v26+s16+$0x0], $0xffff;
	v18 =	vadd.s32 s7, v5  }
0x145: {  	s9 =	sand.u32 $0x300, s9;
	v23 =	vld.idx.msk [tilespmem:v23+s16+$0x0], $0xffff;
	v19 =	vadd.f32 v19, v21;
	v21 =	vadd.s32 s0, v0;
	[tilespmem:s29+$0x40] =	vst v17  }
0x146: {  	s8 =	sor.u32 s9, s8;
	v17 =	vadd.s32 s0, v1;
	v20 =	vld.idx.msk [tilespmem:v20+s16+$0x0], $0xffff  }
0x147: {  	v26 =	vadd.s32 s8, v0;
	[tilespmem:s30+$0xFFFFFF90] =	vst v19;
	v19 =	vld.idx.msk [tilespmem:v24+s16+$0x0], $0xffff  }
0x148: {  	v24 =	vadd.s32 s8, v1;
	v27 =	vld.idx.msk [tilespmem:v27+s16+$0x0], $0xffff  }
0x149: {  	v28 =	vadd.s32 s2, v6;
	v22 =	vmul.f32 $3.000000120e-01, v22;
	v16 =	vmul.f32 $6.999999880e-01, v16;
	v18 =	vld.idx.msk [tilespmem:v18+s16+$0x0], $0xffff  }
0x14a: {  	v29 =	vadd.s32 s5, v10;
	v30 =	vadd.s32 s2, v7;
	v21 =	vld.idx.msk [tilespmem:v21+s16+$0x0], $0xffff  }
0x14b: {  	v16 =	vadd.f32 v16, v22;
	v22 =	vmul.f32 $3.000000120e-01, v25;
	v23 =	vmul.f32 $6.999999880e-01, v23;
	v17 =	vld.idx.msk [tilespmem:v17+s16+$0x0], $0xffff  }
0x14c: {  	v25 =	vld.idx.msk [tilespmem:v26+s16+$0x0], $0xffff;
	v26 =	vadd.s32 s1, v12;
	v20 =	vmul.f32 $3.000000120e-01, v20;
	v19 =	vmul.f32 $6.999999880e-01, v19  }
0x14d: {  	[tilespmem:s30+$0x20] =	vst v16;
	v16 =	vadd.f32 v23, v22;
	v22 =	vadd.s32 s1, v13;
	v24 =	vld.idx.msk [tilespmem:v24+s16+$0x0], $0xffff  }
0x14e: {  	v23 =	vadd.s32 s5, v11;
	v28 =	vld.idx.msk [tilespmem:v28+s16+$0x0], $0xffff;
	v19 =	vadd.f32 v19, v20  }
0x14f: {  	v30 =	vld.idx.msk [tilespmem:v30+s16+$0x0], $0xffff;
	v27 =	vmul.f32 $3.000000120e-01, v27;
	[tilespmem:s29+$0xFFFFFFC0] =	vst v16;
	v18 =	vmul.f32 $6.999999880e-01, v18  }
0x150: {  	v29 =	vld.idx.msk [tilespmem:v29+s16+$0x0], $0xffff;
	v16 =	vmul.f32 $3.000000120e-01, v21;
	v21 =	vadd.s32 s0, v2;
	v17 =	vmul.f32 $6.999999880e-01, v17;
	[tilespmem:s29+$0x50] =	vst v19  }
0x151: {  	v19 =	vadd.s32 s0, v3;
	v18 =	vadd.f32 v18, v27;
	v26 =	vld.idx.msk [tilespmem:v26+s16+$0x0], $0xffff  }
0x152: {  	s31 =	simm.s32 $0xE380;
	v20 =	vadd.s32 s7, v6;
	v16 =	vadd.f32 v17, v16;
	v17 =	vld.idx.msk [tilespmem:v22+s16+$0x0], $0xffff  }
0x153: {  	v25 =	vmul.f32 $3.000000120e-01, v25;
	v27 =	vadd.s32 s7, v7;
	v24 =	vmul.f32 $6.999999880e-01, v24;
	[tilespmem:s30+$0xFFFFFFA0] =	vst v18;
	v18 =	vld.idx.msk [tilespmem:v23+s16+$0x0], $0xffff  }
0x154: {  	v23 =	vmul.f32 $6.999999880e-01, v30;
	[tilespmem:s31+$0x0] =	vst v16;
	v16 =	vmul.f32 $3.000000120e-01, v28;
	v28 =	vadd.s32 s2, v8  }
0x155: {  	v24 =	vadd.f32 v24, v25;
	v25 =	vadd.s32 s2, v9;
	v21 =	vld.idx.msk [tilespmem:v21+s16+$0x0], $0xffff  }
0x156: {  	v31 =	vadd.s32 s8, v3;
	v19 =	vld.idx.msk [tilespmem:v19+s16+$0x0], $0xffff;
	v16 =	vadd.f32 v23, v16  }
0x157: {  	v22 =	vadd.s32 s8, v2;
	v20 =	vld.idx.msk [tilespmem:v20+s16+$0x0], $0xffff;
	v29 =	vmul.f32 $3.000000120e-01, v29;
	[tilespmem:s31+$0xFFFFFF80] =	vst v24;
	v24 =	vmul.f32 $3.000000120e-01, v26  }
0x158: {  	v23 =	vld.idx.msk [tilespmem:v27+s16+$0x0], $0xffff;
	v26 =	vadd.s32 s1, v14;
	v17 =	vmul.f32 $6.999999880e-01, v17;
	v18 =	vmul.f32 $6.999999880e-01, v18;
	[tilespmem:s30+$0x30] =	vst v16  }
0x159: {  	v33 =	vadd.s32 s5, v13;
	v32 =	vadd.s32 s1, v15;
	v59 =	vadd.s32 s2, v11;
	v28 =	vld.idx.msk [tilespmem:v28+s16+$0x0], $0xffff  }
0x15a: {  	v51 =	vadd.s32 s2, v12;
	v17 =	vadd.f32 v17, v24;
	v25 =	vld.idx.msk [tilespmem:v25+s16+$0x0], $0xffff;
	v18 =	vadd.f32 v18, v29  }
0x15b: {  	v29 =	vld.idx.msk [tilespmem:v31+s16+$0x0], $0xffff;
	v31 =	vadd.s32 s0, v4;
	v21 =	vmul.f32 $3.000000120e-01, v21;
	v19 =	vmul.f32 $6.999999880e-01, v19  }
0x15c: {  	v60 =	vadd.s32 s2, v13;
	v22 =	vld.idx.msk [tilespmem:v22+s16+$0x0], $0xffff;
	[tilespmem:s29+$0x60] =	vst v17;
	v17 =	vmul.f32 $3.000000120e-01, v20;
	v20 =	vadd.s32 s0, v5  }
0x15d: {  	v24 =	vadd.s32 s7, v8;
	v23 =	vmul.f32 $6.999999880e-01, v23;
	[tilespmem:s29+$0xFFFFFFD0] =	vst v18;
	v34 =	vld.idx.msk [tilespmem:v26+s16+$0x0], $0xffff;
	v18 =	vadd.f32 v19, v21  }
0x15e: {  	v36 =	vadd.s32 s8, v4;
	v26 =	vadd.s32 s7, v9;
	v32 =	vld.idx.msk [tilespmem:v32+s16+$0x0], $0xffff;
	v21 =	vadd.s32 s2, v10  }
0x15f: {  	v17 =	vadd.f32 v23, v17;
	[tilespmem:s31+$0x10] =	vst v18;
	v18 =	vmul.f32 $3.000000120e-01, v28;
	v19 =	vmul.f32 $6.999999880e-01, v25;
	v28 =	vld.idx.msk [tilespmem:v33+s16+$0x0], $0xffff  }
0x160: {  	s15 =	simm.s32 $0x380;
	v30 =	vadd.s32 s5, v12;
	v27 =	vadd.s32 s5, v14;
	v16 =	vadd.s32 s5, v15;
	s5 =	simm.s32 $0x600;
	v31 =	vld.idx.msk [tilespmem:v31+s16+$0x0], $0xffff  }
0x161: {  	v22 =	vmul.f32 $3.000000120e-01, v22;
	v23 =	vmul.f32 $6.999999880e-01, v29;
	[tilespmem:s30+$0xFFFFFFB0] =	vst v17;
	v20 =	vld.idx.msk [tilespmem:v20+s16+$0x0], $0xffff;
	v19 =	vadd.f32 v19, v18  }
0x162: {  	v35 =	vadd.s32 s7, v10;
	v37 =	vadd.s32 s7, v11;
	s1 =	sand.u32 $0x380, s15;
	s22 =	sand.u32 $0x7800, s5;
	v29 =	vadd.s32 s8, v5;
	v38 =	vld.idx.msk [tilespmem:v24+s16+$0x0], $0xffff  }
0x163: {  	s23 =	simm.s32 $0x300;
	v39 =	vadd.s32 s7, v12;
	v42 =	vadd.s32 s7, v13;
	s1 =	sor.u32 s22, s1;
	v22 =	vadd.f32 v23, v22;
	v43 =	vld.idx.msk [tilespmem:v26+s16+$0x0], $0xffff;
	[tilespmem:s30+$0x40] =	vst v19  }
0x164: {  	v41 =	vadd.s32 s1, v0;
	v17 =	vadd.s32 s7, v15;
	v18 =	vadd.s32 s7, v14;
	s7 =	sand.u32 $0x300, s23;
	v46 =	vld.idx.msk [tilespmem:v21+s16+$0x0], $0xffff  }
0x165: {  	v40 =	vadd.s32 s8, v6;
	v45 =	vadd.s32 s1, v1;
	s9 =	sor.u32 s7, s22;
	[tilespmem:s31+$0xFFFFFF90] =	vst v22;
	v33 =	vld.idx.msk [tilespmem:v59+s16+$0x0], $0xffff  }
0x166: {  	v44 =	vadd.s32 s8, v7;
	v49 =	vadd.s32 s0, v6;
	v47 =	vadd.s32 s9, v0;
	v36 =	vld.idx.msk [tilespmem:v36+s16+$0x0], $0xffff  }
0x167: {  	v50 =	vadd.s32 s0, v7;
	v55 =	vadd.s32 s0, v8;
	v48 =	vadd.s32 s9, v1;
	v29 =	vld.idx.msk [tilespmem:v29+s16+$0x0], $0xffff  }
0x168: {  	v56 =	vadd.s32 s0, v9;
	v30 =	vld.idx.msk [tilespmem:v30+s16+$0x0], $0xffff;
	v31 =	vmul.f32 $3.000000120e-01, v31;
	v20 =	vmul.f32 $6.999999880e-01, v20  }
0x169: {  	v58 =	vadd.s32 s1, v2;
	v53 =	vadd.s32 s1, v3;
	v25 =	vadd.s32 s8, v8;
	v41 =	vld.idx.msk [tilespmem:v41+s16+$0x0], $0xffff  }
0x16a: {  	v45 =	vld.idx.msk [tilespmem:v45+s16+$0x0], $0xffff;
	v38 =	vmul.f32 $3.000000120e-01, v38;
	v43 =	vmul.f32 $6.999999880e-01, v43;
	v31 =	vadd.f32 v20, v31  }
0x16b: {  	v23 =	vadd.s32 s8, v10;
	v47 =	vld.idx.msk [tilespmem:v47+s16+$0x0], $0xffff;
	v46 =	vmul.f32 $3.000000120e-01, v46;
	v33 =	vmul.f32 $6.999999880e-01, v33  }
0x16c: {  	v48 =	vld.idx.msk [tilespmem:v48+s16+$0x0], $0xffff;
	v36 =	vmul.f32 $3.000000120e-01, v36;
	v29 =	vmul.f32 $6.999999880e-01, v29;
	[tilespmem:s31+$0x20] =	vst v31;
	v31 =	vadd.f32 v43, v38  }
0x16d: {  	v24 =	vadd.s32 s8, v11;
	v26 =	vadd.s32 s8, v9;
	v61 =	vld.idx.msk [tilespmem:v49+s16+$0x0], $0xffff;
	v33 =	vadd.f32 v33, v46  }
0x16e: {  	v34 =	vmul.f32 $3.000000120e-01, v34;
	v32 =	vmul.f32 $6.999999880e-01, v32;
	v63 =	vld.idx.msk [tilespmem:v50+s16+$0x0], $0xffff;
	v29 =	vadd.f32 v29, v36;
	[tilespmem:s30+$0xFFFFFFC0] =	vst v31  }
0x16f: {  	v30 =	vmul.f32 $3.000000120e-01, v30;
	v22 =	vadd.s32 s8, v13;
	v28 =	vmul.f32 $6.999999880e-01, v28;
	v50 =	vld.idx.msk [tilespmem:v35+s16+$0x0], $0xffff;
	[tilespmem:s30+$0x50] =	vst v33  }
0x170: {  	v19 =	vadd.s32 s8, v14;
	v57 =	vmul.f32 $6.999999880e-01, v45;
	v31 =	vmul.f32 $3.000000120e-01, v41;
	[tilespmem:s31+$0xFFFFFFA0] =	vst v29;
	v29 =	vld.idx.msk [tilespmem:v37+s16+$0x0], $0xffff  }
0x171: {  	v52 =	vadd.s32 s9, v3;
	v21 =	vadd.s32 s8, v12;
	v54 =	vadd.f32 v32, v34;
	v51 =	vld.idx.msk [tilespmem:v51+s16+$0x0], $0xffff  }
0x172: {  	v34 =	vadd.s32 s9, v4;
	v28 =	vadd.f32 v28, v30;
	v31 =	vadd.f32 v57, v31;
	v60 =	vld.idx.msk [tilespmem:v60+s16+$0x0], $0xffff  }
0x173: {  	s7 =	simm.s32 $0xE480;
	v46 =	vadd.s32 s9, v2;
	v59 =	vmul.f32 $3.000000120e-01, v47;
	v62 =	vmul.f32 $6.999999880e-01, v48;
	v47 =	vld.idx.msk [tilespmem:v40+s16+$0x0], $0xffff  }
0x174: {  	v30 =	vadd.s32 s9, v12;
	v44 =	vld.idx.msk [tilespmem:v44+s16+$0x0], $0xffff;
	[tilespmem:s7+$0x0] =	vst v31;
	v31 =	vmul.f32 $3.000000120e-01, v61;
	v63 =	vmul.f32 $6.999999880e-01, v63  }
0x175: {  	v20 =	vadd.s32 s8, v15;
	v38 =	vadd.s32 s9, v9;
	v32 =	vadd.f32 v62, v59;
	v43 =	vld.idx.msk [tilespmem:v58+s16+$0x0], $0xffff  }
0x176: {  	[tilespmem:s29+$0xFFFFFFE0] =	vst v28;
	v36 =	vadd.s32 s9, v5;
	v49 =	vadd.s32 s1, v4;
	v61 =	vld.idx.msk [tilespmem:v53+s16+$0x0], $0xffff;
	v31 =	vadd.f32 v63, v31  }
0x177: {  	v40 =	vld.idx.msk [tilespmem:v27+s16+$0x0], $0xffff;
	[tilespmem:s7+$0xFFFFFF80] =	vst v32;
	v63 =	vadd.s32 s2, v14;
	v62 =	vmul.f32 $3.000000120e-01, v51;
	v41 =	vmul.f32 $6.999999880e-01, v60  }
0x178: {  	v33 =	vadd.s32 s9, v6;
	v35 =	vadd.s32 s9, v7;
	v58 =	vadd.s32 s2, v15;
	v46 =	vld.idx.msk [tilespmem:v46+s16+$0x0], $0xffff;
	[tilespmem:s31+$0x30] =	vst v31  }
0x179: {  	v59 =	vmul.f32 $3.000000120e-01, v50;
	v60 =	vmul.f32 $6.999999880e-01, v29;
	v57 =	vld.idx.msk [tilespmem:v55+s16+$0x0], $0xffff;
	v41 =	vadd.f32 v41, v62  }
0x17a: {  	v37 =	vadd.s32 s9, v8;
	v27 =	vadd.s32 s9, v14;
	v32 =	vadd.s32 s9, v11;
	v55 =	vld.idx.msk [tilespmem:v56+s16+$0x0], $0xffff  }
0x17b: {  	v45 =	vld.idx.msk [tilespmem:v52+s16+$0x0], $0xffff;
	v62 =	vadd.f32 v60, v59;
	v28 =	vmul.f32 $3.000000120e-01, v43;
	v61 =	vmul.f32 $6.999999880e-01, v61;
	[tilespmem:s30+$0x60] =	vst v41  }
0x17c: {  	v50 =	vadd.s32 s1, v5;
	v47 =	vmul.f32 $3.000000120e-01, v47;
	v44 =	vmul.f32 $6.999999880e-01, v44;
	v41 =	vld.idx.msk [tilespmem:v63+s16+$0x0], $0xffff  }
0x17d: {  	s28 =	smul.u32 $0xE0, s26;
	v29 =	vadd.s32 s9, v13;
	v31 =	vadd.s32 s9, v10;
	[tilespmem:s30+$0xFFFFFFD0] =	vst v62;
	v63 =	vadd.f32 v61, v28;
	v43 =	vld.idx.msk [tilespmem:v58+s16+$0x0], $0xffff  }
0x17e: {  	s15 =	simm.s32 $0xE480;
	[tilespmem:s29+$0x70] =	vst v54;
	v48 =	vadd.f32 v44, v47;
	v44 =	vadd.s32 s0, v10;
	v51 =	vmul.f32 $3.000000120e-01, v46;
	v39 =	vld.idx.msk [tilespmem:v39+s16+$0x0], $0xffff  }
0x17f: {  	s8 =	simm.s32 $0x6;
	s2 =	sadd.s32 s6, s28;
	v28 =	vadd.s32 s9, v15;
	s9 =	simm.s32 $0x400;
	v42 =	vld.idx.msk [tilespmem:v42+s16+$0x0], $0xffff;
	[tilespmem:s7+$0x10] =	vst v63;
	v46 =	vmul.f32 $3.000000120e-01, v57;
	v47 =	vmul.f32 $6.999999880e-01, v55  }
.LBB2_5:
0x180: {  	s12 =	sand.u32 $0x300, s9;
	s22 =	sadd.s32 $0x80, s9;
	v45 =	vmul.f32 $6.999999880e-01, v45;
	v49 =	vld.idx.msk [tilespmem:v49+s16+$0x0], $0xffff;
	s5 =	sadd.s32 $0x200, s5;
	[tilespmem:s31+$0xFFFFFFB0] =	vst v48;
	v48 =	vadd.s32 s0, v11  }
0x181: {  	v40 =	vmul.f32 $3.000000120e-01, v40;
	s23 =	sand.u32 $0x7800, s5;
	s13 =	sand.u32 $0x380, s22;
	v50 =	vld.idx.msk [tilespmem:v50+s16+$0x0], $0xffff;
	v46 =	vadd.f32 v47, v46  }
0x182: {  	s22 =	sor.u32 s12, s23;
	s12 =	sor.u32 s23, s13;
	v45 =	vadd.f32 v45, v51;
	v47 =	vld.idx.msk [tilespmem:v25+s16+$0x0], $0xffff;
	v25 =	vmov v37  }
0x183: {  	v37 =	vmul.f32 $3.000000120e-01, v41;
	v41 =	vmul.f32 $6.999999880e-01, v43;
	v51 =	vadd.s32 s12, v0;
	v52 =	vld.idx.msk [tilespmem:v26+s16+$0x0], $0xffff;
	[tilespmem:s31+$0x40] =	vst v46;
	v26 =	vmovc v38  }
0x184: {  	v43 =	vadd.s32 s22, v0;
	v46 =	vadd.s32 s22, v1;
	v53 =	vadd.s32 s12, v1;
	[tilespmem:s7+$0xFFFFFF90] =	vst v45;
	v44 =	vld.idx.msk [tilespmem:v44+s16+$0x0], $0xffff  }
0x185: {  	v54 =	vadd.s32 s22, v3;
	v45 =	vadd.s32 s22, v2;
	v37 =	vadd.f32 v41, v37;
	v48 =	vld.idx.msk [tilespmem:v48+s16+$0x0], $0xffff  }
0x186: {  	v38 =	vadd.s32 s22, v5;
	v41 =	vadd.s32 s22, v6;
	v55 =	vld.idx.msk [tilespmem:v34+s16+$0x0], $0xffff;
	v34 =	vadd.s32 s22, v4  }
0x187: {  	v57 =	vadd.s32 s1, v6;
	v49 =	vmul.f32 $3.000000120e-01, v49;
	v50 =	vmul.f32 $6.999999880e-01, v50;
	v56 =	vld.idx.msk [tilespmem:v36+s16+$0x0], $0xffff;
	[tilespmem:s30+$0x70] =	vst v37;
	v36 =	vmovc v38  }
0x188: {  	s8 =	sadd.s32 $0x2, s8;
	v59 =	vadd.s32 s1, v7;
	v58 =	vadd.s32 s22, v7;
	v37 =	vadd.s32 s22, v8;
	v51 =	vld.idx.msk [tilespmem:v51+s16+$0x0], $0xffff  }
0x189: {  	p1 =	slt.u32 s8, $0x6E;
	v38 =	vadd.s32 s22, v9;
	v47 =	vmul.f32 $3.000000120e-01, v47;
	v49 =	vadd.f32 v50, v49;
	v53 =	vld.idx.msk [tilespmem:v53+s16+$0x0], $0xffff  }
0x18a: {  	v60 =	vadd.s32 s22, v11;
	v50 =	vadd.s32 s22, v10;
	v52 =	vmul.f32 $6.999999880e-01, v52;
	v43 =	vld.idx.msk [tilespmem:v43+s16+$0x0], $0xffff  }
0x18b: {  	v44 =	vmul.f32 $3.000000120e-01, v44;
	v48 =	vmul.f32 $6.999999880e-01, v48;
	v46 =	vld.idx.msk [tilespmem:v46+s16+$0x0], $0xffff;
	[tilespmem:s7+$0x20] =	vst v49;
	v49 =	vadd.s32 s0, v12  }
0x18c: {  	v47 =	vadd.f32 v52, v47;
	v52 =	vadd.s32 s0, v13;
	v55 =	vmul.f32 $3.000000120e-01, v55;
	v57 =	vld.idx.msk [tilespmem:v57+s16+$0x0], $0xffff  }
0x18d: {  	v61 =	vadd.s32 s22, v12;
	v56 =	vmul.f32 $6.999999880e-01, v56;
	v44 =	vadd.f32 v48, v44;
	v59 =	vld.idx.msk [tilespmem:v59+s16+$0x0], $0xffff  }
0x18e: {  	v62 =	vadd.s32 s22, v13;
	v39 =	vmul.f32 $3.000000120e-01, v39;
	v42 =	vmul.f32 $6.999999880e-01, v42;
	[tilespmem:s31+$0xFFFFFFC0] =	vst v47;
	v47 =	vld.idx.msk [tilespmem:v16+s16+$0x0], $0xffff;
	v16 =	vmovc v17;
	v17 =	vmovc v20  }
0x18f: {  	v48 =	vmul.f32 $3.000000120e-01, v51;
	v51 =	vmul.f32 $6.999999880e-01, v53;
	v53 =	vadd.s32 s12, v2;
	v63 =	vld.idx.msk [tilespmem:v23+s16+$0x0], $0xffff;
	[tilespmem:s31+$0x50] =	vst v44;
	v23 =	vmovc v31;
	v31 =	vmovc v50  }
0x190: {  	v20 =	vmovc v28;
	v43 =	vmul.f32 $3.000000120e-01, v43;
	v44 =	vadd.s32 s12, v3;
	v50 =	vadd.f32 v56, v55;
	v49 =	vld.idx.msk [tilespmem:v49+s16+$0x0], $0xffff  }
0x191: {  	v39 =	vadd.f32 v42, v39;
	v46 =	vmul.f32 $6.999999880e-01, v46;
	v48 =	vadd.f32 v51, v48;
	v51 =	vld.idx.msk [tilespmem:v52+s16+$0x0], $0xffff  }
0x192: {  	v42 =	vadd.s32 s22, v14;
	s7 =	sadd.s32 $0x100, s7;
	v28 =	vadd.s32 s22, v15;
	[tilespmem:s15+$0xFFFFFFA0] =	vst v50;
	v50 =	vld.idx.msk [tilespmem:v24+s16+$0x0], $0xffff;
	v24 =	vmovc v32;
	v32 =	vmov v60  }
0x193: {  	v56 =	vadd.s32 s1, v8;
	v52 =	vmul.f32 $3.000000120e-01, v57;
	v55 =	vmul.f32 $6.999999880e-01, v59;
	[tilespmem:s7+$0x0] =	vst v48;
	v48 =	vld.idx.msk [tilespmem:v33+s16+$0x0], $0xffff;
	v33 =	vmovc v41  }
0x194: {  	v41 =	vadd.f32 v46, v43;
	v46 =	vadd.s32 s1, v9;
	v43 =	vld.idx.msk [tilespmem:v53+s16+$0x0], $0xffff;
	[tilespmem:s30+$0xFFFFFFE0] =	vst v39;
	v39 =	vmul.f32 $6.999999880e-01, v47  }
0x195: {  	v47 =	vadd.f32 v55, v52;
	v52 =	vmul.f32 $3.000000120e-01, v63;
	v44 =	vld.idx.msk [tilespmem:v44+s16+$0x0], $0xffff  }
0x196: {  	[tilespmem:s7+$0xFFFFFF80] =	vst v41;
	v41 =	vld.idx.msk [tilespmem:v35+s16+$0x0], $0xffff;
	v39 =	vadd.f32 v39, v40;
	v35 =	vmov v58  }
0x197: {  	v40 =	vmul.f32 $3.000000120e-01, v49;
	v53 =	vld.idx.msk [tilespmem:v45+s16+$0x0], $0xffff;
	[tilespmem:s15+$0x30] =	vst v47;
	v45 =	vmul.f32 $6.999999880e-01, v51;
	v47 =	vadd.s32 s0, v14  }
0x198: {  	v49 =	vmul.f32 $6.999999880e-01, v50;
	v55 =	vld.idx.msk [tilespmem:v56+s16+$0x0], $0xffff;
	v56 =	vadd.s32 s0, v15;
	[tilespmem:s29+$0xFFFFFFF0] =	vst v39;
	s0 =	smov.u32 s1;
	s1 =	smov.u32 s12;
	s29 =	smov.u32 s30  }
0x199: {  	v39 =	vmul.f32 $3.000000120e-01, v48;
	s30 =	smov.u32 s31;
	s31 =	smov.u32 s15;
	s15 =	smov.u32 s7;
	v57 =	vld.idx.msk [tilespmem:v46+s16+$0x0], $0xffff;
	v40 =	vadd.f32 v45, v40  }
0x19a: {  	v46 =	vadd.f32 v49, v52;
	v43 =	vmul.f32 $3.000000120e-01, v43;
	v45 =	vld.idx.msk [tilespmem:v54+s16+$0x0], $0xffff  }
.Ltmp3:
0x19b: {  	v49 =	vadd.s32 s1, v4;
	v44 =	vmul.f32 $6.999999880e-01, v44;
	[tilespmem:s30+$0x60] =	vst v40;
	v40 =	vld.idx.msk [tilespmem:v18+s16+$0x0], $0xffff;
	v18 =	vmovc v19;
	v19 =	vmov v27;
	(pc) =	sbr.rel @p1 .LBB2_5-.Ltmp3, $4  }
0x19c: {  	v50 =	vadd.s32 s1, v5;
	v48 =	vmul.f32 $6.999999880e-01, v41;
	v27 =	vmov v42;
	[tilespmem:s30+$0xFFFFFFD0] =	vst v46;
	v41 =	vld.idx.msk [tilespmem:v47+s16+$0x0], $0xffff  }
0x19d: {  	v51 =	vmul.f32 $3.000000120e-01, v53;
	v42 =	vadd.f32 v44, v43;
	v43 =	vld.idx.msk [tilespmem:v56+s16+$0x0], $0xffff  }
0x19e: {  	v48 =	vadd.f32 v48, v39;
	v39 =	vld.idx.msk [tilespmem:v21+s16+$0x0], $0xffff;
	v21 =	vmov v30;
	v30 =	vmov v61  }
0x19f: {  	s9 =	sadd.s32 $0x100, s9;
	v44 =	vadd.s32 s0, v10;
	v46 =	vmul.f32 $3.000000120e-01, v55;
	v47 =	vmul.f32 $6.999999880e-01, v57;
	[tilespmem:s7+$0x10] =	vst v42;
	v42 =	vld.idx.msk [tilespmem:v22+s16+$0x0], $0xffff;
	v22 =	vmovc v29;
	v29 =	vmovc v62  }
0x1a0: {  	_ = 	snop  }
0x1a1: {  	v45 =	vmul.f32 $6.999999880e-01, v45;
	_ =	sdelay $0x1  }
0x1a2: {  	v45 =	vadd.f32 v45, v51  }
0x1a3: {  	v49 =	vld.idx.msk [tilespmem:v49+s16+$0x0], $0xffff  }
0x1a4: {  	v50 =	vld.idx.msk [tilespmem:v50+s16+$0x0], $0xffff;
	[tilespmem:s7+$0xFFFFFF90] =	vst v45  }
0x1a5: {  	v34 =	vld.idx.msk [tilespmem:v34+s16+$0x0], $0xffff  }
0x1a6: {  	v36 =	vld.idx.msk [tilespmem:v36+s16+$0x0], $0xffff;
	_ =	sdelay $0x2  }
0x1a7: {  	v56 =	vadd.s32 s1, v6;
	v54 =	vmul.f32 $3.000000120e-01, v49;
	v55 =	vmul.f32 $6.999999880e-01, v50  }
0x1a8: {  	v57 =	vadd.s32 s1, v7  }
0x1a9: {  	v45 =	vadd.f32 v55, v54;
	v34 =	vmul.f32 $3.000000120e-01, v34;
	v36 =	vmul.f32 $6.999999880e-01, v36;
	_ =	sdelay $0x1  }
0x1aa: {  	[tilespmem:s7+$0x20] =	vst v45;
	v34 =	vadd.f32 v36, v34  }
0x1ab: {  	v45 =	vld.idx.msk [tilespmem:v56+s16+$0x0], $0xffff  }
0x1ac: {  	v58 =	vld.idx.msk [tilespmem:v57+s16+$0x0], $0xffff;
	[tilespmem:s15+$0xFFFFFFA0] =	vst v34  }
0x1ad: {  	v33 =	vld.idx.msk [tilespmem:v33+s16+$0x0], $0xffff  }
0x1ae: {  	[tilespmem:s31+$0xFFFFFFB0] =	vst v48;
	v34 =	vld.idx.msk [tilespmem:v35+s16+$0x0], $0xffff  }
0x1af: {  	v25 =	vld.idx.msk [tilespmem:v25+s16+$0x0], $0xffff  }
0x1b0: {  	v26 =	vld.idx.msk [tilespmem:v26+s16+$0x0], $0xffff  }
0x1b1: {  	v60 =	vadd.s32 s1, v8;
	v59 =	vmul.f32 $3.000000120e-01, v45;
	v36 =	vmul.f32 $6.999999880e-01, v58  }
0x1b2: {  	v61 =	vadd.s32 s1, v9  }
0x1b3: {  	v35 =	vadd.f32 v36, v59;
	v33 =	vmul.f32 $3.000000120e-01, v33;
	v34 =	vmul.f32 $6.999999880e-01, v34;
	_ =	sdelay $0x1  }
0x1b4: {  	v25 =	vmul.f32 $3.000000120e-01, v25;
	v26 =	vmul.f32 $6.999999880e-01, v26;
	[tilespmem:s15+$0x30] =	vst v35;
	v33 =	vadd.f32 v34, v33  }
0x1b5: {  	v35 =	vld.idx.msk [tilespmem:v60+s16+$0x0], $0xffff  }
0x1b6: {  	v25 =	vadd.f32 v26, v25;
	v62 =	vld.idx.msk [tilespmem:v61+s16+$0x0], $0xffff;
	[tilespmem:s15+$0xFFFFFFB0] =	vst v33  }
0x1b7: {  	v37 =	vld.idx.msk [tilespmem:v37+s16+$0x0], $0xffff  }
0x1b8: {  	v63 =	vadd.s32 s0, v11;
	[tilespmem:s31+$0xFFFFFFC0] =	vst v25;
	v38 =	vld.idx.msk [tilespmem:v38+s16+$0x0], $0xffff  }
0x1b9: {  	v23 =	vld.idx.msk [tilespmem:v23+s16+$0x0], $0xffff;
	v45 =	vadd.f32 v47, v46  }
0x1ba: {  	v24 =	vld.idx.msk [tilespmem:v24+s16+$0x0], $0xffff  }
0x1bb: {  	v47 =	vadd.s32 s1, v10;
	[tilespmem:s31+$0x40] =	vst v45;
	v46 =	vmul.f32 $3.000000120e-01, v35;
	v34 =	vmul.f32 $6.999999880e-01, v62  }
0x1bc: {  	v25 =	vadd.s32 s1, v11;
	v26 =	vld.idx.msk [tilespmem:v44+s16+$0x0], $0xffff  }
0x1bd: {  	v36 =	vld.idx.msk [tilespmem:v63+s16+$0x0], $0xffff;
	v33 =	vadd.f32 v34, v46;
	v48 =	vmul.f32 $3.000000120e-01, v37;
	v49 =	vmul.f32 $6.999999880e-01, v38;
	_ =	sdelay $0x1  }
0x1be: {  	v23 =	vmul.f32 $3.000000120e-01, v23;
	v24 =	vmul.f32 $6.999999880e-01, v24;
	[tilespmem:s15+$0x40] =	vst v33;
	v34 =	vadd.f32 v49, v48  }
0x1bf: {  	v33 =	vld.idx.msk [tilespmem:v47+s16+$0x0], $0xffff  }
0x1c0: {  	v23 =	vadd.f32 v24, v23;
	v25 =	vld.idx.msk [tilespmem:v25+s16+$0x0], $0xffff;
	[tilespmem:s15+$0xFFFFFFC0] =	vst v34  }
0x1c1: {  	v26 =	vmul.f32 $3.000000120e-01, v26;
	v50 =	vmul.f32 $6.999999880e-01, v36;
	v31 =	vld.idx.msk [tilespmem:v31+s16+$0x0], $0xffff  }
0x1c2: {  	v51 =	vadd.s32 s0, v12;
	[tilespmem:s31+$0xFFFFFFD0] =	vst v23;
	v32 =	vld.idx.msk [tilespmem:v32+s16+$0x0], $0xffff  }
0x1c3: {  	v52 =	vadd.s32 s0, v13;
	v21 =	vld.idx.msk [tilespmem:v21+s16+$0x0], $0xffff;
	v26 =	vadd.f32 v50, v26  }
0x1c4: {  	v22 =	vld.idx.msk [tilespmem:v22+s16+$0x0], $0xffff  }
0x1c5: {  	[tilespmem:s31+$0x50] =	vst v26;
	v26 =	vadd.s32 s1, v12;
	v24 =	vmul.f32 $3.000000120e-01, v33;
	v25 =	vmul.f32 $6.999999880e-01, v25  }
0x1c6: {  	v54 =	vadd.s32 s1, v13  }
0x1c7: {  	v53 =	vld.idx.msk [tilespmem:v51+s16+$0x0], $0xffff;
	v23 =	vadd.f32 v25, v24;
	v24 =	vmul.f32 $3.000000120e-01, v31;
	v25 =	vmul.f32 $6.999999880e-01, v32  }
0x1c8: {  	v34 =	vld.idx.msk [tilespmem:v52+s16+$0x0], $0xffff  }
0x1c9: {  	v21 =	vmul.f32 $3.000000120e-01, v21;
	v22 =	vmul.f32 $6.999999880e-01, v22;
	[tilespmem:s15+$0x50] =	vst v23;
	v24 =	vadd.f32 v25, v24  }
0x1ca: {  	v23 =	vld.idx.msk [tilespmem:v26+s16+$0x0], $0xffff;
	v26 =	vmul.f32 $6.999999880e-01, v42;
	v25 =	vmul.f32 $3.000000120e-01, v39  }
0x1cb: {  	v31 =	vld.idx.msk [tilespmem:v54+s16+$0x0], $0xffff;
	[tilespmem:s15+$0xFFFFFFD0] =	vst v24  }
0x1cc: {  	v21 =	vadd.f32 v22, v21;
	v24 =	vadd.f32 v26, v25;
	v26 =	vld.idx.msk [tilespmem:v30+s16+$0x0], $0xffff  }
0x1cd: {  	v55 =	vmul.f32 $3.000000120e-01, v53;
	v56 =	vmul.f32 $6.999999880e-01, v34;
	v29 =	vld.idx.msk [tilespmem:v29+s16+$0x0], $0xffff  }
0x1ce: {  	v16 =	vld.idx.msk [tilespmem:v16+s16+$0x0], $0xffff;
	v57 =	vadd.s32 s0, v14;
	[tilespmem:s31+$0xFFFFFFE0] =	vst v21  }
0x1cf: {  	v19 =	vld.idx.msk [tilespmem:v19+s16+$0x0], $0xffff;
	v25 =	vadd.s32 s0, v15;
	v30 =	vadd.f32 v56, v55  }
0x1d0: {  	v22 =	vadd.s32 s1, v15;
	v20 =	vld.idx.msk [tilespmem:v20+s16+$0x0], $0xffff;
	v23 =	vmul.f32 $3.000000120e-01, v23;
	[tilespmem:s30+$0xFFFFFFE0] =	vst v24;
	v24 =	vmul.f32 $6.999999880e-01, v31  }
0x1d1: {  	[tilespmem:s31+$0x60] =	vst v30;
	v18 =	vld.idx.msk [tilespmem:v18+s16+$0x0], $0xffff;
	v30 =	vadd.s32 s1, v14  }
0x1d2: {  	v17 =	vld.idx.msk [tilespmem:v17+s16+$0x0], $0xffff;
	v23 =	vadd.f32 v24, v23;
	v21 =	vmul.f32 $3.000000120e-01, v26;
	v24 =	vmul.f32 $6.999999880e-01, v29  }
0x1d3: {  	v31 =	vld.idx.msk [tilespmem:v57+s16+$0x0], $0xffff  }
0x1d4: {  	v25 =	vld.idx.msk [tilespmem:v25+s16+$0x0], $0xffff;
	[tilespmem:s15+$0x60] =	vst v23;
	v21 =	vadd.f32 v24, v21  }
0x1d5: {  	v22 =	vld.idx.msk [tilespmem:v22+s16+$0x0], $0xffff  }
0x1d6: {  	v23 =	vld.idx.msk [tilespmem:v30+s16+$0x0], $0xffff;
	[tilespmem:s15+$0xFFFFFFE0] =	vst v21  }
0x1d7: {  	v24 =	vmul.f32 $6.999999880e-01, v43;
	v21 =	vmul.f32 $3.000000120e-01, v41;
	v26 =	vld.idx.msk [tilespmem:v27+s16+$0x0], $0xffff  }
0x1d8: {  	v16 =	vmul.f32 $6.999999880e-01, v16;
	v27 =	vmul.f32 $3.000000120e-01, v40;
	v28 =	vld.idx.msk [tilespmem:v28+s16+$0x0], $0xffff  }
0x1d9: {  	v25 =	vmul.f32 $6.999999880e-01, v25;
	v21 =	vadd.f32 v24, v21;
	v24 =	vmul.f32 $3.000000120e-01, v31  }
0x1da: {  	v18 =	vmul.f32 $3.000000120e-01, v18;
	v17 =	vmul.f32 $6.999999880e-01, v17;
	v16 =	vadd.f32 v16, v27  }
0x1db: {  	v22 =	vmul.f32 $6.999999880e-01, v22;
	v23 =	vmul.f32 $3.000000120e-01, v23;
	[tilespmem:s30+$0x70] =	vst v21;
	v21 =	vadd.f32 v25, v24  }
0x1dc: {  	[tilespmem:s29+$0xFFFFFFF0] =	vst v16;
	v16 =	vadd.f32 v17, v18;
	v17 =	vmul.f32 $3.000000120e-01, v19;
	v18 =	vmul.f32 $6.999999880e-01, v20  }
0x1dd: {  	v19 =	vadd.f32 v22, v23;
	[tilespmem:s31+$0x70] =	vst v21;
	v20 =	vmul.f32 $3.000000120e-01, v26;
	v21 =	vmul.f32 $6.999999880e-01, v28  }
0x1de: {  	[tilespmem:s30+$0xFFFFFFF0] =	vst v16;
	v16 =	vadd.f32 v18, v17  }
0x1df: {  	[tilespmem:s15+$0x70] =	vst v19;
	v17 =	vadd.f32 v21, v20  }
0x1e0: {  	s12 =	sshll.u32 s2, $0x4;
	[tilespmem:s31+$0xFFFFFFF0] =	vst v16  }
0x1e1: {  	p1 =	seq.s32 s26, $0x14;
	s0 =	sadd.s32 s3, s12;
	[tilespmem:s15+$0xFFFFFFF0] =	vst v17  }
0x1e2: {  	[hbm4b:s0+s4] =	stream.linear.scatter [tilespmem:s19], [sflag:$0x3], $0x3800, $0x38;
	[tilespmem:$0x18100] =	vst v63  }
0x1e3: {  	s13 =	simm.s32 $0x0;
	s1 =	simm.s32 @!p1 $0x0;
	s0 =	sshll.u32 @!p1 s2, $0x5  }
0x1e4: {  	s15 =	simm.s32 $0x80;
	s2 =	simm.s32 @!p1 $0x100;
	s0 =	sadd.s32 @!p1 s0, s10  }
0x1e5: {  	[tilespmem:s2], [sflag:$0x1] =	stream.linear.gather @!p1 [hbm4b:s0+s1], $0x7000, $0x38;
	[tilespmem:$0x18100] =	vst v63  }
0x1e6: {  	s22 =	sand.u32 $0x7800, s13;
	s1 =	sand.u32 $0x380, s15  }
0x1e7: {  	_ =	swait.ge [sflag:s20], $0x7000;
	s1 =	sor.u32 s22, s1  }
0x1e8: {  	[sflag:s20] =	ssyncset.done $0x0;
	v16 =	vadd.s32 s1, v0  }
0x1e9: {  	s5 =	simm.s32 @!p0 $0x4;
	v17 =	vadd.s32 s1, v1;
	[sflag:s20] =	ssyncadd.s32 $0xFFFF9000  }
0x1ea: {  	_ =	swait.ge @!p0 [sflag:s5], $0x3800  }
0x1eb: {  	s0 =	sand.u32 $0x300, s13;
	[sflag:s5] =	ssyncset.done @!p0 $0x0  }
0x1ec: {  	s23 =	sor.u32 s0, s22;
	[sflag:s5] =	ssyncadd.s32 @!p0 $0xFFFFC800  }
0x1ed: {  	v18 =	vadd.s32 s23, v0;
	v16 =	vld.idx.msk [tilespmem:v16+s17+$0x0], $0xffff  }
0x1ee: {  	v19 =	vadd.s32 s23, v1;
	v17 =	vld.idx.msk [tilespmem:v17+s17+$0x0], $0xffff;
	_ =	sdelay $0x3  }
0x1ef: {  	v18 =	vld.idx.msk [tilespmem:v18+s17+$0x0], $0xffff  }
0x1f0: {  	v20 =	vadd.s32 s1, v2;
	v19 =	vld.idx.msk [tilespmem:v19+s17+$0x0], $0xffff;
	v16 =	vmul.f32 $3.000000120e-01, v16;
	v17 =	vmul.f32 $6.999999880e-01, v17  }
0x1f1: {  	v21 =	vadd.s32 s1, v3  }
0x1f2: {  	v16 =	vadd.f32 v17, v16  }
0x1f3: {  	s29 =	simm.s32 $0x11980  }
0x1f4: {  	[tilespmem:s29+$0x0] =	vst v16  }
0x1f5: {  	v17 =	vmul.f32 $3.000000120e-01, v18;
	v18 =	vmul.f32 $6.999999880e-01, v19;
	v16 =	vadd.s32 s23, v2;
	v19 =	vld.idx.msk [tilespmem:v20+s17+$0x0], $0xffff  }
0x1f6: {  	v20 =	vadd.s32 s23, v3;
	v21 =	vld.idx.msk [tilespmem:v21+s17+$0x0], $0xffff  }
0x1f7: {  	v17 =	vadd.f32 v18, v17;
	_ =	sdelay $0x1  }
0x1f8: {  	[tilespmem:s29+$0xFFFFFF80] =	vst v17  }
0x1f9: {  	v16 =	vld.idx.msk [tilespmem:v16+s17+$0x0], $0xffff  }
0x1fa: {  	v17 =	vld.idx.msk [tilespmem:v20+s17+$0x0], $0xffff;
	v18 =	vmul.f32 $3.000000120e-01, v19;
	v19 =	vmul.f32 $6.999999880e-01, v21;
	v20 =	vadd.s32 s1, v4  }
0x1fb: {  	v21 =	vadd.s32 s1, v5  }
0x1fc: {  	v18 =	vadd.f32 v19, v18;
	_ =	sdelay $0x1  }
0x1fd: {  	s8 =	simm.s32 $0x200;
	s7 =	simm.s32 $0x180;
	[tilespmem:s29+$0x10] =	vst v18  }
0x1fe: {  	s9 =	sand.u32 $0x7800, s8;
	s0 =	sand.u32 $0x380, s7;
	v18 =	vadd.s32 s23, v4;
	v16 =	vmul.f32 $3.000000120e-01, v16;
	v17 =	vmul.f32 $6.999999880e-01, v17;
	v19 =	vld.idx.msk [tilespmem:v20+s17+$0x0], $0xffff  }
0x1ff: {  	s2 =	sor.u32 s9, s0;
	v20 =	vadd.s32 s23, v5;
	v21 =	vld.idx.msk [tilespmem:v21+s17+$0x0], $0xffff  }
0x200: {  	v22 =	vadd.s32 s2, v1;
	v16 =	vadd.f32 v17, v16  }
0x201: {  	v17 =	vadd.s32 s2, v0  }
0x202: {  	[tilespmem:s29+$0xFFFFFF90] =	vst v16  }
0x203: {  	s12 =	simm.s32 $0x100;
	v16 =	vld.idx.msk [tilespmem:v18+s17+$0x0], $0xffff  }
0x204: {  	s0 =	sand.u32 $0x300, s12;
	v18 =	vld.idx.msk [tilespmem:v20+s17+$0x0], $0xffff;
	v19 =	vmul.f32 $3.000000120e-01, v19;
	v20 =	vmul.f32 $6.999999880e-01, v21;
	v21 =	vadd.s32 s1, v6  }
0x205: {  	v23 =	vadd.s32 s1, v7;
	s7 =	sor.u32 s0, s9;
	v22 =	vld.idx.msk [tilespmem:v22+s17+$0x0], $0xffff  }
0x206: {  	v24 =	vadd.s32 s7, v0;
	v17 =	vld.idx.msk [tilespmem:v17+s17+$0x0], $0xffff;
	v19 =	vadd.f32 v20, v19  }
0x207: {  	v20 =	vadd.s32 s7, v1  }
0x208: {  	[tilespmem:s29+$0x20] =	vst v19  }
0x209: {  	v19 =	vld.idx.msk [tilespmem:v21+s17+$0x0], $0xffff  }
0x20a: {  	v21 =	vadd.s32 s23, v6;
	v16 =	vmul.f32 $3.000000120e-01, v16;
	v18 =	vmul.f32 $6.999999880e-01, v18;
	v23 =	vld.idx.msk [tilespmem:v23+s17+$0x0], $0xffff  }
0x20b: {  	v25 =	vadd.s32 s2, v2;
	v24 =	vld.idx.msk [tilespmem:v24+s17+$0x0], $0xffff;
	v22 =	vmul.f32 $6.999999880e-01, v22;
	v17 =	vmul.f32 $3.000000120e-01, v17  }
0x20c: {  	v26 =	vadd.s32 s2, v3;
	v20 =	vld.idx.msk [tilespmem:v20+s17+$0x0], $0xffff;
	v16 =	vadd.f32 v18, v16  }
0x20d: {  	v18 =	vadd.s32 s23, v7;
	v17 =	vadd.f32 v22, v17  }
0x20e: {  	s30 =	simm.s32 $0x11A80;
	[tilespmem:s29+$0xFFFFFFA0] =	vst v16  }
0x20f: {  	v16 =	vld.idx.msk [tilespmem:v21+s17+$0x0], $0xffff;
	v21 =	vadd.s32 s1, v8;
	[tilespmem:s30+$0x0] =	vst v17;
	v17 =	vmul.f32 $3.000000120e-01, v19;
	v19 =	vmul.f32 $6.999999880e-01, v23  }
0x210: {  	v24 =	vmul.f32 $3.000000120e-01, v24;
	v23 =	vld.idx.msk [tilespmem:v25+s17+$0x0], $0xffff;
	v25 =	vadd.s32 s1, v9  }
0x211: {  	v22 =	vadd.s32 s7, v2;
	v20 =	vmul.f32 $6.999999880e-01, v20;
	v26 =	vld.idx.msk [tilespmem:v26+s17+$0x0], $0xffff;
	v17 =	vadd.f32 v19, v17  }
0x212: {  	v18 =	vld.idx.msk [tilespmem:v18+s17+$0x0], $0xffff;
	v19 =	vadd.s32 s7, v3  }
0x213: {  	v20 =	vadd.f32 v20, v24;
	[tilespmem:s29+$0x30] =	vst v17  }
0x214: {  	v17 =	vld.idx.msk [tilespmem:v21+s17+$0x0], $0xffff  }
0x215: {  	[tilespmem:s30+$0xFFFFFF80] =	vst v20;
	v20 =	vld.idx.msk [tilespmem:v25+s17+$0x0], $0xffff  }
0x216: {  	v24 =	vadd.s32 s2, v4;
	v21 =	vld.idx.msk [tilespmem:v22+s17+$0x0], $0xffff;
	v22 =	vmul.f32 $3.000000120e-01, v23;
	v23 =	vmul.f32 $6.999999880e-01, v26  }
0x217: {  	v16 =	vmul.f32 $3.000000120e-01, v16;
	v25 =	vadd.s32 s2, v5;
	v18 =	vmul.f32 $6.999999880e-01, v18;
	v19 =	vld.idx.msk [tilespmem:v19+s17+$0x0], $0xffff  }
0x218: {  	v26 =	vadd.s32 s23, v8;
	v22 =	vadd.f32 v23, v22  }
0x219: {  	v23 =	vadd.s32 s23, v9;
	v16 =	vadd.f32 v18, v16  }
0x21a: {  	s8 =	simm.s32 $0x400;
	[tilespmem:s30+$0x10] =	vst v22;
	v17 =	vmul.f32 $3.000000120e-01, v17;
	v18 =	vmul.f32 $6.999999880e-01, v20;
	v20 =	vadd.s32 s1, v10  }
0x21b: {  	s8 =	sand.u32 $0x7800, s8;
	s13 =	simm.s32 $0x280;
	v27 =	vadd.s32 s7, v4;
	v22 =	vld.idx.msk [tilespmem:v24+s17+$0x0], $0xffff;
	v24 =	vadd.s32 s1, v11  }
0x21c: {  	s0 =	sand.u32 $0x380, s13;
	[tilespmem:s29+$0xFFFFFFB0] =	vst v16;
	v21 =	vmul.f32 $3.000000120e-01, v21;
	v16 =	vld.idx.msk [tilespmem:v25+s17+$0x0], $0xffff;
	v19 =	vmul.f32 $6.999999880e-01, v19;
	v17 =	vadd.f32 v18, v17  }
0x21d: {  	s9 =	simm.s32 $0x200;
	s0 =	sor.u32 s8, s0;
	v25 =	vld.idx.msk [tilespmem:v26+s17+$0x0], $0xffff;
	v18 =	vadd.s32 s7, v5  }
0x21e: {  	s9 =	sand.u32 $0x300, s9;
	v23 =	vld.idx.msk [tilespmem:v23+s17+$0x0], $0xffff;
	v19 =	vadd.f32 v19, v21;
	v21 =	vadd.s32 s0, v0;
	[tilespmem:s29+$0x40] =	vst v17  }
0x21f: {  	s8 =	sor.u32 s9, s8;
	v17 =	vadd.s32 s0, v1;
	v20 =	vld.idx.msk [tilespmem:v20+s17+$0x0], $0xffff  }
0x220: {  	v26 =	vadd.s32 s8, v0;
	[tilespmem:s30+$0xFFFFFF90] =	vst v19;
	v19 =	vld.idx.msk [tilespmem:v24+s17+$0x0], $0xffff  }
0x221: {  	v24 =	vadd.s32 s8, v1;
	v27 =	vld.idx.msk [tilespmem:v27+s17+$0x0], $0xffff  }
0x222: {  	v28 =	vadd.s32 s2, v6;
	v22 =	vmul.f32 $3.000000120e-01, v22;
	v16 =	vmul.f32 $6.999999880e-01, v16;
	v18 =	vld.idx.msk [tilespmem:v18+s17+$0x0], $0xffff  }
0x223: {  	v29 =	vadd.s32 s23, v10;
	v30 =	vadd.s32 s2, v7;
	v21 =	vld.idx.msk [tilespmem:v21+s17+$0x0], $0xffff  }
0x224: {  	v16 =	vadd.f32 v16, v22;
	v22 =	vmul.f32 $3.000000120e-01, v25;
	v23 =	vmul.f32 $6.999999880e-01, v23;
	v17 =	vld.idx.msk [tilespmem:v17+s17+$0x0], $0xffff  }
0x225: {  	v25 =	vld.idx.msk [tilespmem:v26+s17+$0x0], $0xffff;
	v26 =	vadd.s32 s1, v12;
	v20 =	vmul.f32 $3.000000120e-01, v20;
	v19 =	vmul.f32 $6.999999880e-01, v19  }
0x226: {  	[tilespmem:s30+$0x20] =	vst v16;
	v16 =	vadd.f32 v23, v22;
	v22 =	vadd.s32 s1, v13;
	v24 =	vld.idx.msk [tilespmem:v24+s17+$0x0], $0xffff  }
0x227: {  	v23 =	vadd.s32 s23, v11;
	v28 =	vld.idx.msk [tilespmem:v28+s17+$0x0], $0xffff;
	v19 =	vadd.f32 v19, v20  }
0x228: {  	v30 =	vld.idx.msk [tilespmem:v30+s17+$0x0], $0xffff;
	v27 =	vmul.f32 $3.000000120e-01, v27;
	[tilespmem:s29+$0xFFFFFFC0] =	vst v16;
	v18 =	vmul.f32 $6.999999880e-01, v18  }
0x229: {  	v29 =	vld.idx.msk [tilespmem:v29+s17+$0x0], $0xffff;
	v16 =	vmul.f32 $3.000000120e-01, v21;
	v21 =	vadd.s32 s0, v2;
	v17 =	vmul.f32 $6.999999880e-01, v17;
	[tilespmem:s29+$0x50] =	vst v19  }
0x22a: {  	v19 =	vadd.s32 s0, v3;
	v18 =	vadd.f32 v18, v27;
	v26 =	vld.idx.msk [tilespmem:v26+s17+$0x0], $0xffff  }
0x22b: {  	s31 =	simm.s32 $0x11B80;
	v20 =	vadd.s32 s7, v6;
	v16 =	vadd.f32 v17, v16;
	v17 =	vld.idx.msk [tilespmem:v22+s17+$0x0], $0xffff  }
0x22c: {  	v25 =	vmul.f32 $3.000000120e-01, v25;
	v27 =	vadd.s32 s7, v7;
	v24 =	vmul.f32 $6.999999880e-01, v24;
	[tilespmem:s30+$0xFFFFFFA0] =	vst v18;
	v18 =	vld.idx.msk [tilespmem:v23+s17+$0x0], $0xffff  }
0x22d: {  	v23 =	vmul.f32 $6.999999880e-01, v30;
	[tilespmem:s31+$0x0] =	vst v16;
	v16 =	vmul.f32 $3.000000120e-01, v28;
	v28 =	vadd.s32 s2, v8  }
0x22e: {  	v24 =	vadd.f32 v24, v25;
	v25 =	vadd.s32 s2, v9;
	v21 =	vld.idx.msk [tilespmem:v21+s17+$0x0], $0xffff  }
0x22f: {  	v58 =	vadd.s32 s1, v15;
	v31 =	vadd.s32 s8, v3;
	v19 =	vld.idx.msk [tilespmem:v19+s17+$0x0], $0xffff;
	v16 =	vadd.f32 v23, v16  }
0x230: {  	s15 =	simm.s32 $0x380;
	s5 =	simm.s32 $0x600;
	v22 =	vadd.s32 s8, v2;
	v20 =	vld.idx.msk [tilespmem:v20+s17+$0x0], $0xffff;
	v29 =	vmul.f32 $3.000000120e-01, v29;
	[tilespmem:s31+$0xFFFFFF80] =	vst v24;
	v24 =	vmul.f32 $3.000000120e-01, v26  }
0x231: {  	s22 =	sand.u32 $0x7800, s5;
	v23 =	vld.idx.msk [tilespmem:v27+s17+$0x0], $0xffff;
	v26 =	vadd.s32 s1, v14;
	s1 =	sand.u32 $0x380, s15;
	v17 =	vmul.f32 $6.999999880e-01, v17;
	v18 =	vmul.f32 $6.999999880e-01, v18;
	[tilespmem:s30+$0x30] =	vst v16  }
0x232: {  	v59 =	vadd.s32 s23, v13;
	s1 =	sor.u32 s22, s1;
	v28 =	vld.idx.msk [tilespmem:v28+s17+$0x0], $0xffff  }
0x233: {  	v53 =	vadd.s32 s1, v1;
	v17 =	vadd.f32 v17, v24;
	v25 =	vld.idx.msk [tilespmem:v25+s17+$0x0], $0xffff;
	v18 =	vadd.f32 v18, v29  }
0x234: {  	v29 =	vld.idx.msk [tilespmem:v31+s17+$0x0], $0xffff;
	v31 =	vadd.s32 s0, v4;
	v21 =	vmul.f32 $3.000000120e-01, v21;
	v19 =	vmul.f32 $6.999999880e-01, v19  }
0x235: {  	v60 =	vadd.s32 s2, v11;
	v22 =	vld.idx.msk [tilespmem:v22+s17+$0x0], $0xffff;
	[tilespmem:s29+$0x60] =	vst v17;
	v17 =	vmul.f32 $3.000000120e-01, v20;
	v20 =	vadd.s32 s0, v5  }
0x236: {  	v24 =	vadd.s32 s7, v8;
	v23 =	vmul.f32 $6.999999880e-01, v23;
	[tilespmem:s29+$0xFFFFFFD0] =	vst v18;
	v34 =	vld.idx.msk [tilespmem:v26+s17+$0x0], $0xffff;
	v18 =	vadd.f32 v19, v21  }
0x237: {  	v35 =	vadd.s32 s7, v10;
	v26 =	vadd.s32 s7, v9;
	v32 =	vld.idx.msk [tilespmem:v58+s17+$0x0], $0xffff;
	v21 =	vadd.s32 s2, v10  }
0x238: {  	v17 =	vadd.f32 v23, v17;
	v45 =	vld.idx.msk [tilespmem:v53+s17+$0x0], $0xffff;
	[tilespmem:s31+$0x10] =	vst v18;
	v18 =	vmul.f32 $3.000000120e-01, v28;
	v19 =	vmul.f32 $6.999999880e-01, v25  }
0x239: {  	v37 =	vadd.s32 s7, v11;
	v39 =	vadd.s32 s7, v12;
	v61 =	vadd.s32 s8, v4;
	v31 =	vld.idx.msk [tilespmem:v31+s17+$0x0], $0xffff  }
0x23a: {  	v22 =	vmul.f32 $3.000000120e-01, v22;
	v23 =	vmul.f32 $6.999999880e-01, v29;
	[tilespmem:s30+$0xFFFFFFB0] =	vst v17;
	v20 =	vld.idx.msk [tilespmem:v20+s17+$0x0], $0xffff;
	v19 =	vadd.f32 v19, v18  }
0x23b: {  	v42 =	vadd.s32 s7, v13;
	v30 =	vadd.s32 s23, v12;
	v29 =	vadd.s32 s8, v5;
	v62 =	vld.idx.msk [tilespmem:v24+s17+$0x0], $0xffff  }
0x23c: {  	v27 =	vadd.s32 s23, v14;
	v16 =	vadd.s32 s23, v15;
	s23 =	simm.s32 $0x300;
	v22 =	vadd.f32 v23, v22;
	v52 =	vld.idx.msk [tilespmem:v26+s17+$0x0], $0xffff;
	[tilespmem:s30+$0x40] =	vst v19  }
0x23d: {  	v57 =	vadd.s32 s0, v6;
	v17 =	vadd.s32 s7, v15;
	v18 =	vadd.s32 s7, v14;
	s7 =	sand.u32 $0x300, s23;
	v54 =	vld.idx.msk [tilespmem:v21+s17+$0x0], $0xffff  }
0x23e: {  	v40 =	vadd.s32 s8, v6;
	v44 =	vadd.s32 s8, v7;
	v63 =	vadd.s32 s1, v0;
	s9 =	sor.u32 s7, s22;
	[tilespmem:s31+$0xFFFFFF90] =	vst v22;
	v33 =	vld.idx.msk [tilespmem:v60+s17+$0x0], $0xffff  }
0x23f: {  	v49 =	vadd.s32 s1, v4;
	v58 =	vadd.s32 s0, v7;
	v55 =	vadd.s32 s9, v0;
	v36 =	vld.idx.msk [tilespmem:v61+s17+$0x0], $0xffff  }
0x240: {  	v53 =	vadd.s32 s1, v3;
	v25 =	vadd.s32 s8, v8;
	v56 =	vadd.s32 s9, v1;
	v29 =	vld.idx.msk [tilespmem:v29+s17+$0x0], $0xffff  }
0x241: {  	v28 =	vld.idx.msk [tilespmem:v59+s17+$0x0], $0xffff;
	v59 =	vadd.s32 s2, v12;
	v31 =	vmul.f32 $3.000000120e-01, v31;
	v20 =	vmul.f32 $6.999999880e-01, v20  }
0x242: {  	v30 =	vld.idx.msk [tilespmem:v30+s17+$0x0], $0xffff;
	v23 =	vadd.s32 s8, v10;
	v24 =	vadd.s32 s8, v11;
	v34 =	vmul.f32 $3.000000120e-01, v34  }
0x243: {  	v41 =	vld.idx.msk [tilespmem:v63+s17+$0x0], $0xffff;
	v38 =	vmul.f32 $3.000000120e-01, v62;
	v43 =	vmul.f32 $6.999999880e-01, v52;
	v31 =	vadd.f32 v20, v31  }
0x244: {  	v26 =	vadd.s32 s8, v9;
	v47 =	vld.idx.msk [tilespmem:v55+s17+$0x0], $0xffff;
	v46 =	vmul.f32 $3.000000120e-01, v54;
	v33 =	vmul.f32 $6.999999880e-01, v33  }
0x245: {  	v48 =	vld.idx.msk [tilespmem:v56+s17+$0x0], $0xffff;
	v36 =	vmul.f32 $3.000000120e-01, v36;
	v29 =	vmul.f32 $6.999999880e-01, v29;
	[tilespmem:s31+$0x20] =	vst v31;
	v31 =	vadd.f32 v43, v38  }
0x246: {  	v32 =	vmul.f32 $6.999999880e-01, v32;
	v60 =	vadd.s32 s2, v13;
	v61 =	vld.idx.msk [tilespmem:v57+s17+$0x0], $0xffff;
	v33 =	vadd.f32 v33, v46  }
0x247: {  	v30 =	vmul.f32 $3.000000120e-01, v30;
	v22 =	vadd.s32 s8, v13;
	v63 =	vld.idx.msk [tilespmem:v58+s17+$0x0], $0xffff;
	v29 =	vadd.f32 v29, v36;
	[tilespmem:s30+$0xFFFFFFC0] =	vst v31  }
0x248: {  	v19 =	vadd.s32 s8, v14;
	v21 =	vadd.s32 s8, v12;
	v28 =	vmul.f32 $6.999999880e-01, v28;
	v50 =	vld.idx.msk [tilespmem:v35+s17+$0x0], $0xffff;
	[tilespmem:s30+$0x50] =	vst v33  }
0x249: {  	v57 =	vmul.f32 $6.999999880e-01, v45;
	v58 =	vadd.s32 s1, v2;
	v31 =	vmul.f32 $3.000000120e-01, v41;
	[tilespmem:s31+$0xFFFFFFA0] =	vst v29;
	v29 =	vld.idx.msk [tilespmem:v37+s17+$0x0], $0xffff  }
0x24a: {  	v28 =	vadd.f32 v28, v30;
	v30 =	vadd.s32 s9, v12;
	v52 =	vadd.s32 s9, v3;
	v51 =	vld.idx.msk [tilespmem:v59+s17+$0x0], $0xffff  }
0x24b: {  	v20 =	vadd.s32 s8, v15;
	v55 =	vadd.s32 s0, v8;
	v31 =	vadd.f32 v57, v31;
	v60 =	vld.idx.msk [tilespmem:v60+s17+$0x0], $0xffff  }
0x24c: {  	s7 =	simm.s32 $0x11C80;
	v46 =	vadd.s32 s9, v2;
	v62 =	vmul.f32 $6.999999880e-01, v48;
	v59 =	vmul.f32 $3.000000120e-01, v47;
	v47 =	vld.idx.msk [tilespmem:v40+s17+$0x0], $0xffff  }
0x24d: {  	v56 =	vadd.s32 s0, v9;
	v44 =	vld.idx.msk [tilespmem:v44+s17+$0x0], $0xffff;
	[tilespmem:s7+$0x0] =	vst v31;
	v31 =	vmul.f32 $3.000000120e-01, v61;
	v63 =	vmul.f32 $6.999999880e-01, v63  }
0x24e: {  	v54 =	vadd.f32 v32, v34;
	v34 =	vadd.s32 s9, v4;
	v32 =	vadd.f32 v62, v59;
	v43 =	vld.idx.msk [tilespmem:v58+s17+$0x0], $0xffff  }
0x24f: {  	[tilespmem:s29+$0xFFFFFFE0] =	vst v28;
	v38 =	vadd.s32 s9, v9;
	v36 =	vadd.s32 s9, v5;
	v61 =	vld.idx.msk [tilespmem:v53+s17+$0x0], $0xffff;
	v31 =	vadd.f32 v63, v31  }
0x250: {  	v40 =	vld.idx.msk [tilespmem:v27+s17+$0x0], $0xffff;
	[tilespmem:s7+$0xFFFFFF80] =	vst v32;
	v63 =	vadd.s32 s2, v14;
	v62 =	vmul.f32 $3.000000120e-01, v51;
	v41 =	vmul.f32 $6.999999880e-01, v60  }
0x251: {  	v33 =	vadd.s32 s9, v6;
	v35 =	vadd.s32 s9, v7;
	v58 =	vadd.s32 s2, v15;
	v46 =	vld.idx.msk [tilespmem:v46+s17+$0x0], $0xffff;
	[tilespmem:s31+$0x30] =	vst v31  }
0x252: {  	v59 =	vmul.f32 $3.000000120e-01, v50;
	v60 =	vmul.f32 $6.999999880e-01, v29;
	v57 =	vld.idx.msk [tilespmem:v55+s17+$0x0], $0xffff;
	v41 =	vadd.f32 v41, v62  }
0x253: {  	v37 =	vadd.s32 s9, v8;
	v27 =	vadd.s32 s9, v14;
	v32 =	vadd.s32 s9, v11;
	v55 =	vld.idx.msk [tilespmem:v56+s17+$0x0], $0xffff  }
0x254: {  	v45 =	vld.idx.msk [tilespmem:v52+s17+$0x0], $0xffff;
	v62 =	vadd.f32 v60, v59;
	v28 =	vmul.f32 $3.000000120e-01, v43;
	v61 =	vmul.f32 $6.999999880e-01, v61;
	[tilespmem:s30+$0x60] =	vst v41  }
0x255: {  	v50 =	vadd.s32 s1, v5;
	v47 =	vmul.f32 $3.000000120e-01, v47;
	v44 =	vmul.f32 $6.999999880e-01, v44;
	v41 =	vld.idx.msk [tilespmem:v63+s17+$0x0], $0xffff  }
0x256: {  	v29 =	vadd.s32 s9, v13;
	v31 =	vadd.s32 s9, v10;
	[tilespmem:s30+$0xFFFFFFD0] =	vst v62;
	v63 =	vadd.f32 v61, v28;
	v43 =	vld.idx.msk [tilespmem:v58+s17+$0x0], $0xffff  }
0x257: {  	[tilespmem:s29+$0x70] =	vst v54;
	s2 =	simm.s32 $0x11C80;
	v48 =	vadd.f32 v44, v47;
	v44 =	vadd.s32 s0, v10;
	v51 =	vmul.f32 $3.000000120e-01, v46;
	v39 =	vld.idx.msk [tilespmem:v39+s17+$0x0], $0xffff  }
0x258: {  	s28 =	sadd.s32 s28, s11;
	s8 =	simm.s32 $0x6;
	v28 =	vadd.s32 s9, v15;
	s9 =	simm.s32 $0x400;
	v42 =	vld.idx.msk [tilespmem:v42+s17+$0x0], $0xffff;
	[tilespmem:s7+$0x10] =	vst v63;
	v46 =	vmul.f32 $3.000000120e-01, v57;
	v47 =	vmul.f32 $6.999999880e-01, v55  }
.LBB2_7:
0x259: {  	s12 =	sand.u32 $0x300, s9;
	s13 =	sadd.s32 $0x80, s9;
	v45 =	vmul.f32 $6.999999880e-01, v45;
	v49 =	vld.idx.msk [tilespmem:v49+s17+$0x0], $0xffff;
	s5 =	sadd.s32 $0x200, s5;
	[tilespmem:s31+$0xFFFFFFB0] =	vst v48;
	v48 =	vadd.s32 s0, v11  }
0x25a: {  	v40 =	vmul.f32 $3.000000120e-01, v40;
	s22 =	sand.u32 $0x7800, s5;
	s13 =	sand.u32 $0x380, s13;
	v50 =	vld.idx.msk [tilespmem:v50+s17+$0x0], $0xffff;
	v46 =	vadd.f32 v47, v46  }
0x25b: {  	s15 =	sor.u32 s12, s22;
	s12 =	sor.u32 s22, s13;
	v45 =	vadd.f32 v45, v51;
	v47 =	vld.idx.msk [tilespmem:v25+s17+$0x0], $0xffff;
	v25 =	vmov v37  }
0x25c: {  	v37 =	vmul.f32 $3.000000120e-01, v41;
	v41 =	vmul.f32 $6.999999880e-01, v43;
	v51 =	vadd.s32 s12, v0;
	v52 =	vld.idx.msk [tilespmem:v26+s17+$0x0], $0xffff;
	[tilespmem:s31+$0x40] =	vst v46;
	v26 =	vmovc v38  }
0x25d: {  	v43 =	vadd.s32 s15, v0;
	v46 =	vadd.s32 s15, v1;
	v53 =	vadd.s32 s12, v1;
	[tilespmem:s7+$0xFFFFFF90] =	vst v45;
	v44 =	vld.idx.msk [tilespmem:v44+s17+$0x0], $0xffff  }
0x25e: {  	v54 =	vadd.s32 s15, v3;
	v45 =	vadd.s32 s15, v2;
	v37 =	vadd.f32 v41, v37;
	v48 =	vld.idx.msk [tilespmem:v48+s17+$0x0], $0xffff  }
0x25f: {  	v38 =	vadd.s32 s15, v5;
	v41 =	vadd.s32 s15, v6;
	v55 =	vld.idx.msk [tilespmem:v34+s17+$0x0], $0xffff;
	v34 =	vadd.s32 s15, v4  }
0x260: {  	v57 =	vadd.s32 s1, v6;
	v49 =	vmul.f32 $3.000000120e-01, v49;
	v50 =	vmul.f32 $6.999999880e-01, v50;
	v56 =	vld.idx.msk [tilespmem:v36+s17+$0x0], $0xffff;
	[tilespmem:s30+$0x70] =	vst v37;
	v36 =	vmovc v38  }
0x261: {  	s8 =	sadd.s32 $0x2, s8;
	v59 =	vadd.s32 s1, v7;
	v58 =	vadd.s32 s15, v7;
	v37 =	vadd.s32 s15, v8;
	v51 =	vld.idx.msk [tilespmem:v51+s17+$0x0], $0xffff  }
0x262: {  	p0 =	slt.u32 s8, $0x6E;
	v38 =	vadd.s32 s15, v9;
	v47 =	vmul.f32 $3.000000120e-01, v47;
	v49 =	vadd.f32 v50, v49;
	v53 =	vld.idx.msk [tilespmem:v53+s17+$0x0], $0xffff  }
0x263: {  	v60 =	vadd.s32 s15, v11;
	v50 =	vadd.s32 s15, v10;
	v52 =	vmul.f32 $6.999999880e-01, v52;
	v43 =	vld.idx.msk [tilespmem:v43+s17+$0x0], $0xffff  }
0x264: {  	v44 =	vmul.f32 $3.000000120e-01, v44;
	v48 =	vmul.f32 $6.999999880e-01, v48;
	v46 =	vld.idx.msk [tilespmem:v46+s17+$0x0], $0xffff;
	[tilespmem:s7+$0x20] =	vst v49;
	v49 =	vadd.s32 s0, v12  }
0x265: {  	v47 =	vadd.f32 v52, v47;
	v52 =	vadd.s32 s0, v13;
	v55 =	vmul.f32 $3.000000120e-01, v55;
	v57 =	vld.idx.msk [tilespmem:v57+s17+$0x0], $0xffff  }
0x266: {  	v61 =	vadd.s32 s15, v12;
	v56 =	vmul.f32 $6.999999880e-01, v56;
	v44 =	vadd.f32 v48, v44;
	v59 =	vld.idx.msk [tilespmem:v59+s17+$0x0], $0xffff  }
0x267: {  	v62 =	vadd.s32 s15, v13;
	v39 =	vmul.f32 $3.000000120e-01, v39;
	v42 =	vmul.f32 $6.999999880e-01, v42;
	[tilespmem:s31+$0xFFFFFFC0] =	vst v47;
	v47 =	vld.idx.msk [tilespmem:v16+s17+$0x0], $0xffff;
	v16 =	vmovc v17;
	v17 =	vmovc v20  }
0x268: {  	v48 =	vmul.f32 $3.000000120e-01, v51;
	v51 =	vmul.f32 $6.999999880e-01, v53;
	v53 =	vadd.s32 s12, v2;
	v63 =	vld.idx.msk [tilespmem:v23+s17+$0x0], $0xffff;
	[tilespmem:s31+$0x50] =	vst v44;
	v23 =	vmovc v31;
	v31 =	vmovc v50  }
0x269: {  	v20 =	vmovc v28;
	v43 =	vmul.f32 $3.000000120e-01, v43;
	v44 =	vadd.s32 s12, v3;
	v50 =	vadd.f32 v56, v55;
	v49 =	vld.idx.msk [tilespmem:v49+s17+$0x0], $0xffff  }
0x26a: {  	v39 =	vadd.f32 v42, v39;
	v46 =	vmul.f32 $6.999999880e-01, v46;
	v48 =	vadd.f32 v51, v48;
	v51 =	vld.idx.msk [tilespmem:v52+s17+$0x0], $0xffff  }
0x26b: {  	v42 =	vadd.s32 s15, v14;
	s7 =	sadd.s32 $0x100, s7;
	v28 =	vadd.s32 s15, v15;
	[tilespmem:s2+$0xFFFFFFA0] =	vst v50;
	v50 =	vld.idx.msk [tilespmem:v24+s17+$0x0], $0xffff;
	v24 =	vmovc v32;
	v32 =	vmov v60  }
0x26c: {  	v56 =	vadd.s32 s1, v8;
	v52 =	vmul.f32 $3.000000120e-01, v57;
	v55 =	vmul.f32 $6.999999880e-01, v59;
	[tilespmem:s7+$0x0] =	vst v48;
	v48 =	vld.idx.msk [tilespmem:v33+s17+$0x0], $0xffff;
	v33 =	vmovc v41  }
0x26d: {  	v41 =	vadd.f32 v46, v43;
	v46 =	vadd.s32 s1, v9;
	v43 =	vld.idx.msk [tilespmem:v53+s17+$0x0], $0xffff;
	[tilespmem:s30+$0xFFFFFFE0] =	vst v39;
	v39 =	vmul.f32 $6.999999880e-01, v47  }
0x26e: {  	v47 =	vadd.f32 v55, v52;
	v52 =	vmul.f32 $3.000000120e-01, v63;
	v44 =	vld.idx.msk [tilespmem:v44+s17+$0x0], $0xffff  }
0x26f: {  	[tilespmem:s7+$0xFFFFFF80] =	vst v41;
	v41 =	vld.idx.msk [tilespmem:v35+s17+$0x0], $0xffff;
	v39 =	vadd.f32 v39, v40;
	v35 =	vmov v58  }
0x270: {  	v40 =	vmul.f32 $3.000000120e-01, v49;
	v53 =	vld.idx.msk [tilespmem:v45+s17+$0x0], $0xffff;
	[tilespmem:s2+$0x30] =	vst v47;
	v45 =	vmul.f32 $6.999999880e-01, v51;
	v47 =	vadd.s32 s0, v14  }
0x271: {  	v49 =	vmul.f32 $6.999999880e-01, v50;
	v55 =	vld.idx.msk [tilespmem:v56+s17+$0x0], $0xffff;
	v56 =	vadd.s32 s0, v15;
	[tilespmem:s29+$0xFFFFFFF0] =	vst v39;
	s0 =	smov.u32 s1;
	s1 =	smov.u32 s12;
	s29 =	smov.u32 s30  }
0x272: {  	v39 =	vmul.f32 $3.000000120e-01, v48;
	s30 =	smov.u32 s31;
	s31 =	smov.u32 s2;
	s2 =	smov.u32 s7;
	v57 =	vld.idx.msk [tilespmem:v46+s17+$0x0], $0xffff;
	v40 =	vadd.f32 v45, v40  }
0x273: {  	v46 =	vadd.f32 v49, v52;
	v43 =	vmul.f32 $3.000000120e-01, v43;
	v45 =	vld.idx.msk [tilespmem:v54+s17+$0x0], $0xffff  }
.Ltmp4:
0x274: {  	v49 =	vadd.s32 s1, v4;
	v44 =	vmul.f32 $6.999999880e-01, v44;
	[tilespmem:s30+$0x60] =	vst v40;
	v40 =	vld.idx.msk [tilespmem:v18+s17+$0x0], $0xffff;
	v18 =	vmovc v19;
	v19 =	vmov v27;
	(pc) =	sbr.rel @p0 .LBB2_7-.Ltmp4, $4  }
0x275: {  	v50 =	vadd.s32 s1, v5;
	v48 =	vmul.f32 $6.999999880e-01, v41;
	v27 =	vmov v42;
	[tilespmem:s30+$0xFFFFFFD0] =	vst v46;
	v41 =	vld.idx.msk [tilespmem:v47+s17+$0x0], $0xffff  }
0x276: {  	v51 =	vmul.f32 $3.000000120e-01, v53;
	v42 =	vadd.f32 v44, v43;
	v43 =	vld.idx.msk [tilespmem:v56+s17+$0x0], $0xffff  }
0x277: {  	v48 =	vadd.f32 v48, v39;
	v39 =	vld.idx.msk [tilespmem:v21+s17+$0x0], $0xffff;
	v21 =	vmov v30;
	v30 =	vmov v61  }
0x278: {  	s9 =	sadd.s32 $0x100, s9;
	v44 =	vadd.s32 s0, v10;
	v46 =	vmul.f32 $3.000000120e-01, v55;
	v47 =	vmul.f32 $6.999999880e-01, v57;
	[tilespmem:s7+$0x10] =	vst v42;
	v42 =	vld.idx.msk [tilespmem:v22+s17+$0x0], $0xffff;
	v22 =	vmovc v29;
	v29 =	vmovc v62  }
0x279: {  	_ = 	snop  }
0x27a: {  	v45 =	vmul.f32 $6.999999880e-01, v45;
	_ =	sdelay $0x1  }
0x27b: {  	v45 =	vadd.f32 v45, v51  }
0x27c: {  	v49 =	vld.idx.msk [tilespmem:v49+s17+$0x0], $0xffff  }
0x27d: {  	v50 =	vld.idx.msk [tilespmem:v50+s17+$0x0], $0xffff;
	[tilespmem:s7+$0xFFFFFF90] =	vst v45  }
0x27e: {  	v34 =	vld.idx.msk [tilespmem:v34+s17+$0x0], $0xffff  }
0x27f: {  	v36 =	vld.idx.msk [tilespmem:v36+s17+$0x0], $0xffff;
	_ =	sdelay $0x2  }
0x280: {  	v57 =	vadd.s32 s1, v6;
	v55 =	vmul.f32 $3.000000120e-01, v49;
	v56 =	vmul.f32 $6.999999880e-01, v50  }
0x281: {  	v58 =	vadd.s32 s1, v7  }
0x282: {  	v45 =	vadd.f32 v56, v55;
	v34 =	vmul.f32 $3.000000120e-01, v34;
	v36 =	vmul.f32 $6.999999880e-01, v36;
	_ =	sdelay $0x1  }
0x283: {  	[tilespmem:s7+$0x20] =	vst v45;
	v34 =	vadd.f32 v36, v34  }
0x284: {  	v45 =	vld.idx.msk [tilespmem:v57+s17+$0x0], $0xffff  }
0x285: {  	v59 =	vld.idx.msk [tilespmem:v58+s17+$0x0], $0xffff;
	[tilespmem:s2+$0xFFFFFFA0] =	vst v34  }
0x286: {  	v33 =	vld.idx.msk [tilespmem:v33+s17+$0x0], $0xffff  }
0x287: {  	v34 =	vld.idx.msk [tilespmem:v35+s17+$0x0], $0xffff;
	_ =	sdelay $0x2  }
0x288: {  	v61 =	vadd.s32 s1, v8;
	[tilespmem:s31+$0xFFFFFFB0] =	vst v48;
	v60 =	vmul.f32 $3.000000120e-01, v45;
	v36 =	vmul.f32 $6.999999880e-01, v59  }
0x289: {  	v62 =	vadd.s32 s1, v9;
	v25 =	vld.idx.msk [tilespmem:v25+s17+$0x0], $0xffff  }
0x28a: {  	v26 =	vld.idx.msk [tilespmem:v26+s17+$0x0], $0xffff;
	v35 =	vadd.f32 v36, v60;
	v33 =	vmul.f32 $3.000000120e-01, v33;
	v34 =	vmul.f32 $6.999999880e-01, v34;
	_ =	sdelay $0x1  }
0x28b: {  	[tilespmem:s2+$0x30] =	vst v35;
	v33 =	vadd.f32 v34, v33  }
0x28c: {  	v35 =	vld.idx.msk [tilespmem:v61+s17+$0x0], $0xffff  }
0x28d: {  	v63 =	vld.idx.msk [tilespmem:v62+s17+$0x0], $0xffff;
	[tilespmem:s2+$0xFFFFFFB0] =	vst v33  }
0x28e: {  	v25 =	vmul.f32 $3.000000120e-01, v25;
	v26 =	vmul.f32 $6.999999880e-01, v26;
	v37 =	vld.idx.msk [tilespmem:v37+s17+$0x0], $0xffff  }
0x28f: {  	v38 =	vld.idx.msk [tilespmem:v38+s17+$0x0], $0xffff  }
0x290: {  	v25 =	vadd.f32 v26, v25  }
0x291: {  	v46 =	vadd.f32 v47, v46;
	v45 =	vadd.s32 s0, v11  }
0x292: {  	v49 =	vadd.s32 s1, v10;
	[tilespmem:s31+$0xFFFFFFC0] =	vst v25;
	v48 =	vmul.f32 $3.000000120e-01, v35;
	v34 =	vmul.f32 $6.999999880e-01, v63  }
0x293: {  	v50 =	vadd.s32 s1, v11;
	v23 =	vld.idx.msk [tilespmem:v23+s17+$0x0], $0xffff  }
0x294: {  	[tilespmem:s31+$0x40] =	vst v46;
	v24 =	vld.idx.msk [tilespmem:v24+s17+$0x0], $0xffff;
	v33 =	vadd.f32 v34, v48;
	v51 =	vmul.f32 $3.000000120e-01, v37;
	v52 =	vmul.f32 $6.999999880e-01, v38  }
0x295: {  	v47 =	vld.idx.msk [tilespmem:v44+s17+$0x0], $0xffff  }
0x296: {  	v36 =	vld.idx.msk [tilespmem:v45+s17+$0x0], $0xffff;
	[tilespmem:s2+$0x40] =	vst v33;
	v34 =	vadd.f32 v52, v51  }
0x297: {  	v33 =	vld.idx.msk [tilespmem:v49+s17+$0x0], $0xffff  }
0x298: {  	v25 =	vld.idx.msk [tilespmem:v50+s17+$0x0], $0xffff;
	[tilespmem:s2+$0xFFFFFFC0] =	vst v34  }
0x299: {  	v23 =	vmul.f32 $3.000000120e-01, v23;
	v24 =	vmul.f32 $6.999999880e-01, v24;
	v31 =	vld.idx.msk [tilespmem:v31+s17+$0x0], $0xffff  }
0x29a: {  	v54 =	vadd.s32 s0, v12;
	v32 =	vld.idx.msk [tilespmem:v32+s17+$0x0], $0xffff  }
0x29b: {  	v26 =	vmul.f32 $3.000000120e-01, v47;
	v23 =	vadd.f32 v24, v23;
	v53 =	vmul.f32 $6.999999880e-01, v36  }
0x29c: {  	v55 =	vadd.s32 s0, v13;
	v57 =	vadd.s32 s1, v12  }
0x29d: {  	[tilespmem:s31+$0xFFFFFFD0] =	vst v23;
	v26 =	vadd.f32 v53, v26;
	v56 =	vmul.f32 $3.000000120e-01, v33;
	v25 =	vmul.f32 $6.999999880e-01, v25  }
0x29e: {  	v59 =	vadd.s32 s1, v13;
	v21 =	vld.idx.msk [tilespmem:v21+s17+$0x0], $0xffff  }
0x29f: {  	v22 =	vld.idx.msk [tilespmem:v22+s17+$0x0], $0xffff;
	[tilespmem:s31+$0x50] =	vst v26;
	v60 =	vadd.f32 v25, v56;
	v61 =	vmul.f32 $3.000000120e-01, v31;
	v62 =	vmul.f32 $6.999999880e-01, v32  }
0x2a0: {  	v58 =	vld.idx.msk [tilespmem:v54+s17+$0x0], $0xffff  }
0x2a1: {  	v34 =	vld.idx.msk [tilespmem:v55+s17+$0x0], $0xffff;
	[tilespmem:s2+$0x50] =	vst v60;
	v24 =	vadd.f32 v62, v61  }
0x2a2: {  	v63 =	vmul.f32 $3.000000120e-01, v39;
	v36 =	vmul.f32 $6.999999880e-01, v42;
	v23 =	vld.idx.msk [tilespmem:v57+s17+$0x0], $0xffff  }
0x2a3: {  	v37 =	vld.idx.msk [tilespmem:v59+s17+$0x0], $0xffff;
	[tilespmem:s2+$0xFFFFFFD0] =	vst v24  }
0x2a4: {  	v21 =	vmul.f32 $3.000000120e-01, v21;
	v22 =	vmul.f32 $6.999999880e-01, v22;
	v44 =	vadd.f32 v36, v63;
	v46 =	vld.idx.msk [tilespmem:v30+s17+$0x0], $0xffff  }
0x2a5: {  	v42 =	vadd.s32 s0, v14;
	v29 =	vld.idx.msk [tilespmem:v29+s17+$0x0], $0xffff  }
0x2a6: {  	v16 =	vld.idx.msk [tilespmem:v16+s17+$0x0], $0xffff;
	v21 =	vadd.f32 v22, v21;
	[tilespmem:s30+$0xFFFFFFE0] =	vst v44;
	v38 =	vmul.f32 $3.000000120e-01, v58;
	v39 =	vmul.f32 $6.999999880e-01, v34  }
0x2a7: {  	v45 =	vadd.s32 s0, v15;
	v18 =	vld.idx.msk [tilespmem:v18+s17+$0x0], $0xffff;
	v49 =	vadd.s32 s1, v14  }
0x2a8: {  	v17 =	vld.idx.msk [tilespmem:v17+s17+$0x0], $0xffff;
	[tilespmem:s31+$0xFFFFFFE0] =	vst v21;
	v47 =	vadd.f32 v39, v38;
	v23 =	vmul.f32 $3.000000120e-01, v23;
	v48 =	vmul.f32 $6.999999880e-01, v37  }
0x2a9: {  	v19 =	vld.idx.msk [tilespmem:v19+s17+$0x0], $0xffff;
	v51 =	vadd.s32 s1, v15  }
0x2aa: {  	v20 =	vld.idx.msk [tilespmem:v20+s17+$0x0], $0xffff;
	[tilespmem:s31+$0x60] =	vst v47;
	v23 =	vadd.f32 v48, v23;
	v52 =	vmul.f32 $3.000000120e-01, v46;
	v53 =	vmul.f32 $6.999999880e-01, v29  }
0x2ab: {  	v50 =	vld.idx.msk [tilespmem:v42+s17+$0x0], $0xffff  }
0x2ac: {  	v25 =	vld.idx.msk [tilespmem:v45+s17+$0x0], $0xffff;
	[tilespmem:s2+$0x60] =	vst v23;
	v21 =	vadd.f32 v53, v52  }
0x2ad: {  	v16 =	vmul.f32 $6.999999880e-01, v16;
	v57 =	vmul.f32 $3.000000120e-01, v40;
	v23 =	vld.idx.msk [tilespmem:v49+s17+$0x0], $0xffff  }
0x2ae: {  	v22 =	vld.idx.msk [tilespmem:v51+s17+$0x0], $0xffff;
	[tilespmem:s2+$0xFFFFFFE0] =	vst v21  }
0x2af: {  	v18 =	vmul.f32 $3.000000120e-01, v18;
	v17 =	vmul.f32 $6.999999880e-01, v17;
	v16 =	vadd.f32 v16, v57;
	v56 =	vld.idx.msk [tilespmem:v27+s17+$0x0], $0xffff  }
0x2b0: {  	v28 =	vld.idx.msk [tilespmem:v28+s17+$0x0], $0xffff  }
0x2b1: {  	v60 =	vmul.f32 $6.999999880e-01, v20;
	[tilespmem:s29+$0xFFFFFFF0] =	vst v16;
	v16 =	vadd.f32 v17, v18;
	v17 =	vmul.f32 $3.000000120e-01, v19  }
0x2b2: {  	v58 =	vmul.f32 $3.000000120e-01, v50;
	v25 =	vmul.f32 $6.999999880e-01, v25  }
0x2b3: {  	v54 =	vmul.f32 $3.000000120e-01, v41;
	v55 =	vmul.f32 $6.999999880e-01, v43;
	[tilespmem:s30+$0xFFFFFFF0] =	vst v16;
	v16 =	vadd.f32 v60, v17  }
0x2b4: {  	v59 =	vadd.f32 v25, v58;
	v23 =	vmul.f32 $3.000000120e-01, v23;
	v22 =	vmul.f32 $6.999999880e-01, v22  }
0x2b5: {  	[tilespmem:s31+$0xFFFFFFF0] =	vst v16;
	v21 =	vadd.f32 v55, v54;
	v62 =	vmul.f32 $3.000000120e-01, v56;
	v63 =	vmul.f32 $6.999999880e-01, v28  }
.Ltmp5:
0x2b6: {  	[tilespmem:s31+$0x70] =	vst v59;
	v61 =	vadd.f32 v22, v23;
	(pc) =	sbr.rel @p1 .LBB2_10-.Ltmp5, $4  }
0x2b7: {  	[tilespmem:s30+$0x70] =	vst v21;
	s30 =	sshll.u32 s28, $0x4;
	v17 =	vadd.f32 v63, v62  }
0x2b8: {  	s0 =	sand.u32 $0x1FFFFF00, s30;
	[tilespmem:s2+$0x70] =	vst v61  }
0x2b9: {  	s0 =	sadd.s32 s3, s0;
	[tilespmem:s2+$0xFFFFFFF0] =	vst v17  }
0x2ba: {  	[hbm4b:s0+s4] =	stream.linear.scatter [tilespmem:s21], [sflag:$0x4], $0x3800, $0x38;
	[tilespmem:$0x18100] =	vst v63  }
.Ltmp6:
0x2bb: {  	(pc) =	sbr.rel .LBB2_4-.Ltmp6, $4  }
0x2bc: {  	_ = 	snop  }
0x2bd: {  	s0 =	sshll.u32 s28, $0x5  }
0x2be: {  	s26 =	sadd.s32 $0x1, s26;
	s0 =	sadd.s32 s0, s10  }
0x2bf: {  	[tilespmem:s17], [sflag:$0x2] =	stream.linear.gather [hbm4b:s0+s4], $0x7000, $0x38;
	[tilespmem:$0x18100] =	vst v63  }
.LBB2_11:
0x2c0: {  	_ =	sfence.sel $0x180000  }
0x2c1: {  	[bflag:$0x0] =	sbarrier.arrive $0xFFFF  }
0x2c2: {  	_ =	strace $0x90000047  }
0x2c3: {  	s0 =	stileid.u32;
	[bflag:$0x2] =	sbarrier.arrive $0xFFFF  }
0x2c4: {  	p0 =	sne.s32 s0, $0x0;
	s0 =	rddreg [dreg:$0x4]  }
0x2c5: {  	s0 =	sadd.s32 @!p0 $0x100000, s0  }
0x2c6: {  	[sflag:s0] =	ssyncadd.tile.s32 @!p0 $0x1;
	_ =	shalt  }
.Lfunc_end2:
_tile_overlayer_lowered:
.L_overlay_start_2:
0x2c7: {  	(tag) =	ssettag $0x2  }
0x2c8: {  	s0 =	rddreg [dreg:$0x0];
	s2 =	stileid.u32  }
0x2c9: {  	s1 =	rddreg [dreg:$0x1];
	p0 =	sne.s32 s2, $0x0  }
0x2ca: {  	s3 =	rddreg [dreg:$0x2];
	[bflag:$0x3] =	sbarrier.arrive $0xFFFF;
	s2 =	simm.s32 @!p0 $0x1C05  }
0x2cb: {  	[timem:s3], [sflag:s2] =	dma.local @!p0 [hbm:s0], s1  }
0x2cc: {  	s0 =	simm.s32 @!p0 $0x5  }
0x2cd: {  	_ =	swait.ge @!p0 [sflag:s0], s1  }
0x2ce: {  	s1 =	ssub.s32 @!p0 $0x0, s1;
	[sflag:s0] =	ssyncset.done @!p0 $0x0  }
0x2cf: {  	[sflag:s0] =	ssyncadd.s32 @!p0 s1  }
0x2d0: {  	[bflag:$0x3] =	sbarrier.arrive $0xFFFF  }
0x2d1: {  	_ =	shalt  }

</sc_bundles>
